<compile_context>
chip_gen: v7x
topology: tpu7x:2x2x1
jax: 0.10.2.dev20260603
libtpu: 0.0.44.dev20260713+nightly
codegen_flags: <defaults>
</compile_context>

<pallas_src>
import functools

import jax
import jax.numpy as jnp
from jax import lax
from jax.experimental import pallas as pl
from jax.experimental.pallas import tpu as pltpu
from jax.experimental.pallas import tpu_sc as plsc

DIM = 64
CH = 128
Q = 4
BLK4 = 1600


def _sc_gather(idx2, table):
    info = plsc.get_sparse_core_info()
    nw = info.num_cores * info.num_subcores
    n_row = idx2.shape[0]
    b_per_w = n_row * CH // nw
    rows_w = b_per_w // CH
    n_ch = b_per_w // CH
    n = nw * b_per_w
    half = b_per_w // 2
    b4 = b_per_w // 4
    n_grp = b_per_w // 16
    slab = next(s for s in range(1024, 0, -CH) if b_per_w % s == 0)
    n_slab = b_per_w // slab
    k = slab // CH

    mesh = plsc.VectorSubcoreMesh(core_axis_name="c", subcore_axis_name="s")

    @functools.partial(
        pl.kernel,
        mesh=mesh,
        out_type=jax.ShapeDtypeStruct((n, DIM), jnp.float32),
        scratch_types=[
            pltpu.VMEM((rows_w, CH), jnp.int32),
            pltpu.VMEM((n_ch, CH), jnp.int32),
            pltpu.VMEM((slab, DIM), jnp.float32),
            pltpu.SemaphoreType.DMA,
        ],
        compiler_params=pltpu.CompilerParams(use_tc_tiling_on_sc=False,
                                             needs_layout_passes=False),
    )
    def kern(idx_hbm, table_hbm, out_hbm, idx_v, idx_p, rows_v, sem):
        wid = lax.axis_index("s") * info.num_cores + lax.axis_index("c")
        base = wid * b_per_w
        pltpu.sync_copy(idx_hbm.at[pl.ds(wid * rows_w, rows_w)], idx_v)

        lane = lax.iota(jnp.int32, 16)
        patt = (lane >> 1) + (lane & 1) * b4

        def permute(g, carry):
            u0 = g * 16
            a = u0 // half
            j0 = (u0 % half) // 2
            p = patt + (a * half + j0)
            v = plsc.load_gather(idx_v, [p >> 7, p & (CH - 1)])
            idx_p[g // 8, pl.ds((g % 8) * 16, 16)] = v
            return carry

        lax.fori_loop(0, n_grp, permute, 0)

        def body(s, carry):
            cops = []
            for j in range(k):
                cop = pltpu.async_copy(
                    table_hbm.at[idx_p.at[s * k + j]],
                    rows_v.at[pl.ds(j * CH, CH)],
                    sem,
                )
                cops.append(cop)
            for cop in cops:
                cop.wait()
            pltpu.sync_copy(rows_v, out_hbm.at[pl.ds(base + s * slab, slab)])
            return carry

        lax.fori_loop(0, n_slab, body, 0)

    return kern(idx2, table)


def _pack4(w):
    z = jnp.zeros((DIM, DIM), jnp.float32)
    rows = []
    for i in range(4):
        blocks = [w if j == i else z for j in range(4)]
        rows.append(jnp.concatenate(blocks, axis=1))
    return jnp.concatenate(rows, axis=0).astype(jnp.bfloat16)


def _tc_forward(emb2, weights, out_buf, blk0, n_total):
    n2 = emb2.shape[0]
    grid = n2 // (2 * BLK4)

    def body(xa_ref, xb_ref, wp_ref, wg0_ref, bg0_ref, wt0_ref, bt0_ref,
             wg1_ref, bg1_ref, wt1_ref, bt1_ref, *rest):
        o_ref = rest[-1]
        x4 = jnp.concatenate([xa_ref[...], xb_ref[...]], axis=1)
        h = jnp.dot(x4.astype(jnp.bfloat16), wp_ref[...],
                    preferred_element_type=jnp.float32)
        for wg, bg, wt, bt in ((wg0_ref, bg0_ref, wt0_ref, bt0_ref),
                               (wg1_ref, bg1_ref, wt1_ref, bt1_ref)):
            hb = h.astype(jnp.bfloat16)
            z = jnp.dot(hb, wg[...], preferred_element_type=jnp.float32) + bg[...]
            g = 1.0 / (1.0 + jnp.exp(-z))
            t = jnp.maximum(
                jnp.dot(hb, wt[...], preferred_element_type=jnp.float32)
                + bt[...], 0.0)
            h = g * t + (1.0 - g) * h
        o_ref[...] = jnp.concatenate(
            [h[:, c * DIM:(c + 1) * DIM] for c in range(4)], axis=0)

    w_spec = pl.BlockSpec((4 * DIM, 4 * DIM), lambda i: (0, 0))
    b_spec = pl.BlockSpec((1, 4 * DIM), lambda i: (0, 0))
    in_specs = [
        pl.BlockSpec((BLK4, 2 * DIM), lambda i: (2 * i, 0)),
        pl.BlockSpec((BLK4, 2 * DIM), lambda i: (2 * i + 1, 0)),
        w_spec, w_spec, b_spec, w_spec, b_spec,
        w_spec, b_spec, w_spec, b_spec,
    ]
    operands = [emb2, emb2, *weights]
    io_alias = {}
    if out_buf is not None:
        in_specs.append(pl.BlockSpec(memory_space=pl.ANY))
        operands.append(out_buf)
        io_alias = {len(operands) - 1: 0}

    return pl.pallas_call(
        body,
        grid=(grid,),
        in_specs=in_specs,
        out_specs=pl.BlockSpec((4 * BLK4, DIM), lambda i: (blk0 + i, 0)),
        out_shape=jax.ShapeDtypeStruct((n_total, DIM), jnp.float32),
        input_output_aliases=io_alias,
    )(*operands)


def kernel(x, word_vectors, W_proj, Wt0, bt0, Wg0, bg0, Wt1, bt1, Wg1, bg1):
    b, l = x.shape
    n = b * l
    per = n // Q
    nw = 32
    idx_flat = x.reshape(-1).astype(jnp.int32)
    idx4 = idx_flat.reshape(Q, per // CH, CH)

    def d4(v):
        return jnp.concatenate([v, v, v, v]).reshape(1, 4 * DIM)

    weights = (
        _pack4(W_proj.T),
        _pack4(Wg0.T), d4(bg0), _pack4(Wt0.T), d4(bt0),
        _pack4(Wg1.T), d4(bg1), _pack4(Wt1.T), d4(bt1),
    )

    embs = [_sc_gather(idx4[q], word_vectors) for q in range(Q)]
    out = None
    for q in range(Q):
        emb2 = embs[q].reshape(per // 2, 2 * DIM)
        out = _tc_forward(emb2, weights, out, q * (per // (4 * BLK4)), n)
    return out.reshape(b, l, DIM)

# --- scband reference (transcript-rebuilt; emitter-appended) ---
"""Pipeline reference for scband-word-embedding-56461640073679 (READ-ONLY COPY).

The authoritative reference and input builder live on the scoring server;
editing this copy changes nothing except your own understanding.
"""

import jax, jax.numpy as jnp
import numpy as np

VOCAB = 1000000
DIM = 64
H = 64
B = 4096
L = 200


def setup_inputs(seed: int = 0) -> dict:
    key = jax.random.key(seed)
    ks = jax.random.split(key, 12)
    x = jax.random.randint(ks[0], (B, L), 0, VOCAB, dtype=jnp.int64 if jax.config.jax_enable_x64 else jnp.int32)
    word_vectors = jax.random.normal(ks[1], (VOCAB, DIM), dtype=jnp.float32) * 0.02
    W_proj = jax.random.normal(ks[2], (H, DIM), dtype=jnp.float32) * (1.0 / np.sqrt(DIM))
    Wt0 = jax.random.normal(ks[3], (H, H), dtype=jnp.float32) * (1.0 / np.sqrt(H))
    bt0 = jnp.zeros((H,), dtype=jnp.float32)
    Wg0 = jax.random.normal(ks[4], (H, H), dtype=jnp.float32) * (1.0 / np.sqrt(H))
    bg0 = jnp.zeros((H,), dtype=jnp.float32)
    Wt1 = jax.random.normal(ks[5], (H, H), dtype=jnp.float32) * (1.0 / np.sqrt(H))
    bt1 = jnp.zeros((H,), dtype=jnp.float32)
    Wg1 = jax.random.normal(ks[6], (H, H), dtype=jnp.float32) * (1.0 / np.sqrt(H))
    bg1 = jnp.zeros((H,), dtype=jnp.float32)
    return {"x": x, "word_vectors": word_vectors, "W_proj": W_proj,
            "Wt0": Wt0, "bt0": bt0, "Wg0": Wg0, "bg0": bg0,
            "Wt1": Wt1, "bt1": bt1, "Wg1": Wg1, "bg1": bg1}


def reference(x, word_vectors, W_proj, Wt0, bt0, Wg0, bg0, Wt1, bt1, Wg1, bg1):
    # Embedding lookup (frozen pretrained table) -> [B, L, DIM]
    emb = jnp.take(word_vectors, x, axis=0)
    # Dropout is identity in eval mode (training=False)
    # Projection (no bias): [B, L, H]
    emb = emb @ W_proj.T
    # 2-layer Highway encoder
    for (Wg, bg, Wt, bt) in ((Wg0, bg0, Wt0, bt0), (Wg1, bg1, Wt1, bt1)):
        g = jax.nn.sigmoid(emb @ Wg.T + bg)
        t = jax.nn.relu(emb @ Wt.T + bt)
        emb = g * t + (1.0 - g) * emb
    return emb

if __name__ == "__main__":
    import jax
    _d = setup_inputs()
    print(jax.jit(kernel)(*tuple(_d.values())))

</pallas_src>

<mosaic_0001>
#map = affine_map<(d0, d1) -> (0, 0)>
module attributes {stable_mosaic.version = 14 : i64} {
  func.func @kern(%arg0: i32, %arg1: i32, %arg2: memref<1600x128xi32, #tpu.memory_space<hbm>>, %arg3: memref<1000000x64xf32, #tpu.memory_space<hbm>>, %arg4: memref<204800x64xf32, #tpu.memory_space<hbm>>, %arg5: memref<50x128xi32, #tpu.memory_space<vmem>>, %arg6: memref<50x128xi32, #tpu.memory_space<vmem>>, %arg7: memref<640x64xf32, #tpu.memory_space<vmem>>, %arg8: memref<!tpu.dma_semaphore, #tpu.memory_space<semaphore_mem>>) attributes {dimension_semantics = [#tpu.dimension_semantics<core_parallel>, #tpu.dimension_semantics<subcore_parallel>], iteration_bounds = array<i64: 2, 16>, scalar_prefetch = 0 : i64, scratch_operands = 4 : i64, tpu.core_type = #tpu.core_type<sc_vector_subcore>, window_params = [{transform_indices = #map}, {transform_indices = #map}, {transform_indices = #map}]} {
    %mul3A = arith.constant 2 : i32
    %mul3A_0 = arith.muli %arg1, %mul3A : i32
    %add3A = arith.addi %mul3A_0, %arg0 : i32
    %mul3A_1 = arith.constant 6400 : i32
    %mul3A_2 = arith.muli %add3A, %mul3A_1 : i32
    %mul3A_3 = arith.constant 50 : i32
    %mul3A_4 = arith.muli %add3A, %mul3A_3 : i32
    "tpu.region"() ({
      %run_scoped3A = tpu.sem_alloc : memref<!tpu.dma_semaphore, #tpu.memory_space<semaphore_mem>>
      %dma_start3A = arith.constant 0 : i32
      %dma_start3A_24 = tpu.memref_slice %arg2[%mul3A_4, %dma_start3A] : memref<1600x128xi32, #tpu.memory_space<hbm>> -> memref<50x128xi32, #tpu.memory_space<hbm>>
      %dma_start3A_25 = arith.constant 0 : i32
      %dma_start3A_26 = tpu.memref_slice %arg2[%mul3A_4, %dma_start3A_25] : memref<1600x128xi32, #tpu.memory_space<hbm>> -> memref<50x128xi32, #tpu.memory_space<hbm>>
      tpu.enqueue_dma source(%dma_start3A_26 : memref<50x128xi32, #tpu.memory_space<hbm>>) target(%arg5 : memref<50x128xi32, #tpu.memory_space<vmem>>) target_semaphore(%run_scoped3A : memref<!tpu.dma_semaphore, #tpu.memory_space<semaphore_mem>>)
      %dma_wait3A = arith.constant 0 : i32
      %dma_wait3A_27 = tpu.memref_slice %arg2[%mul3A_4, %dma_wait3A] : memref<1600x128xi32, #tpu.memory_space<hbm>> -> memref<50x128xi32, #tpu.memory_space<hbm>>
      %dma_wait3A_28 = arith.constant 0 : i32
      %dma_wait3A_29 = tpu.memref_slice %arg2[%mul3A_4, %dma_wait3A_28] : memref<1600x128xi32, #tpu.memory_space<hbm>> -> memref<50x128xi32, #tpu.memory_space<hbm>>
      tpu.wait_dma2 semaphore(%run_scoped3A : memref<!tpu.dma_semaphore, #tpu.memory_space<semaphore_mem>>) src(%dma_wait3A_29 : memref<50x128xi32, #tpu.memory_space<hbm>>) dst(%arg5 : memref<50x128xi32, #tpu.memory_space<vmem>>)
      tpu.yield
    }) : () -> ()
    %iota3A = tpu.iota {dimensions = array<i32: 0>} : vector<16xi32>
    %shift_right_arithmetic3A = arith.constant 1 : i32
    %shift_right_arithmetic3A_5 = vector.broadcast %shift_right_arithmetic3A : i32 to vector<16xi32>
    %shift_right_arithmetic3A_6 = arith.shrsi %iota3A, %shift_right_arithmetic3A_5 : vector<16xi32>
    %and3A = arith.constant 1 : i32
    %and3A_7 = vector.broadcast %and3A : i32 to vector<16xi32>
    %and3A_8 = arith.andi %iota3A, %and3A_7 : vector<16xi32>
    %mul3A_9 = arith.constant 1600 : i32
    %mul3A_10 = vector.broadcast %mul3A_9 : i32 to vector<16xi32>
    %mul3A_11 = arith.muli %and3A_8, %mul3A_10 : vector<16xi32>
    %add3A_12 = arith.addi %shift_right_arithmetic3A_6, %mul3A_11 : vector<16xi32>
    %scan3A = arith.constant 0 : i32
    %scan3A_13 = arith.constant 0 : i32
    %scan3A_14 = arith.constant 400 : i32
    %scan3A_15 = arith.addi %scan3A_13, %scan3A_14 : i32
    %scan3A_16 = arith.constant 1 : i32
    scf.for %scan3A_24 = %scan3A_13 to %scan3A_15 step %scan3A_16  : i32 {
      %mul3A_25 = arith.constant 16 : i32
      %mul3A_26 = arith.muli %scan3A_24, %mul3A_25 : i32
      %jit3A = arith.constant 3200 : i32
      %div3A = arith.divsi %mul3A_26, %jit3A : i32
      %sign3A = arith.constant 0 : i32
      %sign3A_27 = arith.cmpi sgt, %mul3A_26, %sign3A : i32
      %sign3A_28 = arith.extui %sign3A_27 : i1 to i32
      %sign3A_29 = arith.constant 0 : i32
      %sign3A_30 = arith.cmpi slt, %mul3A_26, %sign3A_29 : i32
      %sign3A_31 = arith.extui %sign3A_30 : i1 to i32
      %sign3A_32 = arith.subi %sign3A_28, %sign3A_31 : i32
      %sign3A_33 = arith.constant 0 : i32
      %sign3A_34 = arith.cmpi sgt, %jit3A, %sign3A_33 : i32
      %sign3A_35 = arith.extui %sign3A_34 : i1 to i32
      %sign3A_36 = arith.constant 0 : i32
      %sign3A_37 = arith.cmpi slt, %jit3A, %sign3A_36 : i32
      %sign3A_38 = arith.extui %sign3A_37 : i1 to i32
      %sign3A_39 = arith.subi %sign3A_35, %sign3A_38 : i32
      %ne3A = arith.cmpi ne, %sign3A_32, %sign3A_39 : i32
      %rem3A = arith.remsi %mul3A_26, %jit3A : i32
      %ne3A_40 = arith.constant 0 : i32
      %ne3A_41 = arith.cmpi ne, %rem3A, %ne3A_40 : i32
      %and3A_42 = arith.andi %ne3A, %ne3A_41 : i1
      %sub3A = arith.constant 1 : i32
      %sub3A_43 = arith.subi %div3A, %sub3A : i32
      %select_n3A = arith.select %and3A_42, %sub3A_43, %div3A : i32
      %jit3A_44 = arith.constant 3200 : i32
      %eq3A = arith.constant 0 : i32
      %eq3A_45 = arith.cmpi eq, %jit3A_44, %eq3A : i32
      %jit3A_46 = arith.constant 1 : i32
      %select_n3A_47 = arith.select %eq3A_45, %jit3A_46, %jit3A_44 : i32
      %rem3A_48 = arith.remsi %mul3A_26, %select_n3A_47 : i32
      %ne3A_49 = arith.constant 0 : i32
      %ne3A_50 = arith.cmpi ne, %rem3A_48, %ne3A_49 : i32
      %lt3A = arith.constant 0 : i32
      %lt3A_51 = arith.cmpi slt, %rem3A_48, %lt3A : i32
      %lt3A_52 = arith.constant 0 : i32
      %lt3A_53 = arith.cmpi slt, %select_n3A_47, %lt3A_52 : i32
      %ne3A_54 = arith.xori %lt3A_51, %lt3A_53 : i1
      %and3A_55 = arith.andi %ne3A_54, %ne3A_50 : i1
      %add3A_56 = arith.addi %rem3A_48, %select_n3A_47 : i32
      %select_n3A_57 = arith.select %and3A_55, %add3A_56, %rem3A_48 : i32
      %jit3A_58 = arith.constant 2 : i32
      %div3A_59 = arith.divsi %select_n3A_57, %jit3A_58 : i32
      %sign3A_60 = arith.constant 0 : i32
      %sign3A_61 = arith.cmpi sgt, %select_n3A_57, %sign3A_60 : i32
      %sign3A_62 = arith.extui %sign3A_61 : i1 to i32
      %sign3A_63 = arith.constant 0 : i32
      %sign3A_64 = arith.cmpi slt, %select_n3A_57, %sign3A_63 : i32
      %sign3A_65 = arith.extui %sign3A_64 : i1 to i32
      %sign3A_66 = arith.subi %sign3A_62, %sign3A_65 : i32
      %sign3A_67 = arith.constant 0 : i32
      %sign3A_68 = arith.cmpi sgt, %jit3A_58, %sign3A_67 : i32
      %sign3A_69 = arith.extui %sign3A_68 : i1 to i32
      %sign3A_70 = arith.constant 0 : i32
      %sign3A_71 = arith.cmpi slt, %jit3A_58, %sign3A_70 : i32
      %sign3A_72 = arith.extui %sign3A_71 : i1 to i32
      %sign3A_73 = arith.subi %sign3A_69, %sign3A_72 : i32
      %ne3A_74 = arith.cmpi ne, %sign3A_66, %sign3A_73 : i32
      %rem3A_75 = arith.remsi %select_n3A_57, %jit3A_58 : i32
      %ne3A_76 = arith.constant 0 : i32
      %ne3A_77 = arith.cmpi ne, %rem3A_75, %ne3A_76 : i32
      %and3A_78 = arith.andi %ne3A_74, %ne3A_77 : i1
      %sub3A_79 = arith.constant 1 : i32
      %sub3A_80 = arith.subi %div3A_59, %sub3A_79 : i32
      %select_n3A_81 = arith.select %and3A_78, %sub3A_80, %div3A_59 : i32
      %mul3A_82 = arith.constant 3200 : i32
      %mul3A_83 = arith.muli %select_n3A, %mul3A_82 : i32
      %add3A_84 = arith.addi %mul3A_83, %select_n3A_81 : i32
      %add3A_85 = vector.broadcast %add3A_84 : i32 to vector<16xi32>
      %add3A_86 = arith.addi %add3A_12, %add3A_85 : vector<16xi32>
      %shift_right_arithmetic3A_87 = arith.constant 7 : i32
      %shift_right_arithmetic3A_88 = vector.broadcast %shift_right_arithmetic3A_87 : i32 to vector<16xi32>
      %shift_right_arithmetic3A_89 = arith.shrsi %add3A_86, %shift_right_arithmetic3A_88 : vector<16xi32>
      %and3A_90 = arith.constant 127 : i32
      %and3A_91 = vector.broadcast %and3A_90 : i32 to vector<16xi32>
      %and3A_92 = arith.andi %add3A_86, %and3A_91 : vector<16xi32>
      %gather3A = tpu.vector_load_idx %arg5[%shift_right_arithmetic3A_89, %and3A_92] : memref<50x128xi32, #tpu.memory_space<vmem>>[vector<16xi32>, vector<16xi32>], vector<16xi32>,
      %jit3A_93 = arith.constant 8 : i32
      %div3A_94 = arith.divsi %scan3A_24, %jit3A_93 : i32
      %sign3A_95 = arith.constant 0 : i32
      %sign3A_96 = arith.cmpi sgt, %scan3A_24, %sign3A_95 : i32
      %sign3A_97 = arith.extui %sign3A_96 : i1 to i32
      %sign3A_98 = arith.constant 0 : i32
      %sign3A_99 = arith.cmpi slt, %scan3A_24, %sign3A_98 : i32
      %sign3A_100 = arith.extui %sign3A_99 : i1 to i32
      %sign3A_101 = arith.subi %sign3A_97, %sign3A_100 : i32
      %sign3A_102 = arith.constant 0 : i32
      %sign3A_103 = arith.cmpi sgt, %jit3A_93, %sign3A_102 : i32
      %sign3A_104 = arith.extui %sign3A_103 : i1 to i32
      %sign3A_105 = arith.constant 0 : i32
      %sign3A_106 = arith.cmpi slt, %jit3A_93, %sign3A_105 : i32
      %sign3A_107 = arith.extui %sign3A_106 : i1 to i32
      %sign3A_108 = arith.subi %sign3A_104, %sign3A_107 : i32
      %ne3A_109 = arith.cmpi ne, %sign3A_101, %sign3A_108 : i32
      %rem3A_110 = arith.remsi %scan3A_24, %jit3A_93 : i32
      %ne3A_111 = arith.constant 0 : i32
      %ne3A_112 = arith.cmpi ne, %rem3A_110, %ne3A_111 : i32
      %and3A_113 = arith.andi %ne3A_109, %ne3A_112 : i1
      %sub3A_114 = arith.constant 1 : i32
      %sub3A_115 = arith.subi %div3A_94, %sub3A_114 : i32
      %select_n3A_116 = arith.select %and3A_113, %sub3A_115, %div3A_94 : i32
      %jit3A_117 = arith.constant 8 : i32
      %eq3A_118 = arith.constant 0 : i32
      %eq3A_119 = arith.cmpi eq, %jit3A_117, %eq3A_118 : i32
      %jit3A_120 = arith.constant 1 : i32
      %select_n3A_121 = arith.select %eq3A_119, %jit3A_120, %jit3A_117 : i32
      %rem3A_122 = arith.remsi %scan3A_24, %select_n3A_121 : i32
      %ne3A_123 = arith.constant 0 : i32
      %ne3A_124 = arith.cmpi ne, %rem3A_122, %ne3A_123 : i32
      %lt3A_125 = arith.constant 0 : i32
      %lt3A_126 = arith.cmpi slt, %rem3A_122, %lt3A_125 : i32
      %lt3A_127 = arith.constant 0 : i32
      %lt3A_128 = arith.cmpi slt, %select_n3A_121, %lt3A_127 : i32
      %ne3A_129 = arith.xori %lt3A_126, %lt3A_128 : i1
      %and3A_130 = arith.andi %ne3A_129, %ne3A_124 : i1
      %add3A_131 = arith.addi %rem3A_122, %select_n3A_121 : i32
      %select_n3A_132 = arith.select %and3A_130, %add3A_131, %rem3A_122 : i32
      %mul3A_133 = arith.constant 16 : i32
      %mul3A_134 = arith.muli %select_n3A_132, %mul3A_133 : i32
      %swap3A = arith.index_cast %select_n3A_116 : i32 to index
      %swap3A_135 = arith.index_cast %mul3A_134 : i32 to index
      %swap3A_136 = tpu.vector_load %arg6[%swap3A, %swap3A_135] {strides = array<i32>} : memref<50x128xi32, #tpu.memory_space<vmem>>, vector<16xi32>,
      tpu.vector_store %arg6[%swap3A, %swap3A_135], %gather3A {strides = array<i32>} : memref<50x128xi32, #tpu.memory_space<vmem>>, vector<16xi32>,
    }
    %scan3A_17 = arith.constant 400 : i32
    %scan3A_18 = arith.constant 0 : i32
    %scan3A_19 = arith.constant 0 : i32
    %scan3A_20 = arith.constant 10 : i32
    %scan3A_21 = arith.addi %scan3A_19, %scan3A_20 : i32
    %scan3A_22 = arith.constant 1 : i32
    scf.for %scan3A_24 = %scan3A_19 to %scan3A_21 step %scan3A_22  : i32 {
      %mul3A_25 = arith.constant 5 : i32
      %mul3A_26 = arith.muli %scan3A_24, %mul3A_25 : i32
      %add3A_27 = arith.constant 0 : i32
      %add3A_28 = arith.addi %mul3A_26, %add3A_27 : i32
      %dma_start3A = arith.constant 0 : i32
      %dma_start3A_29 = arith.constant 0 : i32
      %dma_start3A_30 = tpu.memref_slice %arg7[%dma_start3A, %dma_start3A_29] : memref<640x64xf32, #tpu.memory_space<vmem>> -> memref<128x64xf32, #tpu.memory_space<vmem>>
      %dma_start3A_31 = arith.constant 0 : i32
      %dma_start3A_32 = tpu.memref_slice %arg6[%add3A_28, %dma_start3A_31] : memref<50x128xi32, #tpu.memory_space<vmem>> -> memref<1x128xi32, #tpu.memory_space<vmem>>
      %dma_start3A_33 = tpu.memref_squeeze %dma_start3A_32 : memref<1x128xi32, #tpu.memory_space<vmem>> -> memref<128xi32, #tpu.memory_space<vmem>>
      %dma_start3A_34 = arith.constant 0 : i32
      %dma_start3A_35 = arith.constant 0 : i32
      %dma_start3A_36 = tpu.memref_slice %arg3[%dma_start3A_34, %dma_start3A_35] : memref<1000000x64xf32, #tpu.memory_space<hbm>> -> memref<1000000x64xf32, #tpu.memory_space<hbm>>
      tpu.enqueue_indirect_dma source(%dma_start3A_36 : memref<1000000x64xf32, #tpu.memory_space<hbm>>) target(%dma_start3A_30 : memref<128x64xf32, #tpu.memory_space<vmem>>) offsets(%dma_start3A_33 : memref<128xi32, #tpu.memory_space<vmem>>) semaphore(%arg8 : memref<!tpu.dma_semaphore, #tpu.memory_space<semaphore_mem>>)
      %mul3A_37 = arith.constant 5 : i32
      %mul3A_38 = arith.muli %scan3A_24, %mul3A_37 : i32
      %add3A_39 = arith.constant 1 : i32
      %add3A_40 = arith.addi %mul3A_38, %add3A_39 : i32
      %dma_start3A_41 = arith.constant 128 : i32
      %dma_start3A_42 = arith.constant 0 : i32
      %dma_start3A_43 = tpu.memref_slice %arg7[%dma_start3A_41, %dma_start3A_42] : memref<640x64xf32, #tpu.memory_space<vmem>> -> memref<128x64xf32, #tpu.memory_space<vmem>>
      %dma_start3A_44 = arith.constant 0 : i32
      %dma_start3A_45 = tpu.memref_slice %arg6[%add3A_40, %dma_start3A_44] : memref<50x128xi32, #tpu.memory_space<vmem>> -> memref<1x128xi32, #tpu.memory_space<vmem>>
      %dma_start3A_46 = tpu.memref_squeeze %dma_start3A_45 : memref<1x128xi32, #tpu.memory_space<vmem>> -> memref<128xi32, #tpu.memory_space<vmem>>
      %dma_start3A_47 = arith.constant 0 : i32
      %dma_start3A_48 = arith.constant 0 : i32
      %dma_start3A_49 = tpu.memref_slice %arg3[%dma_start3A_47, %dma_start3A_48] : memref<1000000x64xf32, #tpu.memory_space<hbm>> -> memref<1000000x64xf32, #tpu.memory_space<hbm>>
      tpu.enqueue_indirect_dma source(%dma_start3A_49 : memref<1000000x64xf32, #tpu.memory_space<hbm>>) target(%dma_start3A_43 : memref<128x64xf32, #tpu.memory_space<vmem>>) offsets(%dma_start3A_46 : memref<128xi32, #tpu.memory_space<vmem>>) semaphore(%arg8 : memref<!tpu.dma_semaphore, #tpu.memory_space<semaphore_mem>>)
      %mul3A_50 = arith.constant 5 : i32
      %mul3A_51 = arith.muli %scan3A_24, %mul3A_50 : i32
      %add3A_52 = arith.constant 2 : i32
      %add3A_53 = arith.addi %mul3A_51, %add3A_52 : i32
      %dma_start3A_54 = arith.constant 256 : i32
      %dma_start3A_55 = arith.constant 0 : i32
      %dma_start3A_56 = tpu.memref_slice %arg7[%dma_start3A_54, %dma_start3A_55] : memref<640x64xf32, #tpu.memory_space<vmem>> -> memref<128x64xf32, #tpu.memory_space<vmem>>
      %dma_start3A_57 = arith.constant 0 : i32
      %dma_start3A_58 = tpu.memref_slice %arg6[%add3A_53, %dma_start3A_57] : memref<50x128xi32, #tpu.memory_space<vmem>> -> memref<1x128xi32, #tpu.memory_space<vmem>>
      %dma_start3A_59 = tpu.memref_squeeze %dma_start3A_58 : memref<1x128xi32, #tpu.memory_space<vmem>> -> memref<128xi32, #tpu.memory_space<vmem>>
      %dma_start3A_60 = arith.constant 0 : i32
      %dma_start3A_61 = arith.constant 0 : i32
      %dma_start3A_62 = tpu.memref_slice %arg3[%dma_start3A_60, %dma_start3A_61] : memref<1000000x64xf32, #tpu.memory_space<hbm>> -> memref<1000000x64xf32, #tpu.memory_space<hbm>>
      tpu.enqueue_indirect_dma source(%dma_start3A_62 : memref<1000000x64xf32, #tpu.memory_space<hbm>>) target(%dma_start3A_56 : memref<128x64xf32, #tpu.memory_space<vmem>>) offsets(%dma_start3A_59 : memref<128xi32, #tpu.memory_space<vmem>>) semaphore(%arg8 : memref<!tpu.dma_semaphore, #tpu.memory_space<semaphore_mem>>)
      %mul3A_63 = arith.constant 5 : i32
      %mul3A_64 = arith.muli %scan3A_24, %mul3A_63 : i32
      %add3A_65 = arith.constant 3 : i32
      %add3A_66 = arith.addi %mul3A_64, %add3A_65 : i32
      %dma_start3A_67 = arith.constant 384 : i32
      %dma_start3A_68 = arith.constant 0 : i32
      %dma_start3A_69 = tpu.memref_slice %arg7[%dma_start3A_67, %dma_start3A_68] : memref<640x64xf32, #tpu.memory_space<vmem>> -> memref<128x64xf32, #tpu.memory_space<vmem>>
      %dma_start3A_70 = arith.constant 0 : i32
      %dma_start3A_71 = tpu.memref_slice %arg6[%add3A_66, %dma_start3A_70] : memref<50x128xi32, #tpu.memory_space<vmem>> -> memref<1x128xi32, #tpu.memory_space<vmem>>
      %dma_start3A_72 = tpu.memref_squeeze %dma_start3A_71 : memref<1x128xi32, #tpu.memory_space<vmem>> -> memref<128xi32, #tpu.memory_space<vmem>>
      %dma_start3A_73 = arith.constant 0 : i32
      %dma_start3A_74 = arith.constant 0 : i32
      %dma_start3A_75 = tpu.memref_slice %arg3[%dma_start3A_73, %dma_start3A_74] : memref<1000000x64xf32, #tpu.memory_space<hbm>> -> memref<1000000x64xf32, #tpu.memory_space<hbm>>
      tpu.enqueue_indirect_dma source(%dma_start3A_75 : memref<1000000x64xf32, #tpu.memory_space<hbm>>) target(%dma_start3A_69 : memref<128x64xf32, #tpu.memory_space<vmem>>) offsets(%dma_start3A_72 : memref<128xi32, #tpu.memory_space<vmem>>) semaphore(%arg8 : memref<!tpu.dma_semaphore, #tpu.memory_space<semaphore_mem>>)
      %mul3A_76 = arith.constant 5 : i32
      %mul3A_77 = arith.muli %scan3A_24, %mul3A_76 : i32
      %add3A_78 = arith.constant 4 : i32
      %add3A_79 = arith.addi %mul3A_77, %add3A_78 : i32
      %dma_start3A_80 = arith.constant 512 : i32
      %dma_start3A_81 = arith.constant 0 : i32
      %dma_start3A_82 = tpu.memref_slice %arg7[%dma_start3A_80, %dma_start3A_81] : memref<640x64xf32, #tpu.memory_space<vmem>> -> memref<128x64xf32, #tpu.memory_space<vmem>>
      %dma_start3A_83 = arith.constant 0 : i32
      %dma_start3A_84 = tpu.memref_slice %arg6[%add3A_79, %dma_start3A_83] : memref<50x128xi32, #tpu.memory_space<vmem>> -> memref<1x128xi32, #tpu.memory_space<vmem>>
      %dma_start3A_85 = tpu.memref_squeeze %dma_start3A_84 : memref<1x128xi32, #tpu.memory_space<vmem>> -> memref<128xi32, #tpu.memory_space<vmem>>
      %dma_start3A_86 = arith.constant 0 : i32
      %dma_start3A_87 = arith.constant 0 : i32
      %dma_start3A_88 = tpu.memref_slice %arg3[%dma_start3A_86, %dma_start3A_87] : memref<1000000x64xf32, #tpu.memory_space<hbm>> -> memref<1000000x64xf32, #tpu.memory_space<hbm>>
      tpu.enqueue_indirect_dma source(%dma_start3A_88 : memref<1000000x64xf32, #tpu.memory_space<hbm>>) target(%dma_start3A_82 : memref<128x64xf32, #tpu.memory_space<vmem>>) offsets(%dma_start3A_85 : memref<128xi32, #tpu.memory_space<vmem>>) semaphore(%arg8 : memref<!tpu.dma_semaphore, #tpu.memory_space<semaphore_mem>>)
      %dma_wait3A = arith.constant 0 : i32
      %dma_wait3A_89 = arith.constant 0 : i32
      %dma_wait3A_90 = tpu.memref_slice %arg7[%dma_wait3A, %dma_wait3A_89] : memref<640x64xf32, #tpu.memory_space<vmem>> -> memref<128x64xf32, #tpu.memory_space<vmem>>
      %dma_wait3A_91 = arith.constant 0 : i32
      %dma_wait3A_92 = tpu.memref_slice %arg6[%add3A_28, %dma_wait3A_91] : memref<50x128xi32, #tpu.memory_space<vmem>> -> memref<1x128xi32, #tpu.memory_space<vmem>>
      %dma_wait3A_93 = tpu.memref_squeeze %dma_wait3A_92 : memref<1x128xi32, #tpu.memory_space<vmem>> -> memref<128xi32, #tpu.memory_space<vmem>>
      %dma_wait3A_94 = arith.constant 0 : i32
      %dma_wait3A_95 = arith.constant 0 : i32
      %dma_wait3A_96 = tpu.memref_slice %arg3[%dma_wait3A_94, %dma_wait3A_95] : memref<1000000x64xf32, #tpu.memory_space<hbm>> -> memref<1000000x64xf32, #tpu.memory_space<hbm>>
      tpu.wait_indirect_dma semaphore(%arg8 : memref<!tpu.dma_semaphore, #tpu.memory_space<semaphore_mem>>) src(%dma_wait3A_96 : memref<1000000x64xf32, #tpu.memory_space<hbm>>) dst(%dma_wait3A_90 : memref<128x64xf32, #tpu.memory_space<vmem>>)
      %dma_wait3A_97 = arith.constant 128 : i32
      %dma_wait3A_98 = arith.constant 0 : i32
      %dma_wait3A_99 = tpu.memref_slice %arg7[%dma_wait3A_97, %dma_wait3A_98] : memref<640x64xf32, #tpu.memory_space<vmem>> -> memref<128x64xf32, #tpu.memory_space<vmem>>
      %dma_wait3A_100 = arith.constant 0 : i32
      %dma_wait3A_101 = tpu.memref_slice %arg6[%add3A_40, %dma_wait3A_100] : memref<50x128xi32, #tpu.memory_space<vmem>> -> memref<1x128xi32, #tpu.memory_space<vmem>>
      %dma_wait3A_102 = tpu.memref_squeeze %dma_wait3A_101 : memref<1x128xi32, #tpu.memory_space<vmem>> -> memref<128xi32, #tpu.memory_space<vmem>>
      %dma_wait3A_103 = arith.constant 0 : i32
      %dma_wait3A_104 = arith.constant 0 : i32
      %dma_wait3A_105 = tpu.memref_slice %arg3[%dma_wait3A_103, %dma_wait3A_104] : memref<1000000x64xf32, #tpu.memory_space<hbm>> -> memref<1000000x64xf32, #tpu.memory_space<hbm>>
      tpu.wait_indirect_dma semaphore(%arg8 : memref<!tpu.dma_semaphore, #tpu.memory_space<semaphore_mem>>) src(%dma_wait3A_105 : memref<1000000x64xf32, #tpu.memory_space<hbm>>) dst(%dma_wait3A_99 : memref<128x64xf32, #tpu.memory_space<vmem>>)
      %dma_wait3A_106 = arith.constant 256 : i32
      %dma_wait3A_107 = arith.constant 0 : i32
      %dma_wait3A_108 = tpu.memref_slice %arg7[%dma_wait3A_106, %dma_wait3A_107] : memref<640x64xf32, #tpu.memory_space<vmem>> -> memref<128x64xf32, #tpu.memory_space<vmem>>
      %dma_wait3A_109 = arith.constant 0 : i32
      %dma_wait3A_110 = tpu.memref_slice %arg6[%add3A_53, %dma_wait3A_109] : memref<50x128xi32, #tpu.memory_space<vmem>> -> memref<1x128xi32, #tpu.memory_space<vmem>>
      %dma_wait3A_111 = tpu.memref_squeeze %dma_wait3A_110 : memref<1x128xi32, #tpu.memory_space<vmem>> -> memref<128xi32, #tpu.memory_space<vmem>>
      %dma_wait3A_112 = arith.constant 0 : i32
      %dma_wait3A_113 = arith.constant 0 : i32
      %dma_wait3A_114 = tpu.memref_slice %arg3[%dma_wait3A_112, %dma_wait3A_113] : memref<1000000x64xf32, #tpu.memory_space<hbm>> -> memref<1000000x64xf32, #tpu.memory_space<hbm>>
      tpu.wait_indirect_dma semaphore(%arg8 : memref<!tpu.dma_semaphore, #tpu.memory_space<semaphore_mem>>) src(%dma_wait3A_114 : memref<1000000x64xf32, #tpu.memory_space<hbm>>) dst(%dma_wait3A_108 : memref<128x64xf32, #tpu.memory_space<vmem>>)
      %dma_wait3A_115 = arith.constant 384 : i32
      %dma_wait3A_116 = arith.constant 0 : i32
      %dma_wait3A_117 = tpu.memref_slice %arg7[%dma_wait3A_115, %dma_wait3A_116] : memref<640x64xf32, #tpu.memory_space<vmem>> -> memref<128x64xf32, #tpu.memory_space<vmem>>
      %dma_wait3A_118 = arith.constant 0 : i32
      %dma_wait3A_119 = tpu.memref_slice %arg6[%add3A_66, %dma_wait3A_118] : memref<50x128xi32, #tpu.memory_space<vmem>> -> memref<1x128xi32, #tpu.memory_space<vmem>>
      %dma_wait3A_120 = tpu.memref_squeeze %dma_wait3A_119 : memref<1x128xi32, #tpu.memory_space<vmem>> -> memref<128xi32, #tpu.memory_space<vmem>>
      %dma_wait3A_121 = arith.constant 0 : i32
      %dma_wait3A_122 = arith.constant 0 : i32
      %dma_wait3A_123 = tpu.memref_slice %arg3[%dma_wait3A_121, %dma_wait3A_122] : memref<1000000x64xf32, #tpu.memory_space<hbm>> -> memref<1000000x64xf32, #tpu.memory_space<hbm>>
      tpu.wait_indirect_dma semaphore(%arg8 : memref<!tpu.dma_semaphore, #tpu.memory_space<semaphore_mem>>) src(%dma_wait3A_123 : memref<1000000x64xf32, #tpu.memory_space<hbm>>) dst(%dma_wait3A_117 : memref<128x64xf32, #tpu.memory_space<vmem>>)
      %dma_wait3A_124 = arith.constant 512 : i32
      %dma_wait3A_125 = arith.constant 0 : i32
      %dma_wait3A_126 = tpu.memref_slice %arg7[%dma_wait3A_124, %dma_wait3A_125] : memref<640x64xf32, #tpu.memory_space<vmem>> -> memref<128x64xf32, #tpu.memory_space<vmem>>
      %dma_wait3A_127 = arith.constant 0 : i32
      %dma_wait3A_128 = tpu.memref_slice %arg6[%add3A_79, %dma_wait3A_127] : memref<50x128xi32, #tpu.memory_space<vmem>> -> memref<1x128xi32, #tpu.memory_space<vmem>>
      %dma_wait3A_129 = tpu.memref_squeeze %dma_wait3A_128 : memref<1x128xi32, #tpu.memory_space<vmem>> -> memref<128xi32, #tpu.memory_space<vmem>>
      %dma_wait3A_130 = arith.constant 0 : i32
      %dma_wait3A_131 = arith.constant 0 : i32
      %dma_wait3A_132 = tpu.memref_slice %arg3[%dma_wait3A_130, %dma_wait3A_131] : memref<1000000x64xf32, #tpu.memory_space<hbm>> -> memref<1000000x64xf32, #tpu.memory_space<hbm>>
      tpu.wait_indirect_dma semaphore(%arg8 : memref<!tpu.dma_semaphore, #tpu.memory_space<semaphore_mem>>) src(%dma_wait3A_132 : memref<1000000x64xf32, #tpu.memory_space<hbm>>) dst(%dma_wait3A_126 : memref<128x64xf32, #tpu.memory_space<vmem>>)
      %mul3A_133 = arith.constant 640 : i32
      %mul3A_134 = arith.muli %scan3A_24, %mul3A_133 : i32
      %add3A_135 = arith.addi %mul3A_2, %mul3A_134 : i32
      "tpu.region"() ({
        %run_scoped3A = tpu.sem_alloc : memref<!tpu.dma_semaphore, #tpu.memory_space<semaphore_mem>>
        %dma_start3A_136 = arith.constant 0 : i32
        %dma_start3A_137 = tpu.memref_slice %arg4[%add3A_135, %dma_start3A_136] : memref<204800x64xf32, #tpu.memory_space<hbm>> -> memref<640x64xf32, #tpu.memory_space<hbm>>
        %dma_start3A_138 = arith.constant 0 : i32
        %dma_start3A_139 = tpu.memref_slice %arg4[%add3A_135, %dma_start3A_138] : memref<204800x64xf32, #tpu.memory_space<hbm>> -> memref<640x64xf32, #tpu.memory_space<hbm>>
        tpu.enqueue_dma source(%arg7 : memref<640x64xf32, #tpu.memory_space<vmem>>) target(%dma_start3A_139 : memref<640x64xf32, #tpu.memory_space<hbm>>) target_semaphore(%run_scoped3A : memref<!tpu.dma_semaphore, #tpu.memory_space<semaphore_mem>>)
        %dma_wait3A_140 = arith.constant 0 : i32
        %dma_wait3A_141 = tpu.memref_slice %arg4[%add3A_135, %dma_wait3A_140] : memref<204800x64xf32, #tpu.memory_space<hbm>> -> memref<640x64xf32, #tpu.memory_space<hbm>>
        %dma_wait3A_142 = arith.constant 0 : i32
        %dma_wait3A_143 = tpu.memref_slice %arg4[%add3A_135, %dma_wait3A_142] : memref<204800x64xf32, #tpu.memory_space<hbm>> -> memref<640x64xf32, #tpu.memory_space<hbm>>
        tpu.wait_dma2 semaphore(%run_scoped3A : memref<!tpu.dma_semaphore, #tpu.memory_space<semaphore_mem>>) src(%arg7 : memref<640x64xf32, #tpu.memory_space<vmem>>) dst(%dma_wait3A_143 : memref<640x64xf32, #tpu.memory_space<hbm>>)
        tpu.yield
      }) : () -> ()
    }
    %scan3A_23 = arith.constant 10 : i32
    return
  }
}

#map = affine_map<(d0, d1) -> (0, 0)>
module attributes {stable_mosaic.version = 14 : i64} {
  func.func @kern(%arg0: i32, %arg1: i32, %arg2: memref<1600x128xi32, #tpu.memory_space<hbm>>, %arg3: memref<1000000x64xf32, #tpu.memory_space<hbm>>, %arg4: memref<204800x64xf32, #tpu.memory_space<hbm>>, %arg5: memref<50x128xi32, #tpu.memory_space<vmem>>, %arg6: memref<50x128xi32, #tpu.memory_space<vmem>>, %arg7: memref<640x64xf32, #tpu.memory_space<vmem>>, %arg8: memref<!tpu.dma_semaphore, #tpu.memory_space<semaphore_mem>>) attributes {dimension_semantics = [#tpu.dimension_semantics<core_parallel>, #tpu.dimension_semantics<subcore_parallel>], iteration_bounds = array<i64: 2, 16>, scalar_prefetch = 0 : i64, scratch_operands = 4 : i64, tpu.core_type = #tpu.core_type<sc_vector_subcore>, window_params = [{transform_indices = #map}, {transform_indices = #map}, {transform_indices = #map}]} {
    %mul3A = arith.constant 2 : i32
    %mul3A_0 = arith.muli %arg1, %mul3A : i32
    %add3A = arith.addi %mul3A_0, %arg0 : i32
    %mul3A_1 = arith.constant 6400 : i32
    %mul3A_2 = arith.muli %add3A, %mul3A_1 : i32
    %mul3A_3 = arith.constant 50 : i32
    %mul3A_4 = arith.muli %add3A, %mul3A_3 : i32
    "tpu.region"() ({
      %run_scoped3A = tpu.sem_alloc : memref<!tpu.dma_semaphore, #tpu.memory_space<semaphore_mem>>
      %dma_start3A = arith.constant 0 : i32
      %dma_start3A_24 = tpu.memref_slice %arg2[%mul3A_4, %dma_start3A] : memref<1600x128xi32, #tpu.memory_space<hbm>> -> memref<50x128xi32, #tpu.memory_space<hbm>>
      %dma_start3A_25 = arith.constant 0 : i32
      %dma_start3A_26 = tpu.memref_slice %arg2[%mul3A_4, %dma_start3A_25] : memref<1600x128xi32, #tpu.memory_space<hbm>> -> memref<50x128xi32, #tpu.memory_space<hbm>>
      tpu.enqueue_dma source(%dma_start3A_26 : memref<50x128xi32, #tpu.memory_space<hbm>>) target(%arg5 : memref<50x128xi32, #tpu.memory_space<vmem>>) target_semaphore(%run_scoped3A : memref<!tpu.dma_semaphore, #tpu.memory_space<semaphore_mem>>)
      %dma_wait3A = arith.constant 0 : i32
      %dma_wait3A_27 = tpu.memref_slice %arg2[%mul3A_4, %dma_wait3A] : memref<1600x128xi32, #tpu.memory_space<hbm>> -> memref<50x128xi32, #tpu.memory_space<hbm>>
      %dma_wait3A_28 = arith.constant 0 : i32
      %dma_wait3A_29 = tpu.memref_slice %arg2[%mul3A_4, %dma_wait3A_28] : memref<1600x128xi32, #tpu.memory_space<hbm>> -> memref<50x128xi32, #tpu.memory_space<hbm>>
      tpu.wait_dma2 semaphore(%run_scoped3A : memref<!tpu.dma_semaphore, #tpu.memory_space<semaphore_mem>>) src(%dma_wait3A_29 : memref<50x128xi32, #tpu.memory_space<hbm>>) dst(%arg5 : memref<50x128xi32, #tpu.memory_space<vmem>>)
      tpu.yield
    }) : () -> ()
    %iota3A = tpu.iota {dimensions = array<i32: 0>} : vector<16xi32>
    %shift_right_arithmetic3A = arith.constant 1 : i32
    %shift_right_arithmetic3A_5 = vector.broadcast %shift_right_arithmetic3A : i32 to vector<16xi32>
    %shift_right_arithmetic3A_6 = arith.shrsi %iota3A, %shift_right_arithmetic3A_5 : vector<16xi32>
    %and3A = arith.constant 1 : i32
    %and3A_7 = vector.broadcast %and3A : i32 to vector<16xi32>
    %and3A_8 = arith.andi %iota3A, %and3A_7 : vector<16xi32>
    %mul3A_9 = arith.constant 1600 : i32
    %mul3A_10 = vector.broadcast %mul3A_9 : i32 to vector<16xi32>
    %mul3A_11 = arith.muli %and3A_8, %mul3A_10 : vector<16xi32>
    %add3A_12 = arith.addi %shift_right_arithmetic3A_6, %mul3A_11 : vector<16xi32>
    %scan3A = arith.constant 0 : i32
    %scan3A_13 = arith.constant 0 : i32
    %scan3A_14 = arith.constant 400 : i32
    %scan3A_15 = arith.addi %scan3A_13, %scan3A_14 : i32
    %scan3A_16 = arith.constant 1 : i32
    scf.for %scan3A_24 = %scan3A_13 to %scan3A_15 step %scan3A_16  : i32 {
      %mul3A_25 = arith.constant 16 : i32
      %mul3A_26 = arith.muli %scan3A_24, %mul3A_25 : i32
      %jit3A = arith.constant 3200 : i32
      %div3A = arith.divsi %mul3A_26, %jit3A : i32
      %sign3A = arith.constant 0 : i32
      %sign3A_27 = arith.cmpi sgt, %mul3A_26, %sign3A : i32
      %sign3A_28 = arith.extui %sign3A_27 : i1 to i32
      %sign3A_29 = arith.constant 0 : i32
      %sign3A_30 = arith.cmpi slt, %mul3A_26, %sign3A_29 : i32
      %sign3A_31 = arith.extui %sign3A_30 : i1 to i32
      %sign3A_32 = arith.subi %sign3A_28, %sign3A_31 : i32
      %sign3A_33 = arith.constant 0 : i32
      %sign3A_34 = arith.cmpi sgt, %jit3A, %sign3A_33 : i32
      %sign3A_35 = arith.extui %sign3A_34 : i1 to i32
      %sign3A_36 = arith.constant 0 : i32
      %sign3A_37 = arith.cmpi slt, %jit3A, %sign3A_36 : i32
      %sign3A_38 = arith.extui %sign3A_37 : i1 to i32
      %sign3A_39 = arith.subi %sign3A_35, %sign3A_38 : i32
      %ne3A = arith.cmpi ne, %sign3A_32, %sign3A_39 : i32
      %rem3A = arith.remsi %mul3A_26, %jit3A : i32
      %ne3A_40 = arith.constant 0 : i32
      %ne3A_41 = arith.cmpi ne, %rem3A, %ne3A_40 : i32
      %and3A_42 = arith.andi %ne3A, %ne3A_41 : i1
      %sub3A = arith.constant 1 : i32
      %sub3A_43 = arith.subi %div3A, %sub3A : i32
      %select_n3A = arith.select %and3A_42, %sub3A_43, %div3A : i32
      %jit3A_44 = arith.constant 3200 : i32
      %eq3A = arith.constant 0 : i32
      %eq3A_45 = arith.cmpi eq, %jit3A_44, %eq3A : i32
      %jit3A_46 = arith.constant 1 : i32
      %select_n3A_47 = arith.select %eq3A_45, %jit3A_46, %jit3A_44 : i32
      %rem3A_48 = arith.remsi %mul3A_26, %select_n3A_47 : i32
      %ne3A_49 = arith.constant 0 : i32
      %ne3A_50 = arith.cmpi ne, %rem3A_48, %ne3A_49 : i32
      %lt3A = arith.constant 0 : i32
      %lt3A_51 = arith.cmpi slt, %rem3A_48, %lt3A : i32
      %lt3A_52 = arith.constant 0 : i32
      %lt3A_53 = arith.cmpi slt, %select_n3A_47, %lt3A_52 : i32
      %ne3A_54 = arith.xori %lt3A_51, %lt3A_53 : i1
      %and3A_55 = arith.andi %ne3A_54, %ne3A_50 : i1
      %add3A_56 = arith.addi %rem3A_48, %select_n3A_47 : i32
      %select_n3A_57 = arith.select %and3A_55, %add3A_56, %rem3A_48 : i32
      %jit3A_58 = arith.constant 2 : i32
      %div3A_59 = arith.divsi %select_n3A_57, %jit3A_58 : i32
      %sign3A_60 = arith.constant 0 : i32
      %sign3A_61 = arith.cmpi sgt, %select_n3A_57, %sign3A_60 : i32
      %sign3A_62 = arith.extui %sign3A_61 : i1 to i32
      %sign3A_63 = arith.constant 0 : i32
      %sign3A_64 = arith.cmpi slt, %select_n3A_57, %sign3A_63 : i32
      %sign3A_65 = arith.extui %sign3A_64 : i1 to i32
      %sign3A_66 = arith.subi %sign3A_62, %sign3A_65 : i32
      %sign3A_67 = arith.constant 0 : i32
      %sign3A_68 = arith.cmpi sgt, %jit3A_58, %sign3A_67 : i32
      %sign3A_69 = arith.extui %sign3A_68 : i1 to i32
      %sign3A_70 = arith.constant 0 : i32
      %sign3A_71 = arith.cmpi slt, %jit3A_58, %sign3A_70 : i32
      %sign3A_72 = arith.extui %sign3A_71 : i1 to i32
      %sign3A_73 = arith.subi %sign3A_69, %sign3A_72 : i32
      %ne3A_74 = arith.cmpi ne, %sign3A_66, %sign3A_73 : i32
      %rem3A_75 = arith.remsi %select_n3A_57, %jit3A_58 : i32
      %ne3A_76 = arith.constant 0 : i32
      %ne3A_77 = arith.cmpi ne, %rem3A_75, %ne3A_76 : i32
      %and3A_78 = arith.andi %ne3A_74, %ne3A_77 : i1
      %sub3A_79 = arith.constant 1 : i32
      %sub3A_80 = arith.subi %div3A_59, %sub3A_79 : i32
      %select_n3A_81 = arith.select %and3A_78, %sub3A_80, %div3A_59 : i32
      %mul3A_82 = arith.constant 3200 : i32
      %mul3A_83 = arith.muli %select_n3A, %mul3A_82 : i32
      %add3A_84 = arith.addi %mul3A_83, %select_n3A_81 : i32
      %add3A_85 = vector.broadcast %add3A_84 : i32 to vector<16xi32>
      %add3A_86 = arith.addi %add3A_12, %add3A_85 : vector<16xi32>
      %shift_right_arithmetic3A_87 = arith.constant 7 : i32
      %shift_right_arithmetic3A_88 = vector.broadcast %shift_right_arithmetic3A_87 : i32 to vector<16xi32>
      %shift_right_arithmetic3A_89 = arith.shrsi %add3A_86, %shift_right_arithmetic3A_88 : vector<16xi32>
      %and3A_90 = arith.constant 127 : i32
      %and3A_91 = vector.broadcast %and3A_90 : i32 to vector<16xi32>
      %and3A_92 = arith.andi %add3A_86, %and3A_91 : vector<16xi32>
      %gather3A = tpu.vector_load_idx %arg5[%shift_right_arithmetic3A_89, %and3A_92] : memref<50x128xi32, #tpu.memory_space<vmem>>[vector<16xi32>, vector<16xi32>], vector<16xi32>,
      %jit3A_93 = arith.constant 8 : i32
      %div3A_94 = arith.divsi %scan3A_24, %jit3A_93 : i32
      %sign3A_95 = arith.constant 0 : i32
      %sign3A_96 = arith.cmpi sgt, %scan3A_24, %sign3A_95 : i32
      %sign3A_97 = arith.extui %sign3A_96 : i1 to i32
      %sign3A_98 = arith.constant 0 : i32
      %sign3A_99 = arith.cmpi slt, %scan3A_24, %sign3A_98 : i32
      %sign3A_100 = arith.extui %sign3A_99 : i1 to i32
      %sign3A_101 = arith.subi %sign3A_97, %sign3A_100 : i32
      %sign3A_102 = arith.constant 0 : i32
      %sign3A_103 = arith.cmpi sgt, %jit3A_93, %sign3A_102 : i32
      %sign3A_104 = arith.extui %sign3A_103 : i1 to i32
      %sign3A_105 = arith.constant 0 : i32
      %sign3A_106 = arith.cmpi slt, %jit3A_93, %sign3A_105 : i32
      %sign3A_107 = arith.extui %sign3A_106 : i1 to i32
      %sign3A_108 = arith.subi %sign3A_104, %sign3A_107 : i32
      %ne3A_109 = arith.cmpi ne, %sign3A_101, %sign3A_108 : i32
      %rem3A_110 = arith.remsi %scan3A_24, %jit3A_93 : i32
      %ne3A_111 = arith.constant 0 : i32
      %ne3A_112 = arith.cmpi ne, %rem3A_110, %ne3A_111 : i32
      %and3A_113 = arith.andi %ne3A_109, %ne3A_112 : i1
      %sub3A_114 = arith.constant 1 : i32
      %sub3A_115 = arith.subi %div3A_94, %sub3A_114 : i32
      %select_n3A_116 = arith.select %and3A_113, %sub3A_115, %div3A_94 : i32
      %jit3A_117 = arith.constant 8 : i32
      %eq3A_118 = arith.constant 0 : i32
      %eq3A_119 = arith.cmpi eq, %jit3A_117, %eq3A_118 : i32
      %jit3A_120 = arith.constant 1 : i32
      %select_n3A_121 = arith.select %eq3A_119, %jit3A_120, %jit3A_117 : i32
      %rem3A_122 = arith.remsi %scan3A_24, %select_n3A_121 : i32
      %ne3A_123 = arith.constant 0 : i32
      %ne3A_124 = arith.cmpi ne, %rem3A_122, %ne3A_123 : i32
      %lt3A_125 = arith.constant 0 : i32
      %lt3A_126 = arith.cmpi slt, %rem3A_122, %lt3A_125 : i32
      %lt3A_127 = arith.constant 0 : i32
      %lt3A_128 = arith.cmpi slt, %select_n3A_121, %lt3A_127 : i32
      %ne3A_129 = arith.xori %lt3A_126, %lt3A_128 : i1
      %and3A_130 = arith.andi %ne3A_129, %ne3A_124 : i1
      %add3A_131 = arith.addi %rem3A_122, %select_n3A_121 : i32
      %select_n3A_132 = arith.select %and3A_130, %add3A_131, %rem3A_122 : i32
      %mul3A_133 = arith.constant 16 : i32
      %mul3A_134 = arith.muli %select_n3A_132, %mul3A_133 : i32
      %swap3A = arith.index_cast %select_n3A_116 : i32 to index
      %swap3A_135 = arith.index_cast %mul3A_134 : i32 to index
      %swap3A_136 = tpu.vector_load %arg6[%swap3A, %swap3A_135] {strides = array<i32>} : memref<50x128xi32, #tpu.memory_space<vmem>>, vector<16xi32>,
      tpu.vector_store %arg6[%swap3A, %swap3A_135], %gather3A {strides = array<i32>} : memref<50x128xi32, #tpu.memory_space<vmem>>, vector<16xi32>,
    }
    %scan3A_17 = arith.constant 400 : i32
    %scan3A_18 = arith.constant 0 : i32
    %scan3A_19 = arith.constant 0 : i32
    %scan3A_20 = arith.constant 10 : i32
    %scan3A_21 = arith.addi %scan3A_19, %scan3A_20 : i32
    %scan3A_22 = arith.constant 1 : i32
    scf.for %scan3A_24 = %scan3A_19 to %scan3A_21 step %scan3A_22  : i32 {
      %mul3A_25 = arith.constant 5 : i32
      %mul3A_26 = arith.muli %scan3A_24, %mul3A_25 : i32
      %add3A_27 = arith.constant 0 : i32
      %add3A_28 = arith.addi %mul3A_26, %add3A_27 : i32
      %dma_start3A = arith.constant 0 : i32
      %dma_start3A_29 = arith.constant 0 : i32
      %dma_start3A_30 = tpu.memref_slice %arg7[%dma_start3A, %dma_start3A_29] : memref<640x64xf32, #tpu.memory_space<vmem>> -> memref<128x64xf32, #tpu.memory_space<vmem>>
      %dma_start3A_31 = arith.constant 0 : i32
      %dma_start3A_32 = tpu.memref_slice %arg6[%add3A_28, %dma_start3A_31] : memref<50x128xi32, #tpu.memory_space<vmem>> -> memref<1x128xi32, #tpu.memory_space<vmem>>
      %dma_start3A_33 = tpu.memref_squeeze %dma_start3A_32 : memref<1x128xi32, #tpu.memory_space<vmem>> -> memref<128xi32, #tpu.memory_space<vmem>>
      %dma_start3A_34 = arith.constant 0 : i32
      %dma_start3A_35 = arith.constant 0 : i32
      %dma_start3A_36 = tpu.memref_slice %arg3[%dma_start3A_34, %dma_start3A_35] : memref<1000000x64xf32, #tpu.memory_space<hbm>> -> memref<1000000x64xf32, #tpu.memory_space<hbm>>
      tpu.enqueue_indirect_dma source(%dma_start3A_36 : memref<1000000x64xf32, #tpu.memory_space<hbm>>) target(%dma_start3A_30 : memref<128x64xf32, #tpu.memory_space<vmem>>) offsets(%dma_start3A_33 : memref<128xi32, #tpu.memory_space<vmem>>) semaphore(%arg8 : memref<!tpu.dma_semaphore, #tpu.memory_space<semaphore_mem>>)
      %mul3A_37 = arith.constant 5 : i32
      %mul3A_38 = arith.muli %scan3A_24, %mul3A_37 : i32
      %add3A_39 = arith.constant 1 : i32
      %add3A_40 = arith.addi %mul3A_38, %add3A_39 : i32
      %dma_start3A_41 = arith.constant 128 : i32
      %dma_start3A_42 = arith.constant 0 : i32
      %dma_start3A_43 = tpu.memref_slice %arg7[%dma_start3A_41, %dma_start3A_42] : memref<640x64xf32, #tpu.memory_space<vmem>> -> memref<128x64xf32, #tpu.memory_space<vmem>>
      %dma_start3A_44 = arith.constant 0 : i32
      %dma_start3A_45 = tpu.memref_slice %arg6[%add3A_40, %dma_start3A_44] : memref<50x128xi32, #tpu.memory_space<vmem>> -> memref<1x128xi32, #tpu.memory_space<vmem>>
      %dma_start3A_46 = tpu.memref_squeeze %dma_start3A_45 : memref<1x128xi32, #tpu.memory_space<vmem>> -> memref<128xi32, #tpu.memory_space<vmem>>
      %dma_start3A_47 = arith.constant 0 : i32
      %dma_start3A_48 = arith.constant 0 : i32
      %dma_start3A_49 = tpu.memref_slice %arg3[%dma_start3A_47, %dma_start3A_48] : memref<1000000x64xf32, #tpu.memory_space<hbm>> -> memref<1000000x64xf32, #tpu.memory_space<hbm>>
      tpu.enqueue_indirect_dma source(%dma_start3A_49 : memref<1000000x64xf32, #tpu.memory_space<hbm>>) target(%dma_start3A_43 : memref<128x64xf32, #tpu.memory_space<vmem>>) offsets(%dma_start3A_46 : memref<128xi32, #tpu.memory_space<vmem>>) semaphore(%arg8 : memref<!tpu.dma_semaphore, #tpu.memory_space<semaphore_mem>>)
      %mul3A_50 = arith.constant 5 : i32
      %mul3A_51 = arith.muli %scan3A_24, %mul3A_50 : i32
      %add3A_52 = arith.constant 2 : i32
      %add3A_53 = arith.addi %mul3A_51, %add3A_52 : i32
      %dma_start3A_54 = arith.constant 256 : i32
      %dma_start3A_55 = arith.constant 0 : i32
      %dma_start3A_56 = tpu.memref_slice %arg7[%dma_start3A_54, %dma_start3A_55] : memref<640x64xf32, #tpu.memory_space<vmem>> -> memref<128x64xf32, #tpu.memory_space<vmem>>
      %dma_start3A_57 = arith.constant 0 : i32
      %dma_start3A_58 = tpu.memref_slice %arg6[%add3A_53, %dma_start3A_57] : memref<50x128xi32, #tpu.memory_space<vmem>> -> memref<1x128xi32, #tpu.memory_space<vmem>>
      %dma_start3A_59 = tpu.memref_squeeze %dma_start3A_58 : memref<1x128xi32, #tpu.memory_space<vmem>> -> memref<128xi32, #tpu.memory_space<vmem>>
      %dma_start3A_60 = arith.constant 0 : i32
      %dma_start3A_61 = arith.constant 0 : i32
      %dma_start3A_62 = tpu.memref_slice %arg3[%dma_start3A_60, %dma_start3A_61] : memref<1000000x64xf32, #tpu.memory_space<hbm>> -> memref<1000000x64xf32, #tpu.memory_space<hbm>>
      tpu.enqueue_indirect_dma source(%dma_start3A_62 : memref<1000000x64xf32, #tpu.memory_space<hbm>>) target(%dma_start3A_56 : memref<128x64xf32, #tpu.memory_space<vmem>>) offsets(%dma_start3A_59 : memref<128xi32, #tpu.memory_space<vmem>>) semaphore(%arg8 : memref<!tpu.dma_semaphore, #tpu.memory_space<semaphore_mem>>)
      %mul3A_63 = arith.constant 5 : i32
      %mul3A_64 = arith.muli %scan3A_24, %mul3A_63 : i32
      %add3A_65 = arith.constant 3 : i32
      %add3A_66 = arith.addi %mul3A_64, %add3A_65 : i32
      %dma_start3A_67 = arith.constant 384 : i32
      %dma_start3A_68 = arith.constant 0 : i32
      %dma_start3A_69 = tpu.memref_slice %arg7[%dma_start3A_67, %dma_start3A_68] : memref<640x64xf32, #tpu.memory_space<vmem>> -> memref<128x64xf32, #tpu.memory_space<vmem>>
      %dma_start3A_70 = arith.constant 0 : i32
      %dma_start3A_71 = tpu.memref_slice %arg6[%add3A_66, %dma_start3A_70] : memref<50x128xi32, #tpu.memory_space<vmem>> -> memref<1x128xi32, #tpu.memory_space<vmem>>
      %dma_start3A_72 = tpu.memref_squeeze %dma_start3A_71 : memref<1x128xi32, #tpu.memory_space<vmem>> -> memref<128xi32, #tpu.memory_space<vmem>>
      %dma_start3A_73 = arith.constant 0 : i32
      %dma_start3A_74 = arith.constant 0 : i32
      %dma_start3A_75 = tpu.memref_slice %arg3[%dma_start3A_73, %dma_start3A_74] : memref<1000000x64xf32, #tpu.memory_space<hbm>> -> memref<1000000x64xf32, #tpu.memory_space<hbm>>
      tpu.enqueue_indirect_dma source(%dma_start3A_75 : memref<1000000x64xf32, #tpu.memory_space<hbm>>) target(%dma_start3A_69 : memref<128x64xf32, #tpu.memory_space<vmem>>) offsets(%dma_start3A_72 : memref<128xi32, #tpu.memory_space<vmem>>) semaphore(%arg8 : memref<!tpu.dma_semaphore, #tpu.memory_space<semaphore_mem>>)
      %mul3A_76 = arith.constant 5 : i32
      %mul3A_77 = arith.muli %scan3A_24, %mul3A_76 : i32
      %add3A_78 = arith.constant 4 : i32
      %add3A_79 = arith.addi %mul3A_77, %add3A_78 : i32
      %dma_start3A_80 = arith.constant 512 : i32
      %dma_start3A_81 = arith.constant 0 : i32
      %dma_start3A_82 = tpu.memref_slice %arg7[%dma_start3A_80, %dma_start3A_81] : memref<640x64xf32, #tpu.memory_space<vmem>> -> memref<128x64xf32, #tpu.memory_space<vmem>>
      %dma_start3A_83 = arith.constant 0 : i32
      %dma_start3A_84 = tpu.memref_slice %arg6[%add3A_79, %dma_start3A_83] : memref<50x128xi32, #tpu.memory_space<vmem>> -> memref<1x128xi32, #tpu.memory_space<vmem>>
      %dma_start3A_85 = tpu.memref_squeeze %dma_start3A_84 : memref<1x128xi32, #tpu.memory_space<vmem>> -> memref<128xi32, #tpu.memory_space<vmem>>
      %dma_start3A_86 = arith.constant 0 : i32
      %dma_start3A_87 = arith.constant 0 : i32
      %dma_start3A_88 = tpu.memref_slice %arg3[%dma_start3A_86, %dma_start3A_87] : memref<1000000x64xf32, #tpu.memory_space<hbm>> -> memref<1000000x64xf32, #tpu.memory_space<hbm>>
      tpu.enqueue_indirect_dma source(%dma_start3A_88 : memref<1000000x64xf32, #tpu.memory_space<hbm>>) target(%dma_start3A_82 : memref<128x64xf32, #tpu.memory_space<vmem>>) offsets(%dma_start3A_85 : memref<128xi32, #tpu.memory_space<vmem>>) semaphore(%arg8 : memref<!tpu.dma_semaphore, #tpu.memory_space<semaphore_mem>>)
      %dma_wait3A = arith.constant 0 : i32
      %dma_wait3A_89 = arith.constant 0 : i32
      %dma_wait3A_90 = tpu.memref_slice %arg7[%dma_wait3A, %dma_wait3A_89] : memref<640x64xf32, #tpu.memory_space<vmem>> -> memref<128x64xf32, #tpu.memory_space<vmem>>
      %dma_wait3A_91 = arith.constant 0 : i32
      %dma_wait3A_92 = tpu.memref_slice %arg6[%add3A_28, %dma_wait3A_91] : memref<50x128xi32, #tpu.memory_space<vmem>> -> memref<1x128xi32, #tpu.memory_space<vmem>>
      %dma_wait3A_93 = tpu.memref_squeeze %dma_wait3A_92 : memref<1x128xi32, #tpu.memory_space<vmem>> -> memref<128xi32, #tpu.memory_space<vmem>>
      %dma_wait3A_94 = arith.constant 0 : i32
      %dma_wait3A_95 = arith.constant 0 : i32
      %dma_wait3A_96 = tpu.memref_slice %arg3[%dma_wait3A_94, %dma_wait3A_95] : memref<1000000x64xf32, #tpu.memory_space<hbm>> -> memref<1000000x64xf32, #tpu.memory_space<hbm>>
      tpu.wait_indirect_dma semaphore(%arg8 : memref<!tpu.dma_semaphore, #tpu.memory_space<semaphore_mem>>) src(%dma_wait3A_96 : memref<1000000x64xf32, #tpu.memory_space<hbm>>) dst(%dma_wait3A_90 : memref<128x64xf32, #tpu.memory_space<vmem>>)
      %dma_wait3A_97 = arith.constant 128 : i32
      %dma_wait3A_98 = arith.constant 0 : i32
      %dma_wait3A_99 = tpu.memref_slice %arg7[%dma_wait3A_97, %dma_wait3A_98] : memref<640x64xf32, #tpu.memory_space<vmem>> -> memref<128x64xf32, #tpu.memory_space<vmem>>
      %dma_wait3A_100 = arith.constant 0 : i32
      %dma_wait3A_101 = tpu.memref_slice %arg6[%add3A_40, %dma_wait3A_100] : memref<50x128xi32, #tpu.memory_space<vmem>> -> memref<1x128xi32, #tpu.memory_space<vmem>>
      %dma_wait3A_102 = tpu.memref_squeeze %dma_wait3A_101 : memref<1x128xi32, #tpu.memory_space<vmem>> -> memref<128xi32, #tpu.memory_space<vmem>>
      %dma_wait3A_103 = arith.constant 0 : i32
      %dma_wait3A_104 = arith.constant 0 : i32
      %dma_wait3A_105 = tpu.memref_slice %arg3[%dma_wait3A_103, %dma_wait3A_104] : memref<1000000x64xf32, #tpu.memory_space<hbm>> -> memref<1000000x64xf32, #tpu.memory_space<hbm>>
      tpu.wait_indirect_dma semaphore(%arg8 : memref<!tpu.dma_semaphore, #tpu.memory_space<semaphore_mem>>) src(%dma_wait3A_105 : memref<1000000x64xf32, #tpu.memory_space<hbm>>) dst(%dma_wait3A_99 : memref<128x64xf32, #tpu.memory_space<vmem>>)
      %dma_wait3A_106 = arith.constant 256 : i32
      %dma_wait3A_107 = arith.constant 0 : i32
      %dma_wait3A_108 = tpu.memref_slice %arg7[%dma_wait3A_106, %dma_wait3A_107] : memref<640x64xf32, #tpu.memory_space<vmem>> -> memref<128x64xf32, #tpu.memory_space<vmem>>
      %dma_wait3A_109 = arith.constant 0 : i32
      %dma_wait3A_110 = tpu.memref_slice %arg6[%add3A_53, %dma_wait3A_109] : memref<50x128xi32, #tpu.memory_space<vmem>> -> memref<1x128xi32, #tpu.memory_space<vmem>>
      %dma_wait3A_111 = tpu.memref_squeeze %dma_wait3A_110 : memref<1x128xi32, #tpu.memory_space<vmem>> -> memref<128xi32, #tpu.memory_space<vmem>>
      %dma_wait3A_112 = arith.constant 0 : i32
      %dma_wait3A_113 = arith.constant 0 : i32
      %dma_wait3A_114 = tpu.memref_slice %arg3[%dma_wait3A_112, %dma_wait3A_113] : memref<1000000x64xf32, #tpu.memory_space<hbm>> -> memref<1000000x64xf32, #tpu.memory_space<hbm>>
      tpu.wait_indirect_dma semaphore(%arg8 : memref<!tpu.dma_semaphore, #tpu.memory_space<semaphore_mem>>) src(%dma_wait3A_114 : memref<1000000x64xf32, #tpu.memory_space<hbm>>) dst(%dma_wait3A_108 : memref<128x64xf32, #tpu.memory_space<vmem>>)
      %dma_wait3A_115 = arith.constant 384 : i32
      %dma_wait3A_116 = arith.constant 0 : i32
      %dma_wait3A_117 = tpu.memref_slice %arg7[%dma_wait3A_115, %dma_wait3A_116] : memref<640x64xf32, #tpu.memory_space<vmem>> -> memref<128x64xf32, #tpu.memory_space<vmem>>
      %dma_wait3A_118 = arith.constant 0 : i32
      %dma_wait3A_119 = tpu.memref_slice %arg6[%add3A_66, %dma_wait3A_118] : memref<50x128xi32, #tpu.memory_space<vmem>> -> memref<1x128xi32, #tpu.memory_space<vmem>>
      %dma_wait3A_120 = tpu.memref_squeeze %dma_wait3A_119 : memref<1x128xi32, #tpu.memory_space<vmem>> -> memref<128xi32, #tpu.memory_space<vmem>>
      %dma_wait3A_121 = arith.constant 0 : i32
      %dma_wait3A_122 = arith.constant 0 : i32
      %dma_wait3A_123 = tpu.memref_slice %arg3[%dma_wait3A_121, %dma_wait3A_122] : memref<1000000x64xf32, #tpu.memory_space<hbm>> -> memref<1000000x64xf32, #tpu.memory_space<hbm>>
      tpu.wait_indirect_dma semaphore(%arg8 : memref<!tpu.dma_semaphore, #tpu.memory_space<semaphore_mem>>) src(%dma_wait3A_123 : memref<1000000x64xf32, #tpu.memory_space<hbm>>) dst(%dma_wait3A_117 : memref<128x64xf32, #tpu.memory_space<vmem>>)
      %dma_wait3A_124 = arith.constant 512 : i32
      %dma_wait3A_125 = arith.constant 0 : i32
      %dma_wait3A_126 = tpu.memref_slice %arg7[%dma_wait3A_124, %dma_wait3A_125] : memref<640x64xf32, #tpu.memory_space<vmem>> -> memref<128x64xf32, #tpu.memory_space<vmem>>
      %dma_wait3A_127 = arith.constant 0 : i32
      %dma_wait3A_128 = tpu.memref_slice %arg6[%add3A_79, %dma_wait3A_127] : memref<50x128xi32, #tpu.memory_space<vmem>> -> memref<1x128xi32, #tpu.memory_space<vmem>>
      %dma_wait3A_129 = tpu.memref_squeeze %dma_wait3A_128 : memref<1x128xi32, #tpu.memory_space<vmem>> -> memref<128xi32, #tpu.memory_space<vmem>>
      %dma_wait3A_130 = arith.constant 0 : i32
      %dma_wait3A_131 = arith.constant 0 : i32
      %dma_wait3A_132 = tpu.memref_slice %arg3[%dma_wait3A_130, %dma_wait3A_131] : memref<1000000x64xf32, #tpu.memory_space<hbm>> -> memref<1000000x64xf32, #tpu.memory_space<hbm>>
      tpu.wait_indirect_dma semaphore(%arg8 : memref<!tpu.dma_semaphore, #tpu.memory_space<semaphore_mem>>) src(%dma_wait3A_132 : memref<1000000x64xf32, #tpu.memory_space<hbm>>) dst(%dma_wait3A_126 : memref<128x64xf32, #tpu.memory_space<vmem>>)
      %mul3A_133 = arith.constant 640 : i32
      %mul3A_134 = arith.muli %scan3A_24, %mul3A_133 : i32
      %add3A_135 = arith.addi %mul3A_2, %mul3A_134 : i32
      "tpu.region"() ({
        %run_scoped3A = tpu.sem_alloc : memref<!tpu.dma_semaphore, #tpu.memory_space<semaphore_mem>>
        %dma_start3A_136 = arith.constant 0 : i32
        %dma_start3A_137 = tpu.memref_slice %arg4[%add3A_135, %dma_start3A_136] : memref<204800x64xf32, #tpu.memory_space<hbm>> -> memref<640x64xf32, #tpu.memory_space<hbm>>
        %dma_start3A_138 = arith.constant 0 : i32
        %dma_start3A_139 = tpu.memref_slice %arg4[%add3A_135, %dma_start3A_138] : memref<204800x64xf32, #tpu.memory_space<hbm>> -> memref<640x64xf32, #tpu.memory_space<hbm>>
        tpu.enqueue_dma source(%arg7 : memref<640x64xf32, #tpu.memory_space<vmem>>) target(%dma_start3A_139 : memref<640x64xf32, #tpu.memory_space<hbm>>) target_semaphore(%run_scoped3A : memref<!tpu.dma_semaphore, #tpu.memory_space<semaphore_mem>>)
        %dma_wait3A_140 = arith.constant 0 : i32
        %dma_wait3A_141 = tpu.memref_slice %arg4[%add3A_135, %dma_wait3A_140] : memref<204800x64xf32, #tpu.memory_space<hbm>> -> memref<640x64xf32, #tpu.memory_space<hbm>>
        %dma_wait3A_142 = arith.constant 0 : i32
        %dma_wait3A_143 = tpu.memref_slice %arg4[%add3A_135, %dma_wait3A_142] : memref<204800x64xf32, #tpu.memory_space<hbm>> -> memref<640x64xf32, #tpu.memory_space<hbm>>
        tpu.wait_dma2 semaphore(%run_scoped3A : memref<!tpu.dma_semaphore, #tpu.memory_space<semaphore_mem>>) src(%arg7 : memref<640x64xf32, #tpu.memory_space<vmem>>) dst(%dma_wait3A_143 : memref<640x64xf32, #tpu.memory_space<hbm>>)
        tpu.yield
      }) : () -> ()
    }
    %scan3A_23 = arith.constant 10 : i32
    return
  }
}

#map = affine_map<(d0, d1) -> (0, 0)>
module attributes {stable_mosaic.version = 14 : i64} {
  func.func @kern(%arg0: i32, %arg1: i32, %arg2: memref<1600x128xi32, #tpu.memory_space<hbm>>, %arg3: memref<1000000x64xf32, #tpu.memory_space<hbm>>, %arg4: memref<204800x64xf32, #tpu.memory_space<hbm>>, %arg5: memref<50x128xi32, #tpu.memory_space<vmem>>, %arg6: memref<50x128xi32, #tpu.memory_space<vmem>>, %arg7: memref<640x64xf32, #tpu.memory_space<vmem>>, %arg8: memref<!tpu.dma_semaphore, #tpu.memory_space<semaphore_mem>>) attributes {dimension_semantics = [#tpu.dimension_semantics<core_parallel>, #tpu.dimension_semantics<subcore_parallel>], iteration_bounds = array<i64: 2, 16>, scalar_prefetch = 0 : i64, scratch_operands = 4 : i64, tpu.core_type = #tpu.core_type<sc_vector_subcore>, window_params = [{transform_indices = #map}, {transform_indices = #map}, {transform_indices = #map}]} {
    %mul3A = arith.constant 2 : i32
    %mul3A_0 = arith.muli %arg1, %mul3A : i32
    %add3A = arith.addi %mul3A_0, %arg0 : i32
    %mul3A_1 = arith.constant 6400 : i32
    %mul3A_2 = arith.muli %add3A, %mul3A_1 : i32
    %mul3A_3 = arith.constant 50 : i32
    %mul3A_4 = arith.muli %add3A, %mul3A_3 : i32
    "tpu.region"() ({
      %run_scoped3A = tpu.sem_alloc : memref<!tpu.dma_semaphore, #tpu.memory_space<semaphore_mem>>
      %dma_start3A = arith.constant 0 : i32
      %dma_start3A_24 = tpu.memref_slice %arg2[%mul3A_4, %dma_start3A] : memref<1600x128xi32, #tpu.memory_space<hbm>> -> memref<50x128xi32, #tpu.memory_space<hbm>>
      %dma_start3A_25 = arith.constant 0 : i32
      %dma_start3A_26 = tpu.memref_slice %arg2[%mul3A_4, %dma_start3A_25] : memref<1600x128xi32, #tpu.memory_space<hbm>> -> memref<50x128xi32, #tpu.memory_space<hbm>>
      tpu.enqueue_dma source(%dma_start3A_26 : memref<50x128xi32, #tpu.memory_space<hbm>>) target(%arg5 : memref<50x128xi32, #tpu.memory_space<vmem>>) target_semaphore(%run_scoped3A : memref<!tpu.dma_semaphore, #tpu.memory_space<semaphore_mem>>)
      %dma_wait3A = arith.constant 0 : i32
      %dma_wait3A_27 = tpu.memref_slice %arg2[%mul3A_4, %dma_wait3A] : memref<1600x128xi32, #tpu.memory_space<hbm>> -> memref<50x128xi32, #tpu.memory_space<hbm>>
      %dma_wait3A_28 = arith.constant 0 : i32
      %dma_wait3A_29 = tpu.memref_slice %arg2[%mul3A_4, %dma_wait3A_28] : memref<1600x128xi32, #tpu.memory_space<hbm>> -> memref<50x128xi32, #tpu.memory_space<hbm>>
      tpu.wait_dma2 semaphore(%run_scoped3A : memref<!tpu.dma_semaphore, #tpu.memory_space<semaphore_mem>>) src(%dma_wait3A_29 : memref<50x128xi32, #tpu.memory_space<hbm>>) dst(%arg5 : memref<50x128xi32, #tpu.memory_space<vmem>>)
      tpu.yield
    }) : () -> ()
    %iota3A = tpu.iota {dimensions = array<i32: 0>} : vector<16xi32>
    %shift_right_arithmetic3A = arith.constant 1 : i32
    %shift_right_arithmetic3A_5 = vector.broadcast %shift_right_arithmetic3A : i32 to vector<16xi32>
    %shift_right_arithmetic3A_6 = arith.shrsi %iota3A, %shift_right_arithmetic3A_5 : vector<16xi32>
    %and3A = arith.constant 1 : i32
    %and3A_7 = vector.broadcast %and3A : i32 to vector<16xi32>
    %and3A_8 = arith.andi %iota3A, %and3A_7 : vector<16xi32>
    %mul3A_9 = arith.constant 1600 : i32
    %mul3A_10 = vector.broadcast %mul3A_9 : i32 to vector<16xi32>
    %mul3A_11 = arith.muli %and3A_8, %mul3A_10 : vector<16xi32>
    %add3A_12 = arith.addi %shift_right_arithmetic3A_6, %mul3A_11 : vector<16xi32>
    %scan3A = arith.constant 0 : i32
    %scan3A_13 = arith.constant 0 : i32
    %scan3A_14 = arith.constant 400 : i32
    %scan3A_15 = arith.addi %scan3A_13, %scan3A_14 : i32
    %scan3A_16 = arith.constant 1 : i32
    scf.for %scan3A_24 = %scan3A_13 to %scan3A_15 step %scan3A_16  : i32 {
      %mul3A_25 = arith.constant 16 : i32
      %mul3A_26 = arith.muli %scan3A_24, %mul3A_25 : i32
      %jit3A = arith.constant 3200 : i32
      %div3A = arith.divsi %mul3A_26, %jit3A : i32
      %sign3A = arith.constant 0 : i32
      %sign3A_27 = arith.cmpi sgt, %mul3A_26, %sign3A : i32
      %sign3A_28 = arith.extui %sign3A_27 : i1 to i32
      %sign3A_29 = arith.constant 0 : i32
      %sign3A_30 = arith.cmpi slt, %mul3A_26, %sign3A_29 : i32
      %sign3A_31 = arith.extui %sign3A_30 : i1 to i32
      %sign3A_32 = arith.subi %sign3A_28, %sign3A_31 : i32
      %sign3A_33 = arith.constant 0 : i32
      %sign3A_34 = arith.cmpi sgt, %jit3A, %sign3A_33 : i32
      %sign3A_35 = arith.extui %sign3A_34 : i1 to i32
      %sign3A_36 = arith.constant 0 : i32
      %sign3A_37 = arith.cmpi slt, %jit3A, %sign3A_36 : i32
      %sign3A_38 = arith.extui %sign3A_37 : i1 to i32
      %sign3A_39 = arith.subi %sign3A_35, %sign3A_38 : i32
      %ne3A = arith.cmpi ne, %sign3A_32, %sign3A_39 : i32
      %rem3A = arith.remsi %mul3A_26, %jit3A : i32
      %ne3A_40 = arith.constant 0 : i32
      %ne3A_41 = arith.cmpi ne, %rem3A, %ne3A_40 : i32
      %and3A_42 = arith.andi %ne3A, %ne3A_41 : i1
      %sub3A = arith.constant 1 : i32
      %sub3A_43 = arith.subi %div3A, %sub3A : i32
      %select_n3A = arith.select %and3A_42, %sub3A_43, %div3A : i32
      %jit3A_44 = arith.constant 3200 : i32
      %eq3A = arith.constant 0 : i32
      %eq3A_45 = arith.cmpi eq, %jit3A_44, %eq3A : i32
      %jit3A_46 = arith.constant 1 : i32
      %select_n3A_47 = arith.select %eq3A_45, %jit3A_46, %jit3A_44 : i32
      %rem3A_48 = arith.remsi %mul3A_26, %select_n3A_47 : i32
      %ne3A_49 = arith.constant 0 : i32
      %ne3A_50 = arith.cmpi ne, %rem3A_48, %ne3A_49 : i32
      %lt3A = arith.constant 0 : i32
      %lt3A_51 = arith.cmpi slt, %rem3A_48, %lt3A : i32
      %lt3A_52 = arith.constant 0 : i32
      %lt3A_53 = arith.cmpi slt, %select_n3A_47, %lt3A_52 : i32
      %ne3A_54 = arith.xori %lt3A_51, %lt3A_53 : i1
      %and3A_55 = arith.andi %ne3A_54, %ne3A_50 : i1
      %add3A_56 = arith.addi %rem3A_48, %select_n3A_47 : i32
      %select_n3A_57 = arith.select %and3A_55, %add3A_56, %rem3A_48 : i32
      %jit3A_58 = arith.constant 2 : i32
      %div3A_59 = arith.divsi %select_n3A_57, %jit3A_58 : i32
      %sign3A_60 = arith.constant 0 : i32
      %sign3A_61 = arith.cmpi sgt, %select_n3A_57, %sign3A_60 : i32
      %sign3A_62 = arith.extui %sign3A_61 : i1 to i32
      %sign3A_63 = arith.constant 0 : i32
      %sign3A_64 = arith.cmpi slt, %select_n3A_57, %sign3A_63 : i32
      %sign3A_65 = arith.extui %sign3A_64 : i1 to i32
      %sign3A_66 = arith.subi %sign3A_62, %sign3A_65 : i32
      %sign3A_67 = arith.constant 0 : i32
      %sign3A_68 = arith.cmpi sgt, %jit3A_58, %sign3A_67 : i32
      %sign3A_69 = arith.extui %sign3A_68 : i1 to i32
      %sign3A_70 = arith.constant 0 : i32
      %sign3A_71 = arith.cmpi slt, %jit3A_58, %sign3A_70 : i32
      %sign3A_72 = arith.extui %sign3A_71 : i1 to i32
      %sign3A_73 = arith.subi %sign3A_69, %sign3A_72 : i32
      %ne3A_74 = arith.cmpi ne, %sign3A_66, %sign3A_73 : i32
      %rem3A_75 = arith.remsi %select_n3A_57, %jit3A_58 : i32
      %ne3A_76 = arith.constant 0 : i32
      %ne3A_77 = arith.cmpi ne, %rem3A_75, %ne3A_76 : i32
      %and3A_78 = arith.andi %ne3A_74, %ne3A_77 : i1
      %sub3A_79 = arith.constant 1 : i32
      %sub3A_80 = arith.subi %div3A_59, %sub3A_79 : i32
      %select_n3A_81 = arith.select %and3A_78, %sub3A_80, %div3A_59 : i32
      %mul3A_82 = arith.constant 3200 : i32
      %mul3A_83 = arith.muli %select_n3A, %mul3A_82 : i32
      %add3A_84 = arith.addi %mul3A_83, %select_n3A_81 : i32
      %add3A_85 = vector.broadcast %add3A_84 : i32 to vector<16xi32>
      %add3A_86 = arith.addi %add3A_12, %add3A_85 : vector<16xi32>
      %shift_right_arithmetic3A_87 = arith.constant 7 : i32
      %shift_right_arithmetic3A_88 = vector.broadcast %shift_right_arithmetic3A_87 : i32 to vector<16xi32>
      %shift_right_arithmetic3A_89 = arith.shrsi %add3A_86, %shift_right_arithmetic3A_88 : vector<16xi32>
      %and3A_90 = arith.constant 127 : i32
      %and3A_91 = vector.broadcast %and3A_90 : i32 to vector<16xi32>
      %and3A_92 = arith.andi %add3A_86, %and3A_91 : vector<16xi32>
      %gather3A = tpu.vector_load_idx %arg5[%shift_right_arithmetic3A_89, %and3A_92] : memref<50x128xi32, #tpu.memory_space<vmem>>[vector<16xi32>, vector<16xi32>], vector<16xi32>,
      %jit3A_93 = arith.constant 8 : i32
      %div3A_94 = arith.divsi %scan3A_24, %jit3A_93 : i32
      %sign3A_95 = arith.constant 0 : i32
      %sign3A_96 = arith.cmpi sgt, %scan3A_24, %sign3A_95 : i32
      %sign3A_97 = arith.extui %sign3A_96 : i1 to i32
      %sign3A_98 = arith.constant 0 : i32
      %sign3A_99 = arith.cmpi slt, %scan3A_24, %sign3A_98 : i32
      %sign3A_100 = arith.extui %sign3A_99 : i1 to i32
      %sign3A_101 = arith.subi %sign3A_97, %sign3A_100 : i32
      %sign3A_102 = arith.constant 0 : i32
      %sign3A_103 = arith.cmpi sgt, %jit3A_93, %sign3A_102 : i32
      %sign3A_104 = arith.extui %sign3A_103 : i1 to i32
      %sign3A_105 = arith.constant 0 : i32
      %sign3A_106 = arith.cmpi slt, %jit3A_93, %sign3A_105 : i32
      %sign3A_107 = arith.extui %sign3A_106 : i1 to i32
      %sign3A_108 = arith.subi %sign3A_104, %sign3A_107 : i32
      %ne3A_109 = arith.cmpi ne, %sign3A_101, %sign3A_108 : i32
      %rem3A_110 = arith.remsi %scan3A_24, %jit3A_93 : i32
      %ne3A_111 = arith.constant 0 : i32
      %ne3A_112 = arith.cmpi ne, %rem3A_110, %ne3A_111 : i32
      %and3A_113 = arith.andi %ne3A_109, %ne3A_112 : i1
      %sub3A_114 = arith.constant 1 : i32
      %sub3A_115 = arith.subi %div3A_94, %sub3A_114 : i32
      %select_n3A_116 = arith.select %and3A_113, %sub3A_115, %div3A_94 : i32
      %jit3A_117 = arith.constant 8 : i32
      %eq3A_118 = arith.constant 0 : i32
      %eq3A_119 = arith.cmpi eq, %jit3A_117, %eq3A_118 : i32
      %jit3A_120 = arith.constant 1 : i32
      %select_n3A_121 = arith.select %eq3A_119, %jit3A_120, %jit3A_117 : i32
      %rem3A_122 = arith.remsi %scan3A_24, %select_n3A_121 : i32
      %ne3A_123 = arith.constant 0 : i32
      %ne3A_124 = arith.cmpi ne, %rem3A_122, %ne3A_123 : i32
      %lt3A_125 = arith.constant 0 : i32
      %lt3A_126 = arith.cmpi slt, %rem3A_122, %lt3A_125 : i32
      %lt3A_127 = arith.constant 0 : i32
      %lt3A_128 = arith.cmpi slt, %select_n3A_121, %lt3A_127 : i32
      %ne3A_129 = arith.xori %lt3A_126, %lt3A_128 : i1
      %and3A_130 = arith.andi %ne3A_129, %ne3A_124 : i1
      %add3A_131 = arith.addi %rem3A_122, %select_n3A_121 : i32
      %select_n3A_132 = arith.select %and3A_130, %add3A_131, %rem3A_122 : i32
      %mul3A_133 = arith.constant 16 : i32
      %mul3A_134 = arith.muli %select_n3A_132, %mul3A_133 : i32
      %swap3A = arith.index_cast %select_n3A_116 : i32 to index
      %swap3A_135 = arith.index_cast %mul3A_134 : i32 to index
      %swap3A_136 = tpu.vector_load %arg6[%swap3A, %swap3A_135] {strides = array<i32>} : memref<50x128xi32, #tpu.memory_space<vmem>>, vector<16xi32>,
      tpu.vector_store %arg6[%swap3A, %swap3A_135], %gather3A {strides = array<i32>} : memref<50x128xi32, #tpu.memory_space<vmem>>, vector<16xi32>,
    }
    %scan3A_17 = arith.constant 400 : i32
    %scan3A_18 = arith.constant 0 : i32
    %scan3A_19 = arith.constant 0 : i32
    %scan3A_20 = arith.constant 10 : i32
    %scan3A_21 = arith.addi %scan3A_19, %scan3A_20 : i32
    %scan3A_22 = arith.constant 1 : i32
    scf.for %scan3A_24 = %scan3A_19 to %scan3A_21 step %scan3A_22  : i32 {
      %mul3A_25 = arith.constant 5 : i32
      %mul3A_26 = arith.muli %scan3A_24, %mul3A_25 : i32
      %add3A_27 = arith.constant 0 : i32
      %add3A_28 = arith.addi %mul3A_26, %add3A_27 : i32
      %dma_start3A = arith.constant 0 : i32
      %dma_start3A_29 = arith.constant 0 : i32
      %dma_start3A_30 = tpu.memref_slice %arg7[%dma_start3A, %dma_start3A_29] : memref<640x64xf32, #tpu.memory_space<vmem>> -> memref<128x64xf32, #tpu.memory_space<vmem>>
      %dma_start3A_31 = arith.constant 0 : i32
      %dma_start3A_32 = tpu.memref_slice %arg6[%add3A_28, %dma_start3A_31] : memref<50x128xi32, #tpu.memory_space<vmem>> -> memref<1x128xi32, #tpu.memory_space<vmem>>
      %dma_start3A_33 = tpu.memref_squeeze %dma_start3A_32 : memref<1x128xi32, #tpu.memory_space<vmem>> -> memref<128xi32, #tpu.memory_space<vmem>>
      %dma_start3A_34 = arith.constant 0 : i32
      %dma_start3A_35 = arith.constant 0 : i32
      %dma_start3A_36 = tpu.memref_slice %arg3[%dma_start3A_34, %dma_start3A_35] : memref<1000000x64xf32, #tpu.memory_space<hbm>> -> memref<1000000x64xf32, #tpu.memory_space<hbm>>
      tpu.enqueue_indirect_dma source(%dma_start3A_36 : memref<1000000x64xf32, #tpu.memory_space<hbm>>) target(%dma_start3A_30 : memref<128x64xf32, #tpu.memory_space<vmem>>) offsets(%dma_start3A_33 : memref<128xi32, #tpu.memory_space<vmem>>) semaphore(%arg8 : memref<!tpu.dma_semaphore, #tpu.memory_space<semaphore_mem>>)
      %mul3A_37 = arith.constant 5 : i32
      %mul3A_38 = arith.muli %scan3A_24, %mul3A_37 : i32
      %add3A_39 = arith.constant 1 : i32
      %add3A_40 = arith.addi %mul3A_38, %add3A_39 : i32
      %dma_start3A_41 = arith.constant 128 : i32
      %dma_start3A_42 = arith.constant 0 : i32
      %dma_start3A_43 = tpu.memref_slice %arg7[%dma_start3A_41, %dma_start3A_42] : memref<640x64xf32, #tpu.memory_space<vmem>> -> memref<128x64xf32, #tpu.memory_space<vmem>>
      %dma_start3A_44 = arith.constant 0 : i32
      %dma_start3A_45 = tpu.memref_slice %arg6[%add3A_40, %dma_start3A_44] : memref<50x128xi32, #tpu.memory_space<vmem>> -> memref<1x128xi32, #tpu.memory_space<vmem>>
      %dma_start3A_46 = tpu.memref_squeeze %dma_start3A_45 : memref<1x128xi32, #tpu.memory_space<vmem>> -> memref<128xi32, #tpu.memory_space<vmem>>
      %dma_start3A_47 = arith.constant 0 : i32
      %dma_start3A_48 = arith.constant 0 : i32
      %dma_start3A_49 = tpu.memref_slice %arg3[%dma_start3A_47, %dma_start3A_48] : memref<1000000x64xf32, #tpu.memory_space<hbm>> -> memref<1000000x64xf32, #tpu.memory_space<hbm>>
      tpu.enqueue_indirect_dma source(%dma_start3A_49 : memref<1000000x64xf32, #tpu.memory_space<hbm>>) target(%dma_start3A_43 : memref<128x64xf32, #tpu.memory_space<vmem>>) offsets(%dma_start3A_46 : memref<128xi32, #tpu.memory_space<vmem>>) semaphore(%arg8 : memref<!tpu.dma_semaphore, #tpu.memory_space<semaphore_mem>>)
      %mul3A_50 = arith.constant 5 : i32
      %mul3A_51 = arith.muli %scan3A_24, %mul3A_50 : i32
      %add3A_52 = arith.constant 2 : i32
      %add3A_53 = arith.addi %mul3A_51, %add3A_52 : i32
      %dma_start3A_54 = arith.constant 256 : i32
      %dma_start3A_55 = arith.constant 0 : i32
      %dma_start3A_56 = tpu.memref_slice %arg7[%dma_start3A_54, %dma_start3A_55] : memref<640x64xf32, #tpu.memory_space<vmem>> -> memref<128x64xf32, #tpu.memory_space<vmem>>
      %dma_start3A_57 = arith.constant 0 : i32
      %dma_start3A_58 = tpu.memref_slice %arg6[%add3A_53, %dma_start3A_57] : memref<50x128xi32, #tpu.memory_space<vmem>> -> memref<1x128xi32, #tpu.memory_space<vmem>>
      %dma_start3A_59 = tpu.memref_squeeze %dma_start3A_58 : memref<1x128xi32, #tpu.memory_space<vmem>> -> memref<128xi32, #tpu.memory_space<vmem>>
      %dma_start3A_60 = arith.constant 0 : i32
      %dma_start3A_61 = arith.constant 0 : i32
      %dma_start3A_62 = tpu.memref_slice %arg3[%dma_start3A_60, %dma_start3A_61] : memref<1000000x64xf32, #tpu.memory_space<hbm>> -> memref<1000000x64xf32, #tpu.memory_space<hbm>>
      tpu.enqueue_indirect_dma source(%dma_start3A_62 : memref<1000000x64xf32, #tpu.memory_space<hbm>>) target(%dma_start3A_56 : memref<128x64xf32, #tpu.memory_space<vmem>>) offsets(%dma_start3A_59 : memref<128xi32, #tpu.memory_space<vmem>>) semaphore(%arg8 : memref<!tpu.dma_semaphore, #tpu.memory_space<semaphore_mem>>)
      %mul3A_63 = arith.constant 5 : i32
      %mul3A_64 = arith.muli %scan3A_24, %mul3A_63 : i32
      %add3A_65 = arith.constant 3 : i32
      %add3A_66 = arith.addi %mul3A_64, %add3A_65 : i32
      %dma_start3A_67 = arith.constant 384 : i32
      %dma_start3A_68 = arith.constant 0 : i32
      %dma_start3A_69 = tpu.memref_slice %arg7[%dma_start3A_67, %dma_start3A_68] : memref<640x64xf32, #tpu.memory_space<vmem>> -> memref<128x64xf32, #tpu.memory_space<vmem>>
      %dma_start3A_70 = arith.constant 0 : i32
      %dma_start3A_71 = tpu.memref_slice %arg6[%add3A_66, %dma_start3A_70] : memref<50x128xi32, #tpu.memory_space<vmem>> -> memref<1x128xi32, #tpu.memory_space<vmem>>
      %dma_start3A_72 = tpu.memref_squeeze %dma_start3A_71 : memref<1x128xi32, #tpu.memory_space<vmem>> -> memref<128xi32, #tpu.memory_space<vmem>>
      %dma_start3A_73 = arith.constant 0 : i32
      %dma_start3A_74 = arith.constant 0 : i32
      %dma_start3A_75 = tpu.memref_slice %arg3[%dma_start3A_73, %dma_start3A_74] : memref<1000000x64xf32, #tpu.memory_space<hbm>> -> memref<1000000x64xf32, #tpu.memory_space<hbm>>
      tpu.enqueue_indirect_dma source(%dma_start3A_75 : memref<1000000x64xf32, #tpu.memory_space<hbm>>) target(%dma_start3A_69 : memref<128x64xf32, #tpu.memory_space<vmem>>) offsets(%dma_start3A_72 : memref<128xi32, #tpu.memory_space<vmem>>) semaphore(%arg8 : memref<!tpu.dma_semaphore, #tpu.memory_space<semaphore_mem>>)
      %mul3A_76 = arith.constant 5 : i32
      %mul3A_77 = arith.muli %scan3A_24, %mul3A_76 : i32
      %add3A_78 = arith.constant 4 : i32
      %add3A_79 = arith.addi %mul3A_77, %add3A_78 : i32
      %dma_start3A_80 = arith.constant 512 : i32
      %dma_start3A_81 = arith.constant 0 : i32
      %dma_start3A_82 = tpu.memref_slice %arg7[%dma_start3A_80, %dma_start3A_81] : memref<640x64xf32, #tpu.memory_space<vmem>> -> memref<128x64xf32, #tpu.memory_space<vmem>>
      %dma_start3A_83 = arith.constant 0 : i32
      %dma_start3A_84 = tpu.memref_slice %arg6[%add3A_79, %dma_start3A_83] : memref<50x128xi32, #tpu.memory_space<vmem>> -> memref<1x128xi32, #tpu.memory_space<vmem>>
      %dma_start3A_85 = tpu.memref_squeeze %dma_start3A_84 : memref<1x128xi32, #tpu.memory_space<vmem>> -> memref<128xi32, #tpu.memory_space<vmem>>
      %dma_start3A_86 = arith.constant 0 : i32
      %dma_start3A_87 = arith.constant 0 : i32
      %dma_start3A_88 = tpu.memref_slice %arg3[%dma_start3A_86, %dma_start3A_87] : memref<1000000x64xf32, #tpu.memory_space<hbm>> -> memref<1000000x64xf32, #tpu.memory_space<hbm>>
      tpu.enqueue_indirect_dma source(%dma_start3A_88 : memref<1000000x64xf32, #tpu.memory_space<hbm>>) target(%dma_start3A_82 : memref<128x64xf32, #tpu.memory_space<vmem>>) offsets(%dma_start3A_85 : memref<128xi32, #tpu.memory_space<vmem>>) semaphore(%arg8 : memref<!tpu.dma_semaphore, #tpu.memory_space<semaphore_mem>>)
      %dma_wait3A = arith.constant 0 : i32
      %dma_wait3A_89 = arith.constant 0 : i32
      %dma_wait3A_90 = tpu.memref_slice %arg7[%dma_wait3A, %dma_wait3A_89] : memref<640x64xf32, #tpu.memory_space<vmem>> -> memref<128x64xf32, #tpu.memory_space<vmem>>
      %dma_wait3A_91 = arith.constant 0 : i32
      %dma_wait3A_92 = tpu.memref_slice %arg6[%add3A_28, %dma_wait3A_91] : memref<50x128xi32, #tpu.memory_space<vmem>> -> memref<1x128xi32, #tpu.memory_space<vmem>>
      %dma_wait3A_93 = tpu.memref_squeeze %dma_wait3A_92 : memref<1x128xi32, #tpu.memory_space<vmem>> -> memref<128xi32, #tpu.memory_space<vmem>>
      %dma_wait3A_94 = arith.constant 0 : i32
      %dma_wait3A_95 = arith.constant 0 : i32
      %dma_wait3A_96 = tpu.memref_slice %arg3[%dma_wait3A_94, %dma_wait3A_95] : memref<1000000x64xf32, #tpu.memory_space<hbm>> -> memref<1000000x64xf32, #tpu.memory_space<hbm>>
      tpu.wait_indirect_dma semaphore(%arg8 : memref<!tpu.dma_semaphore, #tpu.memory_space<semaphore_mem>>) src(%dma_wait3A_96 : memref<1000000x64xf32, #tpu.memory_space<hbm>>) dst(%dma_wait3A_90 : memref<128x64xf32, #tpu.memory_space<vmem>>)
      %dma_wait3A_97 = arith.constant 128 : i32
      %dma_wait3A_98 = arith.constant 0 : i32
      %dma_wait3A_99 = tpu.memref_slice %arg7[%dma_wait3A_97, %dma_wait3A_98] : memref<640x64xf32, #tpu.memory_space<vmem>> -> memref<128x64xf32, #tpu.memory_space<vmem>>
      %dma_wait3A_100 = arith.constant 0 : i32
      %dma_wait3A_101 = tpu.memref_slice %arg6[%add3A_40, %dma_wait3A_100] : memref<50x128xi32, #tpu.memory_space<vmem>> -> memref<1x128xi32, #tpu.memory_space<vmem>>
      %dma_wait3A_102 = tpu.memref_squeeze %dma_wait3A_101 : memref<1x128xi32, #tpu.memory_space<vmem>> -> memref<128xi32, #tpu.memory_space<vmem>>
      %dma_wait3A_103 = arith.constant 0 : i32
      %dma_wait3A_104 = arith.constant 0 : i32
      %dma_wait3A_105 = tpu.memref_slice %arg3[%dma_wait3A_103, %dma_wait3A_104] : memref<1000000x64xf32, #tpu.memory_space<hbm>> -> memref<1000000x64xf32, #tpu.memory_space<hbm>>
      tpu.wait_indirect_dma semaphore(%arg8 : memref<!tpu.dma_semaphore, #tpu.memory_space<semaphore_mem>>) src(%dma_wait3A_105 : memref<1000000x64xf32, #tpu.memory_space<hbm>>) dst(%dma_wait3A_99 : memref<128x64xf32, #tpu.memory_space<vmem>>)
      %dma_wait3A_106 = arith.constant 256 : i32
      %dma_wait3A_107 = arith.constant 0 : i32
      %dma_wait3A_108 = tpu.memref_slice %arg7[%dma_wait3A_106, %dma_wait3A_107] : memref<640x64xf32, #tpu.memory_space<vmem>> -> memref<128x64xf32, #tpu.memory_space<vmem>>
      %dma_wait3A_109 = arith.constant 0 : i32
      %dma_wait3A_110 = tpu.memref_slice %arg6[%add3A_53, %dma_wait3A_109] : memref<50x128xi32, #tpu.memory_space<vmem>> -> memref<1x128xi32, #tpu.memory_space<vmem>>
      %dma_wait3A_111 = tpu.memref_squeeze %dma_wait3A_110 : memref<1x128xi32, #tpu.memory_space<vmem>> -> memref<128xi32, #tpu.memory_space<vmem>>
      %dma_wait3A_112 = arith.constant 0 : i32
      %dma_wait3A_113 = arith.constant 0 : i32
      %dma_wait3A_114 = tpu.memref_slice %arg3[%dma_wait3A_112, %dma_wait3A_113] : memref<1000000x64xf32, #tpu.memory_space<hbm>> -> memref<1000000x64xf32, #tpu.memory_space<hbm>>
      tpu.wait_indirect_dma semaphore(%arg8 : memref<!tpu.dma_semaphore, #tpu.memory_space<semaphore_mem>>) src(%dma_wait3A_114 : memref<1000000x64xf32, #tpu.memory_space<hbm>>) dst(%dma_wait3A_108 : memref<128x64xf32, #tpu.memory_space<vmem>>)
      %dma_wait3A_115 = arith.constant 384 : i32
      %dma_wait3A_116 = arith.constant 0 : i32
      %dma_wait3A_117 = tpu.memref_slice %arg7[%dma_wait3A_115, %dma_wait3A_116] : memref<640x64xf32, #tpu.memory_space<vmem>> -> memref<128x64xf32, #tpu.memory_space<vmem>>
      %dma_wait3A_118 = arith.constant 0 : i32
      %dma_wait3A_119 = tpu.memref_slice %arg6[%add3A_66, %dma_wait3A_118] : memref<50x128xi32, #tpu.memory_space<vmem>> -> memref<1x128xi32, #tpu.memory_space<vmem>>
      %dma_wait3A_120 = tpu.memref_squeeze %dma_wait3A_119 : memref<1x128xi32, #tpu.memory_space<vmem>> -> memref<128xi32, #tpu.memory_space<vmem>>
      %dma_wait3A_121 = arith.constant 0 : i32
      %dma_wait3A_122 = arith.constant 0 : i32
      %dma_wait3A_123 = tpu.memref_slice %arg3[%dma_wait3A_121, %dma_wait3A_122] : memref<1000000x64xf32, #tpu.memory_space<hbm>> -> memref<1000000x64xf32, #tpu.memory_space<hbm>>
      tpu.wait_indirect_dma semaphore(%arg8 : memref<!tpu.dma_semaphore, #tpu.memory_space<semaphore_mem>>) src(%dma_wait3A_123 : memref<1000000x64xf32, #tpu.memory_space<hbm>>) dst(%dma_wait3A_117 : memref<128x64xf32, #tpu.memory_space<vmem>>)
      %dma_wait3A_124 = arith.constant 512 : i32
      %dma_wait3A_125 = arith.constant 0 : i32
      %dma_wait3A_126 = tpu.memref_slice %arg7[%dma_wait3A_124, %dma_wait3A_125] : memref<640x64xf32, #tpu.memory_space<vmem>> -> memref<128x64xf32, #tpu.memory_space<vmem>>
      %dma_wait3A_127 = arith.constant 0 : i32
      %dma_wait3A_128 = tpu.memref_slice %arg6[%add3A_79, %dma_wait3A_127] : memref<50x128xi32, #tpu.memory_space<vmem>> -> memref<1x128xi32, #tpu.memory_space<vmem>>
      %dma_wait3A_129 = tpu.memref_squeeze %dma_wait3A_128 : memref<1x128xi32, #tpu.memory_space<vmem>> -> memref<128xi32, #tpu.memory_space<vmem>>
      %dma_wait3A_130 = arith.constant 0 : i32
      %dma_wait3A_131 = arith.constant 0 : i32
      %dma_wait3A_132 = tpu.memref_slice %arg3[%dma_wait3A_130, %dma_wait3A_131] : memref<1000000x64xf32, #tpu.memory_space<hbm>> -> memref<1000000x64xf32, #tpu.memory_space<hbm>>
      tpu.wait_indirect_dma semaphore(%arg8 : memref<!tpu.dma_semaphore, #tpu.memory_space<semaphore_mem>>) src(%dma_wait3A_132 : memref<1000000x64xf32, #tpu.memory_space<hbm>>) dst(%dma_wait3A_126 : memref<128x64xf32, #tpu.memory_space<vmem>>)
      %mul3A_133 = arith.constant 640 : i32
      %mul3A_134 = arith.muli %scan3A_24, %mul3A_133 : i32
      %add3A_135 = arith.addi %mul3A_2, %mul3A_134 : i32
      "tpu.region"() ({
        %run_scoped3A = tpu.sem_alloc : memref<!tpu.dma_semaphore, #tpu.memory_space<semaphore_mem>>
        %dma_start3A_136 = arith.constant 0 : i32
        %dma_start3A_137 = tpu.memref_slice %arg4[%add3A_135, %dma_start3A_136] : memref<204800x64xf32, #tpu.memory_space<hbm>> -> memref<640x64xf32, #tpu.memory_space<hbm>>
        %dma_start3A_138 = arith.constant 0 : i32
        %dma_start3A_139 = tpu.memref_slice %arg4[%add3A_135, %dma_start3A_138] : memref<204800x64xf32, #tpu.memory_space<hbm>> -> memref<640x64xf32, #tpu.memory_space<hbm>>
        tpu.enqueue_dma source(%arg7 : memref<640x64xf32, #tpu.memory_space<vmem>>) target(%dma_start3A_139 : memref<640x64xf32, #tpu.memory_space<hbm>>) target_semaphore(%run_scoped3A : memref<!tpu.dma_semaphore, #tpu.memory_space<semaphore_mem>>)
        %dma_wait3A_140 = arith.constant 0 : i32
        %dma_wait3A_141 = tpu.memref_slice %arg4[%add3A_135, %dma_wait3A_140] : memref<204800x64xf32, #tpu.memory_space<hbm>> -> memref<640x64xf32, #tpu.memory_space<hbm>>
        %dma_wait3A_142 = arith.constant 0 : i32
        %dma_wait3A_143 = tpu.memref_slice %arg4[%add3A_135, %dma_wait3A_142] : memref<204800x64xf32, #tpu.memory_space<hbm>> -> memref<640x64xf32, #tpu.memory_space<hbm>>
        tpu.wait_dma2 semaphore(%run_scoped3A : memref<!tpu.dma_semaphore, #tpu.memory_space<semaphore_mem>>) src(%arg7 : memref<640x64xf32, #tpu.memory_space<vmem>>) dst(%dma_wait3A_143 : memref<640x64xf32, #tpu.memory_space<hbm>>)
        tpu.yield
      }) : () -> ()
    }
    %scan3A_23 = arith.constant 10 : i32
    return
  }
}

#map = affine_map<(d0, d1) -> (0, 0)>
module attributes {stable_mosaic.version = 14 : i64} {
  func.func @kern(%arg0: i32, %arg1: i32, %arg2: memref<1600x128xi32, #tpu.memory_space<hbm>>, %arg3: memref<1000000x64xf32, #tpu.memory_space<hbm>>, %arg4: memref<204800x64xf32, #tpu.memory_space<hbm>>, %arg5: memref<50x128xi32, #tpu.memory_space<vmem>>, %arg6: memref<50x128xi32, #tpu.memory_space<vmem>>, %arg7: memref<640x64xf32, #tpu.memory_space<vmem>>, %arg8: memref<!tpu.dma_semaphore, #tpu.memory_space<semaphore_mem>>) attributes {dimension_semantics = [#tpu.dimension_semantics<core_parallel>, #tpu.dimension_semantics<subcore_parallel>], iteration_bounds = array<i64: 2, 16>, scalar_prefetch = 0 : i64, scratch_operands = 4 : i64, tpu.core_type = #tpu.core_type<sc_vector_subcore>, window_params = [{transform_indices = #map}, {transform_indices = #map}, {transform_indices = #map}]} {
    %mul3A = arith.constant 2 : i32
    %mul3A_0 = arith.muli %arg1, %mul3A : i32
    %add3A = arith.addi %mul3A_0, %arg0 : i32
    %mul3A_1 = arith.constant 6400 : i32
    %mul3A_2 = arith.muli %add3A, %mul3A_1 : i32
    %mul3A_3 = arith.constant 50 : i32
    %mul3A_4 = arith.muli %add3A, %mul3A_3 : i32
    "tpu.region"() ({
      %run_scoped3A = tpu.sem_alloc : memref<!tpu.dma_semaphore, #tpu.memory_space<semaphore_mem>>
      %dma_start3A = arith.constant 0 : i32
      %dma_start3A_24 = tpu.memref_slice %arg2[%mul3A_4, %dma_start3A] : memref<1600x128xi32, #tpu.memory_space<hbm>> -> memref<50x128xi32, #tpu.memory_space<hbm>>
      %dma_start3A_25 = arith.constant 0 : i32
      %dma_start3A_26 = tpu.memref_slice %arg2[%mul3A_4, %dma_start3A_25] : memref<1600x128xi32, #tpu.memory_space<hbm>> -> memref<50x128xi32, #tpu.memory_space<hbm>>
      tpu.enqueue_dma source(%dma_start3A_26 : memref<50x128xi32, #tpu.memory_space<hbm>>) target(%arg5 : memref<50x128xi32, #tpu.memory_space<vmem>>) target_semaphore(%run_scoped3A : memref<!tpu.dma_semaphore, #tpu.memory_space<semaphore_mem>>)
      %dma_wait3A = arith.constant 0 : i32
      %dma_wait3A_27 = tpu.memref_slice %arg2[%mul3A_4, %dma_wait3A] : memref<1600x128xi32, #tpu.memory_space<hbm>> -> memref<50x128xi32, #tpu.memory_space<hbm>>
      %dma_wait3A_28 = arith.constant 0 : i32
      %dma_wait3A_29 = tpu.memref_slice %arg2[%mul3A_4, %dma_wait3A_28] : memref<1600x128xi32, #tpu.memory_space<hbm>> -> memref<50x128xi32, #tpu.memory_space<hbm>>
      tpu.wait_dma2 semaphore(%run_scoped3A : memref<!tpu.dma_semaphore, #tpu.memory_space<semaphore_mem>>) src(%dma_wait3A_29 : memref<50x128xi32, #tpu.memory_space<hbm>>) dst(%arg5 : memref<50x128xi32, #tpu.memory_space<vmem>>)
      tpu.yield
    }) : () -> ()
    %iota3A = tpu.iota {dimensions = array<i32: 0>} : vector<16xi32>
    %shift_right_arithmetic3A = arith.constant 1 : i32
    %shift_right_arithmetic3A_5 = vector.broadcast %shift_right_arithmetic3A : i32 to vector<16xi32>
    %shift_right_arithmetic3A_6 = arith.shrsi %iota3A, %shift_right_arithmetic3A_5 : vector<16xi32>
    %and3A = arith.constant 1 : i32
    %and3A_7 = vector.broadcast %and3A : i32 to vector<16xi32>
    %and3A_8 = arith.andi %iota3A, %and3A_7 : vector<16xi32>
    %mul3A_9 = arith.constant 1600 : i32
    %mul3A_10 = vector.broadcast %mul3A_9 : i32 to vector<16xi32>
    %mul3A_11 = arith.muli %and3A_8, %mul3A_10 : vector<16xi32>
    %add3A_12 = arith.addi %shift_right_arithmetic3A_6, %mul3A_11 : vector<16xi32>
    %scan3A = arith.constant 0 : i32
    %scan3A_13 = arith.constant 0 : i32
    %scan3A_14 = arith.constant 400 : i32
    %scan3A_15 = arith.addi %scan3A_13, %scan3A_14 : i32
    %scan3A_16 = arith.constant 1 : i32
    scf.for %scan3A_24 = %scan3A_13 to %scan3A_15 step %scan3A_16  : i32 {
      %mul3A_25 = arith.constant 16 : i32
      %mul3A_26 = arith.muli %scan3A_24, %mul3A_25 : i32
      %jit3A = arith.constant 3200 : i32
      %div3A = arith.divsi %mul3A_26, %jit3A : i32
      %sign3A = arith.constant 0 : i32
      %sign3A_27 = arith.cmpi sgt, %mul3A_26, %sign3A : i32
      %sign3A_28 = arith.extui %sign3A_27 : i1 to i32
      %sign3A_29 = arith.constant 0 : i32
      %sign3A_30 = arith.cmpi slt, %mul3A_26, %sign3A_29 : i32
      %sign3A_31 = arith.extui %sign3A_30 : i1 to i32
      %sign3A_32 = arith.subi %sign3A_28, %sign3A_31 : i32
      %sign3A_33 = arith.constant 0 : i32
      %sign3A_34 = arith.cmpi sgt, %jit3A, %sign3A_33 : i32
      %sign3A_35 = arith.extui %sign3A_34 : i1 to i32
      %sign3A_36 = arith.constant 0 : i32
      %sign3A_37 = arith.cmpi slt, %jit3A, %sign3A_36 : i32
      %sign3A_38 = arith.extui %sign3A_37 : i1 to i32
      %sign3A_39 = arith.subi %sign3A_35, %sign3A_38 : i32
      %ne3A = arith.cmpi ne, %sign3A_32, %sign3A_39 : i32
      %rem3A = arith.remsi %mul3A_26, %jit3A : i32
      %ne3A_40 = arith.constant 0 : i32
      %ne3A_41 = arith.cmpi ne, %rem3A, %ne3A_40 : i32
      %and3A_42 = arith.andi %ne3A, %ne3A_41 : i1
      %sub3A = arith.constant 1 : i32
      %sub3A_43 = arith.subi %div3A, %sub3A : i32
      %select_n3A = arith.select %and3A_42, %sub3A_43, %div3A : i32
      %jit3A_44 = arith.constant 3200 : i32
      %eq3A = arith.constant 0 : i32
      %eq3A_45 = arith.cmpi eq, %jit3A_44, %eq3A : i32
      %jit3A_46 = arith.constant 1 : i32
      %select_n3A_47 = arith.select %eq3A_45, %jit3A_46, %jit3A_44 : i32
      %rem3A_48 = arith.remsi %mul3A_26, %select_n3A_47 : i32
      %ne3A_49 = arith.constant 0 : i32
      %ne3A_50 = arith.cmpi ne, %rem3A_48, %ne3A_49 : i32
      %lt3A = arith.constant 0 : i32
      %lt3A_51 = arith.cmpi slt, %rem3A_48, %lt3A : i32
      %lt3A_52 = arith.constant 0 : i32
      %lt3A_53 = arith.cmpi slt, %select_n3A_47, %lt3A_52 : i32
      %ne3A_54 = arith.xori %lt3A_51, %lt3A_53 : i1
      %and3A_55 = arith.andi %ne3A_54, %ne3A_50 : i1
      %add3A_56 = arith.addi %rem3A_48, %select_n3A_47 : i32
      %select_n3A_57 = arith.select %and3A_55, %add3A_56, %rem3A_48 : i32
      %jit3A_58 = arith.constant 2 : i32
      %div3A_59 = arith.divsi %select_n3A_57, %jit3A_58 : i32
      %sign3A_60 = arith.constant 0 : i32
      %sign3A_61 = arith.cmpi sgt, %select_n3A_57, %sign3A_60 : i32
      %sign3A_62 = arith.extui %sign3A_61 : i1 to i32
      %sign3A_63 = arith.constant 0 : i32
      %sign3A_64 = arith.cmpi slt, %select_n3A_57, %sign3A_63 : i32
      %sign3A_65 = arith.extui %sign3A_64 : i1 to i32
      %sign3A_66 = arith.subi %sign3A_62, %sign3A_65 : i32
      %sign3A_67 = arith.constant 0 : i32
      %sign3A_68 = arith.cmpi sgt, %jit3A_58, %sign3A_67 : i32
      %sign3A_69 = arith.extui %sign3A_68 : i1 to i32
      %sign3A_70 = arith.constant 0 : i32
      %sign3A_71 = arith.cmpi slt, %jit3A_58, %sign3A_70 : i32
      %sign3A_72 = arith.extui %sign3A_71 : i1 to i32
      %sign3A_73 = arith.subi %sign3A_69, %sign3A_72 : i32
      %ne3A_74 = arith.cmpi ne, %sign3A_66, %sign3A_73 : i32
      %rem3A_75 = arith.remsi %select_n3A_57, %jit3A_58 : i32
      %ne3A_76 = arith.constant 0 : i32
      %ne3A_77 = arith.cmpi ne, %rem3A_75, %ne3A_76 : i32
      %and3A_78 = arith.andi %ne3A_74, %ne3A_77 : i1
      %sub3A_79 = arith.constant 1 : i32
      %sub3A_80 = arith.subi %div3A_59, %sub3A_79 : i32
      %select_n3A_81 = arith.select %and3A_78, %sub3A_80, %div3A_59 : i32
      %mul3A_82 = arith.constant 3200 : i32
      %mul3A_83 = arith.muli %select_n3A, %mul3A_82 : i32
      %add3A_84 = arith.addi %mul3A_83, %select_n3A_81 : i32
      %add3A_85 = vector.broadcast %add3A_84 : i32 to vector<16xi32>
      %add3A_86 = arith.addi %add3A_12, %add3A_85 : vector<16xi32>
      %shift_right_arithmetic3A_87 = arith.constant 7 : i32
      %shift_right_arithmetic3A_88 = vector.broadcast %shift_right_arithmetic3A_87 : i32 to vector<16xi32>
      %shift_right_arithmetic3A_89 = arith.shrsi %add3A_86, %shift_right_arithmetic3A_88 : vector<16xi32>
      %and3A_90 = arith.constant 127 : i32
      %and3A_91 = vector.broadcast %and3A_90 : i32 to vector<16xi32>
      %and3A_92 = arith.andi %add3A_86, %and3A_91 : vector<16xi32>
      %gather3A = tpu.vector_load_idx %arg5[%shift_right_arithmetic3A_89, %and3A_92] : memref<50x128xi32, #tpu.memory_space<vmem>>[vector<16xi32>, vector<16xi32>], vector<16xi32>,
      %jit3A_93 = arith.constant 8 : i32
      %div3A_94 = arith.divsi %scan3A_24, %jit3A_93 : i32
      %sign3A_95 = arith.constant 0 : i32
      %sign3A_96 = arith.cmpi sgt, %scan3A_24, %sign3A_95 : i32
      %sign3A_97 = arith.extui %sign3A_96 : i1 to i32
      %sign3A_98 = arith.constant 0 : i32
      %sign3A_99 = arith.cmpi slt, %scan3A_24, %sign3A_98 : i32
      %sign3A_100 = arith.extui %sign3A_99 : i1 to i32
      %sign3A_101 = arith.subi %sign3A_97, %sign3A_100 : i32
      %sign3A_102 = arith.constant 0 : i32
      %sign3A_103 = arith.cmpi sgt, %jit3A_93, %sign3A_102 : i32
      %sign3A_104 = arith.extui %sign3A_103 : i1 to i32
      %sign3A_105 = arith.constant 0 : i32
      %sign3A_106 = arith.cmpi slt, %jit3A_93, %sign3A_105 : i32
      %sign3A_107 = arith.extui %sign3A_106 : i1 to i32
      %sign3A_108 = arith.subi %sign3A_104, %sign3A_107 : i32
      %ne3A_109 = arith.cmpi ne, %sign3A_101, %sign3A_108 : i32
      %rem3A_110 = arith.remsi %scan3A_24, %jit3A_93 : i32
      %ne3A_111 = arith.constant 0 : i32
      %ne3A_112 = arith.cmpi ne, %rem3A_110, %ne3A_111 : i32
      %and3A_113 = arith.andi %ne3A_109, %ne3A_112 : i1
      %sub3A_114 = arith.constant 1 : i32
      %sub3A_115 = arith.subi %div3A_94, %sub3A_114 : i32
      %select_n3A_116 = arith.select %and3A_113, %sub3A_115, %div3A_94 : i32
      %jit3A_117 = arith.constant 8 : i32
      %eq3A_118 = arith.constant 0 : i32
      %eq3A_119 = arith.cmpi eq, %jit3A_117, %eq3A_118 : i32
      %jit3A_120 = arith.constant 1 : i32
      %select_n3A_121 = arith.select %eq3A_119, %jit3A_120, %jit3A_117 : i32
      %rem3A_122 = arith.remsi %scan3A_24, %select_n3A_121 : i32
      %ne3A_123 = arith.constant 0 : i32
      %ne3A_124 = arith.cmpi ne, %rem3A_122, %ne3A_123 : i32
      %lt3A_125 = arith.constant 0 : i32
      %lt3A_126 = arith.cmpi slt, %rem3A_122, %lt3A_125 : i32
      %lt3A_127 = arith.constant 0 : i32
      %lt3A_128 = arith.cmpi slt, %select_n3A_121, %lt3A_127 : i32
      %ne3A_129 = arith.xori %lt3A_126, %lt3A_128 : i1
      %and3A_130 = arith.andi %ne3A_129, %ne3A_124 : i1
      %add3A_131 = arith.addi %rem3A_122, %select_n3A_121 : i32
      %select_n3A_132 = arith.select %and3A_130, %add3A_131, %rem3A_122 : i32
      %mul3A_133 = arith.constant 16 : i32
      %mul3A_134 = arith.muli %select_n3A_132, %mul3A_133 : i32
      %swap3A = arith.index_cast %select_n3A_116 : i32 to index
      %swap3A_135 = arith.index_cast %mul3A_134 : i32 to index
      %swap3A_136 = tpu.vector_load %arg6[%swap3A, %swap3A_135] {strides = array<i32>} : memref<50x128xi32, #tpu.memory_space<vmem>>, vector<16xi32>,
      tpu.vector_store %arg6[%swap3A, %swap3A_135], %gather3A {strides = array<i32>} : memref<50x128xi32, #tpu.memory_space<vmem>>, vector<16xi32>,
    }
    %scan3A_17 = arith.constant 400 : i32
    %scan3A_18 = arith.constant 0 : i32
    %scan3A_19 = arith.constant 0 : i32
    %scan3A_20 = arith.constant 10 : i32
    %scan3A_21 = arith.addi %scan3A_19, %scan3A_20 : i32
    %scan3A_22 = arith.constant 1 : i32
    scf.for %scan3A_24 = %scan3A_19 to %scan3A_21 step %scan3A_22  : i32 {
      %mul3A_25 = arith.constant 5 : i32
      %mul3A_26 = arith.muli %scan3A_24, %mul3A_25 : i32
      %add3A_27 = arith.constant 0 : i32
      %add3A_28 = arith.addi %mul3A_26, %add3A_27 : i32
      %dma_start3A = arith.constant 0 : i32
      %dma_start3A_29 = arith.constant 0 : i32
      %dma_start3A_30 = tpu.memref_slice %arg7[%dma_start3A, %dma_start3A_29] : memref<640x64xf32, #tpu.memory_space<vmem>> -> memref<128x64xf32, #tpu.memory_space<vmem>>
      %dma_start3A_31 = arith.constant 0 : i32
      %dma_start3A_32 = tpu.memref_slice %arg6[%add3A_28, %dma_start3A_31] : memref<50x128xi32, #tpu.memory_space<vmem>> -> memref<1x128xi32, #tpu.memory_space<vmem>>
      %dma_start3A_33 = tpu.memref_squeeze %dma_start3A_32 : memref<1x128xi32, #tpu.memory_space<vmem>> -> memref<128xi32, #tpu.memory_space<vmem>>
      %dma_start3A_34 = arith.constant 0 : i32
      %dma_start3A_35 = arith.constant 0 : i32
      %dma_start3A_36 = tpu.memref_slice %arg3[%dma_start3A_34, %dma_start3A_35] : memref<1000000x64xf32, #tpu.memory_space<hbm>> -> memref<1000000x64xf32, #tpu.memory_space<hbm>>
      tpu.enqueue_indirect_dma source(%dma_start3A_36 : memref<1000000x64xf32, #tpu.memory_space<hbm>>) target(%dma_start3A_30 : memref<128x64xf32, #tpu.memory_space<vmem>>) offsets(%dma_start3A_33 : memref<128xi32, #tpu.memory_space<vmem>>) semaphore(%arg8 : memref<!tpu.dma_semaphore, #tpu.memory_space<semaphore_mem>>)
      %mul3A_37 = arith.constant 5 : i32
      %mul3A_38 = arith.muli %scan3A_24, %mul3A_37 : i32
      %add3A_39 = arith.constant 1 : i32
      %add3A_40 = arith.addi %mul3A_38, %add3A_39 : i32
      %dma_start3A_41 = arith.constant 128 : i32
      %dma_start3A_42 = arith.constant 0 : i32
      %dma_start3A_43 = tpu.memref_slice %arg7[%dma_start3A_41, %dma_start3A_42] : memref<640x64xf32, #tpu.memory_space<vmem>> -> memref<128x64xf32, #tpu.memory_space<vmem>>
      %dma_start3A_44 = arith.constant 0 : i32
      %dma_start3A_45 = tpu.memref_slice %arg6[%add3A_40, %dma_start3A_44] : memref<50x128xi32, #tpu.memory_space<vmem>> -> memref<1x128xi32, #tpu.memory_space<vmem>>
      %dma_start3A_46 = tpu.memref_squeeze %dma_start3A_45 : memref<1x128xi32, #tpu.memory_space<vmem>> -> memref<128xi32, #tpu.memory_space<vmem>>
      %dma_start3A_47 = arith.constant 0 : i32
      %dma_start3A_48 = arith.constant 0 : i32
      %dma_start3A_49 = tpu.memref_slice %arg3[%dma_start3A_47, %dma_start3A_48] : memref<1000000x64xf32, #tpu.memory_space<hbm>> -> memref<1000000x64xf32, #tpu.memory_space<hbm>>
      tpu.enqueue_indirect_dma source(%dma_start3A_49 : memref<1000000x64xf32, #tpu.memory_space<hbm>>) target(%dma_start3A_43 : memref<128x64xf32, #tpu.memory_space<vmem>>) offsets(%dma_start3A_46 : memref<128xi32, #tpu.memory_space<vmem>>) semaphore(%arg8 : memref<!tpu.dma_semaphore, #tpu.memory_space<semaphore_mem>>)
      %mul3A_50 = arith.constant 5 : i32
      %mul3A_51 = arith.muli %scan3A_24, %mul3A_50 : i32
      %add3A_52 = arith.constant 2 : i32
      %add3A_53 = arith.addi %mul3A_51, %add3A_52 : i32
      %dma_start3A_54 = arith.constant 256 : i32
      %dma_start3A_55 = arith.constant 0 : i32
      %dma_start3A_56 = tpu.memref_slice %arg7[%dma_start3A_54, %dma_start3A_55] : memref<640x64xf32, #tpu.memory_space<vmem>> -> memref<128x64xf32, #tpu.memory_space<vmem>>
      %dma_start3A_57 = arith.constant 0 : i32
      %dma_start3A_58 = tpu.memref_slice %arg6[%add3A_53, %dma_start3A_57] : memref<50x128xi32, #tpu.memory_space<vmem>> -> memref<1x128xi32, #tpu.memory_space<vmem>>
      %dma_start3A_59 = tpu.memref_squeeze %dma_start3A_58 : memref<1x128xi32, #tpu.memory_space<vmem>> -> memref<128xi32, #tpu.memory_space<vmem>>
      %dma_start3A_60 = arith.constant 0 : i32
      %dma_start3A_61 = arith.constant 0 : i32
      %dma_start3A_62 = tpu.memref_slice %arg3[%dma_start3A_60, %dma_start3A_61] : memref<1000000x64xf32, #tpu.memory_space<hbm>> -> memref<1000000x64xf32, #tpu.memory_space<hbm>>
      tpu.enqueue_indirect_dma source(%dma_start3A_62 : memref<1000000x64xf32, #tpu.memory_space<hbm>>) target(%dma_start3A_56 : memref<128x64xf32, #tpu.memory_space<vmem>>) offsets(%dma_start3A_59 : memref<128xi32, #tpu.memory_space<vmem>>) semaphore(%arg8 : memref<!tpu.dma_semaphore, #tpu.memory_space<semaphore_mem>>)
      %mul3A_63 = arith.constant 5 : i32
      %mul3A_64 = arith.muli %scan3A_24, %mul3A_63 : i32
      %add3A_65 = arith.constant 3 : i32
      %add3A_66 = arith.addi %mul3A_64, %add3A_65 : i32
      %dma_start3A_67 = arith.constant 384 : i32
      %dma_start3A_68 = arith.constant 0 : i32
      %dma_start3A_69 = tpu.memref_slice %arg7[%dma_start3A_67, %dma_start3A_68] : memref<640x64xf32, #tpu.memory_space<vmem>> -> memref<128x64xf32, #tpu.memory_space<vmem>>
      %dma_start3A_70 = arith.constant 0 : i32
      %dma_start3A_71 = tpu.memref_slice %arg6[%add3A_66, %dma_start3A_70] : memref<50x128xi32, #tpu.memory_space<vmem>> -> memref<1x128xi32, #tpu.memory_space<vmem>>
      %dma_start3A_72 = tpu.memref_squeeze %dma_start3A_71 : memref<1x128xi32, #tpu.memory_space<vmem>> -> memref<128xi32, #tpu.memory_space<vmem>>
      %dma_start3A_73 = arith.constant 0 : i32
      %dma_start3A_74 = arith.constant 0 : i32
      %dma_start3A_75 = tpu.memref_slice %arg3[%dma_start3A_73, %dma_start3A_74] : memref<1000000x64xf32, #tpu.memory_space<hbm>> -> memref<1000000x64xf32, #tpu.memory_space<hbm>>
      tpu.enqueue_indirect_dma source(%dma_start3A_75 : memref<1000000x64xf32, #tpu.memory_space<hbm>>) target(%dma_start3A_69 : memref<128x64xf32, #tpu.memory_space<vmem>>) offsets(%dma_start3A_72 : memref<128xi32, #tpu.memory_space<vmem>>) semaphore(%arg8 : memref<!tpu.dma_semaphore, #tpu.memory_space<semaphore_mem>>)
      %mul3A_76 = arith.constant 5 : i32
      %mul3A_77 = arith.muli %scan3A_24, %mul3A_76 : i32
      %add3A_78 = arith.constant 4 : i32
      %add3A_79 = arith.addi %mul3A_77, %add3A_78 : i32
      %dma_start3A_80 = arith.constant 512 : i32
      %dma_start3A_81 = arith.constant 0 : i32
      %dma_start3A_82 = tpu.memref_slice %arg7[%dma_start3A_80, %dma_start3A_81] : memref<640x64xf32, #tpu.memory_space<vmem>> -> memref<128x64xf32, #tpu.memory_space<vmem>>
      %dma_start3A_83 = arith.constant 0 : i32
      %dma_start3A_84 = tpu.memref_slice %arg6[%add3A_79, %dma_start3A_83] : memref<50x128xi32, #tpu.memory_space<vmem>> -> memref<1x128xi32, #tpu.memory_space<vmem>>
      %dma_start3A_85 = tpu.memref_squeeze %dma_start3A_84 : memref<1x128xi32, #tpu.memory_space<vmem>> -> memref<128xi32, #tpu.memory_space<vmem>>
      %dma_start3A_86 = arith.constant 0 : i32
      %dma_start3A_87 = arith.constant 0 : i32
      %dma_start3A_88 = tpu.memref_slice %arg3[%dma_start3A_86, %dma_start3A_87] : memref<1000000x64xf32, #tpu.memory_space<hbm>> -> memref<1000000x64xf32, #tpu.memory_space<hbm>>
      tpu.enqueue_indirect_dma source(%dma_start3A_88 : memref<1000000x64xf32, #tpu.memory_space<hbm>>) target(%dma_start3A_82 : memref<128x64xf32, #tpu.memory_space<vmem>>) offsets(%dma_start3A_85 : memref<128xi32, #tpu.memory_space<vmem>>) semaphore(%arg8 : memref<!tpu.dma_semaphore, #tpu.memory_space<semaphore_mem>>)
      %dma_wait3A = arith.constant 0 : i32
      %dma_wait3A_89 = arith.constant 0 : i32
      %dma_wait3A_90 = tpu.memref_slice %arg7[%dma_wait3A, %dma_wait3A_89] : memref<640x64xf32, #tpu.memory_space<vmem>> -> memref<128x64xf32, #tpu.memory_space<vmem>>
      %dma_wait3A_91 = arith.constant 0 : i32
      %dma_wait3A_92 = tpu.memref_slice %arg6[%add3A_28, %dma_wait3A_91] : memref<50x128xi32, #tpu.memory_space<vmem>> -> memref<1x128xi32, #tpu.memory_space<vmem>>
      %dma_wait3A_93 = tpu.memref_squeeze %dma_wait3A_92 : memref<1x128xi32, #tpu.memory_space<vmem>> -> memref<128xi32, #tpu.memory_space<vmem>>
      %dma_wait3A_94 = arith.constant 0 : i32
      %dma_wait3A_95 = arith.constant 0 : i32
      %dma_wait3A_96 = tpu.memref_slice %arg3[%dma_wait3A_94, %dma_wait3A_95] : memref<1000000x64xf32, #tpu.memory_space<hbm>> -> memref<1000000x64xf32, #tpu.memory_space<hbm>>
      tpu.wait_indirect_dma semaphore(%arg8 : memref<!tpu.dma_semaphore, #tpu.memory_space<semaphore_mem>>) src(%dma_wait3A_96 : memref<1000000x64xf32, #tpu.memory_space<hbm>>) dst(%dma_wait3A_90 : memref<128x64xf32, #tpu.memory_space<vmem>>)
      %dma_wait3A_97 = arith.constant 128 : i32
      %dma_wait3A_98 = arith.constant 0 : i32
      %dma_wait3A_99 = tpu.memref_slice %arg7[%dma_wait3A_97, %dma_wait3A_98] : memref<640x64xf32, #tpu.memory_space<vmem>> -> memref<128x64xf32, #tpu.memory_space<vmem>>
      %dma_wait3A_100 = arith.constant 0 : i32
      %dma_wait3A_101 = tpu.memref_slice %arg6[%add3A_40, %dma_wait3A_100] : memref<50x128xi32, #tpu.memory_space<vmem>> -> memref<1x128xi32, #tpu.memory_space<vmem>>
      %dma_wait3A_102 = tpu.memref_squeeze %dma_wait3A_101 : memref<1x128xi32, #tpu.memory_space<vmem>> -> memref<128xi32, #tpu.memory_space<vmem>>
      %dma_wait3A_103 = arith.constant 0 : i32
      %dma_wait3A_104 = arith.constant 0 : i32
      %dma_wait3A_105 = tpu.memref_slice %arg3[%dma_wait3A_103, %dma_wait3A_104] : memref<1000000x64xf32, #tpu.memory_space<hbm>> -> memref<1000000x64xf32, #tpu.memory_space<hbm>>
      tpu.wait_indirect_dma semaphore(%arg8 : memref<!tpu.dma_semaphore, #tpu.memory_space<semaphore_mem>>) src(%dma_wait3A_105 : memref<1000000x64xf32, #tpu.memory_space<hbm>>) dst(%dma_wait3A_99 : memref<128x64xf32, #tpu.memory_space<vmem>>)
      %dma_wait3A_106 = arith.constant 256 : i32
      %dma_wait3A_107 = arith.constant 0 : i32
      %dma_wait3A_108 = tpu.memref_slice %arg7[%dma_wait3A_106, %dma_wait3A_107] : memref<640x64xf32, #tpu.memory_space<vmem>> -> memref<128x64xf32, #tpu.memory_space<vmem>>
      %dma_wait3A_109 = arith.constant 0 : i32
      %dma_wait3A_110 = tpu.memref_slice %arg6[%add3A_53, %dma_wait3A_109] : memref<50x128xi32, #tpu.memory_space<vmem>> -> memref<1x128xi32, #tpu.memory_space<vmem>>
      %dma_wait3A_111 = tpu.memref_squeeze %dma_wait3A_110 : memref<1x128xi32, #tpu.memory_space<vmem>> -> memref<128xi32, #tpu.memory_space<vmem>>
      %dma_wait3A_112 = arith.constant 0 : i32
      %dma_wait3A_113 = arith.constant 0 : i32
      %dma_wait3A_114 = tpu.memref_slice %arg3[%dma_wait3A_112, %dma_wait3A_113] : memref<1000000x64xf32, #tpu.memory_space<hbm>> -> memref<1000000x64xf32, #tpu.memory_space<hbm>>
      tpu.wait_indirect_dma semaphore(%arg8 : memref<!tpu.dma_semaphore, #tpu.memory_space<semaphore_mem>>) src(%dma_wait3A_114 : memref<1000000x64xf32, #tpu.memory_space<hbm>>) dst(%dma_wait3A_108 : memref<128x64xf32, #tpu.memory_space<vmem>>)
      %dma_wait3A_115 = arith.constant 384 : i32
      %dma_wait3A_116 = arith.constant 0 : i32
      %dma_wait3A_117 = tpu.memref_slice %arg7[%dma_wait3A_115, %dma_wait3A_116] : memref<640x64xf32, #tpu.memory_space<vmem>> -> memref<128x64xf32, #tpu.memory_space<vmem>>
      %dma_wait3A_118 = arith.constant 0 : i32
      %dma_wait3A_119 = tpu.memref_slice %arg6[%add3A_66, %dma_wait3A_118] : memref<50x128xi32, #tpu.memory_space<vmem>> -> memref<1x128xi32, #tpu.memory_space<vmem>>
      %dma_wait3A_120 = tpu.memref_squeeze %dma_wait3A_119 : memref<1x128xi32, #tpu.memory_space<vmem>> -> memref<128xi32, #tpu.memory_space<vmem>>
      %dma_wait3A_121 = arith.constant 0 : i32
      %dma_wait3A_122 = arith.constant 0 : i32
      %dma_wait3A_123 = tpu.memref_slice %arg3[%dma_wait3A_121, %dma_wait3A_122] : memref<1000000x64xf32, #tpu.memory_space<hbm>> -> memref<1000000x64xf32, #tpu.memory_space<hbm>>
      tpu.wait_indirect_dma semaphore(%arg8 : memref<!tpu.dma_semaphore, #tpu.memory_space<semaphore_mem>>) src(%dma_wait3A_123 : memref<1000000x64xf32, #tpu.memory_space<hbm>>) dst(%dma_wait3A_117 : memref<128x64xf32, #tpu.memory_space<vmem>>)
      %dma_wait3A_124 = arith.constant 512 : i32
      %dma_wait3A_125 = arith.constant 0 : i32
      %dma_wait3A_126 = tpu.memref_slice %arg7[%dma_wait3A_124, %dma_wait3A_125] : memref<640x64xf32, #tpu.memory_space<vmem>> -> memref<128x64xf32, #tpu.memory_space<vmem>>
      %dma_wait3A_127 = arith.constant 0 : i32
      %dma_wait3A_128 = tpu.memref_slice %arg6[%add3A_79, %dma_wait3A_127] : memref<50x128xi32, #tpu.memory_space<vmem>> -> memref<1x128xi32, #tpu.memory_space<vmem>>
      %dma_wait3A_129 = tpu.memref_squeeze %dma_wait3A_128 : memref<1x128xi32, #tpu.memory_space<vmem>> -> memref<128xi32, #tpu.memory_space<vmem>>
      %dma_wait3A_130 = arith.constant 0 : i32
      %dma_wait3A_131 = arith.constant 0 : i32
      %dma_wait3A_132 = tpu.memref_slice %arg3[%dma_wait3A_130, %dma_wait3A_131] : memref<1000000x64xf32, #tpu.memory_space<hbm>> -> memref<1000000x64xf32, #tpu.memory_space<hbm>>
      tpu.wait_indirect_dma semaphore(%arg8 : memref<!tpu.dma_semaphore, #tpu.memory_space<semaphore_mem>>) src(%dma_wait3A_132 : memref<1000000x64xf32, #tpu.memory_space<hbm>>) dst(%dma_wait3A_126 : memref<128x64xf32, #tpu.memory_space<vmem>>)
      %mul3A_133 = arith.constant 640 : i32
      %mul3A_134 = arith.muli %scan3A_24, %mul3A_133 : i32
      %add3A_135 = arith.addi %mul3A_2, %mul3A_134 : i32
      "tpu.region"() ({
        %run_scoped3A = tpu.sem_alloc : memref<!tpu.dma_semaphore, #tpu.memory_space<semaphore_mem>>
        %dma_start3A_136 = arith.constant 0 : i32
        %dma_start3A_137 = tpu.memref_slice %arg4[%add3A_135, %dma_start3A_136] : memref<204800x64xf32, #tpu.memory_space<hbm>> -> memref<640x64xf32, #tpu.memory_space<hbm>>
        %dma_start3A_138 = arith.constant 0 : i32
        %dma_start3A_139 = tpu.memref_slice %arg4[%add3A_135, %dma_start3A_138] : memref<204800x64xf32, #tpu.memory_space<hbm>> -> memref<640x64xf32, #tpu.memory_space<hbm>>
        tpu.enqueue_dma source(%arg7 : memref<640x64xf32, #tpu.memory_space<vmem>>) target(%dma_start3A_139 : memref<640x64xf32, #tpu.memory_space<hbm>>) target_semaphore(%run_scoped3A : memref<!tpu.dma_semaphore, #tpu.memory_space<semaphore_mem>>)
        %dma_wait3A_140 = arith.constant 0 : i32
        %dma_wait3A_141 = tpu.memref_slice %arg4[%add3A_135, %dma_wait3A_140] : memref<204800x64xf32, #tpu.memory_space<hbm>> -> memref<640x64xf32, #tpu.memory_space<hbm>>
        %dma_wait3A_142 = arith.constant 0 : i32
        %dma_wait3A_143 = tpu.memref_slice %arg4[%add3A_135, %dma_wait3A_142] : memref<204800x64xf32, #tpu.memory_space<hbm>> -> memref<640x64xf32, #tpu.memory_space<hbm>>
        tpu.wait_dma2 semaphore(%run_scoped3A : memref<!tpu.dma_semaphore, #tpu.memory_space<semaphore_mem>>) src(%arg7 : memref<640x64xf32, #tpu.memory_space<vmem>>) dst(%dma_wait3A_143 : memref<640x64xf32, #tpu.memory_space<hbm>>)
        tpu.yield
      }) : () -> ()
    }
    %scan3A_23 = arith.constant 10 : i32
    return
  }
}

module attributes {stable_mosaic.version = 14 : i64} {
  func.func @body(%arg0: i32, %arg1: memref<1600x128xf32, #tpu.memory_space<vmem>>, %arg2: memref<1600x128xf32, #tpu.memory_space<vmem>>, %arg3: memref<256x256xbf16, #tpu.memory_space<vmem>>, %arg4: memref<256x256xbf16, #tpu.memory_space<vmem>>, %arg5: memref<1x256xf32, #tpu.memory_space<vmem>>, %arg6: memref<256x256xbf16, #tpu.memory_space<vmem>>, %arg7: memref<1x256xf32, #tpu.memory_space<vmem>>, %arg8: memref<256x256xbf16, #tpu.memory_space<vmem>>, %arg9: memref<1x256xf32, #tpu.memory_space<vmem>>, %arg10: memref<256x256xbf16, #tpu.memory_space<vmem>>, %arg11: memref<1x256xf32, #tpu.memory_space<vmem>>, %arg12: memref<6400x64xf32, #tpu.memory_space<vmem>>) attributes {dimension_semantics = [#tpu.dimension_semantics<arbitrary>], iteration_bounds = array<i64: 32>, scalar_prefetch = 0 : i64, scratch_operands = 0 : i64, tpu.core_type = #tpu.core_type<tc>, window_params = [{transform_indices = @transform_0, window_bounds = array<i64: 1600, 128>}, {transform_indices = @transform_1, window_bounds = array<i64: 1600, 128>}, {pipeline_mode = #tpu.pipeline_mode<synchronous>, transform_indices = @transform_2, window_bounds = array<i64: 256, 256>}, {pipeline_mode = #tpu.pipeline_mode<synchronous>, transform_indices = @transform_3, window_bounds = array<i64: 256, 256>}, {pipeline_mode = #tpu.pipeline_mode<synchronous>, transform_indices = @transform_4, window_bounds = array<i64: 1, 256>}, {pipeline_mode = #tpu.pipeline_mode<synchronous>, transform_indices = @transform_5, window_bounds = array<i64: 256, 256>}, {pipeline_mode = #tpu.pipeline_mode<synchronous>, transform_indices = @transform_6, window_bounds = array<i64: 1, 256>}, {pipeline_mode = #tpu.pipeline_mode<synchronous>, transform_indices = @transform_7, window_bounds = array<i64: 256, 256>}, {pipeline_mode = #tpu.pipeline_mode<synchronous>, transform_indices = @transform_8, window_bounds = array<i64: 1, 256>}, {pipeline_mode = #tpu.pipeline_mode<synchronous>, transform_indices = @transform_9, window_bounds = array<i64: 256, 256>}, {pipeline_mode = #tpu.pipeline_mode<synchronous>, transform_indices = @transform_10, window_bounds = array<i64: 1, 256>}, {transform_indices = @transform_11, window_bounds = array<i64: 6400, 64>}]} {
    %get3A = arith.constant 0 : index
    %get3A_0 = arith.constant 0 : index
    %get3A_1 = vector.load %arg1[%get3A, %get3A_0] : memref<1600x128xf32, #tpu.memory_space<vmem>>, vector<1600x128xf32>
    %get3A_2 = arith.constant 0 : index
    %get3A_3 = arith.constant 0 : index
    %get3A_4 = vector.load %arg2[%get3A_2, %get3A_3] : memref<1600x128xf32, #tpu.memory_space<vmem>>, vector<1600x128xf32>
    %concatenate3A = tpu.concatenate %get3A_1, %get3A_4 in 1 : vector<1600x128xf32>, vector<1600x128xf32> -> vector<1600x256xf32>
    %convert_element_type3A = arith.truncf %concatenate3A : vector<1600x256xf32> to vector<1600x256xbf16>
    %get3A_5 = arith.constant 0 : index
    %get3A_6 = arith.constant 0 : index
    %get3A_7 = vector.load %arg3[%get3A_5, %get3A_6] : memref<256x256xbf16, #tpu.memory_space<vmem>>, vector<256x256xbf16>
    %dot_general3A = arith.constant dense<0.000000e+00> : vector<1600x256xf32>
    %dot_general3A_8 = tpu.matmul %convert_element_type3A, %get3A_7, %dot_general3A {dimension_numbers = #tpu.dot_dimension_numbers<[1], [0], [0], [1], [0, 0, 1, 1], [], []>, transpose_lhs_hint = false} : vector<1600x256xbf16>, vector<256x256xbf16>, vector<1600x256xf32> -> vector<1600x256xf32>
    %convert_element_type3A_9 = arith.truncf %dot_general3A_8 : vector<1600x256xf32> to vector<1600x256xbf16>
    %get3A_10 = arith.constant 0 : index
    %get3A_11 = arith.constant 0 : index
    %get3A_12 = vector.load %arg4[%get3A_10, %get3A_11] : memref<256x256xbf16, #tpu.memory_space<vmem>>, vector<256x256xbf16>
    %dot_general3A_13 = arith.constant dense<0.000000e+00> : vector<1600x256xf32>
    %dot_general3A_14 = tpu.matmul %convert_element_type3A_9, %get3A_12, %dot_general3A_13 {dimension_numbers = #tpu.dot_dimension_numbers<[1], [0], [0], [1], [0, 0, 1, 1], [], []>, transpose_lhs_hint = false} : vector<1600x256xbf16>, vector<256x256xbf16>, vector<1600x256xf32> -> vector<1600x256xf32>
    %get3A_15 = arith.constant 0 : index
    %get3A_16 = arith.constant 0 : index
    %get3A_17 = vector.load %arg5[%get3A_15, %get3A_16] : memref<1x256xf32, #tpu.memory_space<vmem>>, vector<1x256xf32>
    %add3A = vector.broadcast %get3A_17 : vector<1x256xf32> to vector<1600x256xf32>
    %add3A_18 = arith.addf %dot_general3A_14, %add3A : vector<1600x256xf32>
    %neg3A = arith.constant 0.000000e+00 : f32
    %neg3A_19 = vector.broadcast %neg3A : f32 to vector<1600x256xf32>
    %neg3A_20 = arith.subf %neg3A_19, %add3A_18 : vector<1600x256xf32>
    %exp3A = math.exp %neg3A_20 : vector<1600x256xf32>
    %add3A_21 = arith.constant 1.000000e+00 : f32
    %add3A_22 = vector.broadcast %add3A_21 : f32 to vector<1600x256xf32>
    %add3A_23 = arith.addf %add3A_22, %exp3A : vector<1600x256xf32>
    %div3A = arith.constant 1.000000e+00 : f32
    %div3A_24 = vector.broadcast %div3A : f32 to vector<1600x256xf32>
    %div3A_25 = arith.divf %div3A_24, %add3A_23 : vector<1600x256xf32>
    %get3A_26 = arith.constant 0 : index
    %get3A_27 = arith.constant 0 : index
    %get3A_28 = vector.load %arg6[%get3A_26, %get3A_27] : memref<256x256xbf16, #tpu.memory_space<vmem>>, vector<256x256xbf16>
    %dot_general3A_29 = arith.constant dense<0.000000e+00> : vector<1600x256xf32>
    %dot_general3A_30 = tpu.matmul %convert_element_type3A_9, %get3A_28, %dot_general3A_29 {dimension_numbers = #tpu.dot_dimension_numbers<[1], [0], [0], [1], [0, 0, 1, 1], [], []>, transpose_lhs_hint = false} : vector<1600x256xbf16>, vector<256x256xbf16>, vector<1600x256xf32> -> vector<1600x256xf32>
    %get3A_31 = arith.constant 0 : index
    %get3A_32 = arith.constant 0 : index
    %get3A_33 = vector.load %arg7[%get3A_31, %get3A_32] : memref<1x256xf32, #tpu.memory_space<vmem>>, vector<1x256xf32>
    %add3A_34 = vector.broadcast %get3A_33 : vector<1x256xf32> to vector<1600x256xf32>
    %add3A_35 = arith.addf %dot_general3A_30, %add3A_34 : vector<1600x256xf32>
    %max3A = arith.constant 0.000000e+00 : f32
    %max3A_36 = vector.broadcast %max3A : f32 to vector<1600x256xf32>
    %max3A_37 = arith.maximumf %add3A_35, %max3A_36 : vector<1600x256xf32>
    %mul3A = arith.mulf %div3A_25, %max3A_37 : vector<1600x256xf32>
    %sub3A = arith.constant 1.000000e+00 : f32
    %sub3A_38 = vector.broadcast %sub3A : f32 to vector<1600x256xf32>
    %sub3A_39 = arith.subf %sub3A_38, %div3A_25 : vector<1600x256xf32>
    %mul3A_40 = arith.mulf %sub3A_39, %dot_general3A_8 : vector<1600x256xf32>
    %add3A_41 = arith.addf %mul3A, %mul3A_40 : vector<1600x256xf32>
    %convert_element_type3A_42 = arith.truncf %add3A_41 : vector<1600x256xf32> to vector<1600x256xbf16>
    %get3A_43 = arith.constant 0 : index
    %get3A_44 = arith.constant 0 : index
    %get3A_45 = vector.load %arg8[%get3A_43, %get3A_44] : memref<256x256xbf16, #tpu.memory_space<vmem>>, vector<256x256xbf16>
    %dot_general3A_46 = arith.constant dense<0.000000e+00> : vector<1600x256xf32>
    %dot_general3A_47 = tpu.matmul %convert_element_type3A_42, %get3A_45, %dot_general3A_46 {dimension_numbers = #tpu.dot_dimension_numbers<[1], [0], [0], [1], [0, 0, 1, 1], [], []>, transpose_lhs_hint = false} : vector<1600x256xbf16>, vector<256x256xbf16>, vector<1600x256xf32> -> vector<1600x256xf32>
    %get3A_48 = arith.constant 0 : index
    %get3A_49 = arith.constant 0 : index
    %get3A_50 = vector.load %arg9[%get3A_48, %get3A_49] : memref<1x256xf32, #tpu.memory_space<vmem>>, vector<1x256xf32>
    %add3A_51 = vector.broadcast %get3A_50 : vector<1x256xf32> to vector<1600x256xf32>
    %add3A_52 = arith.addf %dot_general3A_47, %add3A_51 : vector<1600x256xf32>
    %neg3A_53 = arith.constant 0.000000e+00 : f32
    %neg3A_54 = vector.broadcast %neg3A_53 : f32 to vector<1600x256xf32>
    %neg3A_55 = arith.subf %neg3A_54, %add3A_52 : vector<1600x256xf32>
    %exp3A_56 = math.exp %neg3A_55 : vector<1600x256xf32>
    %add3A_57 = arith.constant 1.000000e+00 : f32
    %add3A_58 = vector.broadcast %add3A_57 : f32 to vector<1600x256xf32>
    %add3A_59 = arith.addf %add3A_58, %exp3A_56 : vector<1600x256xf32>
    %div3A_60 = arith.constant 1.000000e+00 : f32
    %div3A_61 = vector.broadcast %div3A_60 : f32 to vector<1600x256xf32>
    %div3A_62 = arith.divf %div3A_61, %add3A_59 : vector<1600x256xf32>
    %get3A_63 = arith.constant 0 : index
    %get3A_64 = arith.constant 0 : index
    %get3A_65 = vector.load %arg10[%get3A_63, %get3A_64] : memref<256x256xbf16, #tpu.memory_space<vmem>>, vector<256x256xbf16>
    %dot_general3A_66 = arith.constant dense<0.000000e+00> : vector<1600x256xf32>
    %dot_general3A_67 = tpu.matmul %convert_element_type3A_42, %get3A_65, %dot_general3A_66 {dimension_numbers = #tpu.dot_dimension_numbers<[1], [0], [0], [1], [0, 0, 1, 1], [], []>, transpose_lhs_hint = false} : vector<1600x256xbf16>, vector<256x256xbf16>, vector<1600x256xf32> -> vector<1600x256xf32>
    %get3A_68 = arith.constant 0 : index
    %get3A_69 = arith.constant 0 : index
    %get3A_70 = vector.load %arg11[%get3A_68, %get3A_69] : memref<1x256xf32, #tpu.memory_space<vmem>>, vector<1x256xf32>
    %add3A_71 = vector.broadcast %get3A_70 : vector<1x256xf32> to vector<1600x256xf32>
    %add3A_72 = arith.addf %dot_general3A_67, %add3A_71 : vector<1600x256xf32>
    %max3A_73 = arith.constant 0.000000e+00 : f32
    %max3A_74 = vector.broadcast %max3A_73 : f32 to vector<1600x256xf32>
    %max3A_75 = arith.maximumf %add3A_72, %max3A_74 : vector<1600x256xf32>
    %mul3A_76 = arith.mulf %div3A_62, %max3A_75 : vector<1600x256xf32>
    %sub3A_77 = arith.constant 1.000000e+00 : f32
    %sub3A_78 = vector.broadcast %sub3A_77 : f32 to vector<1600x256xf32>
    %sub3A_79 = arith.subf %sub3A_78, %div3A_62 : vector<1600x256xf32>
    %mul3A_80 = arith.mulf %sub3A_79, %add3A_41 : vector<1600x256xf32>
    %add3A_81 = arith.addf %mul3A_76, %mul3A_80 : vector<1600x256xf32>
    %slice3A = vector.extract_strided_slice %add3A_81 {offsets = [0, 0], sizes = [1600, 64], strides = [1, 1]} : vector<1600x256xf32> to vector<1600x64xf32>
    %slice3A_82 = vector.extract_strided_slice %add3A_81 {offsets = [0, 64], sizes = [1600, 64], strides = [1, 1]} : vector<1600x256xf32> to vector<1600x64xf32>
    %slice3A_83 = vector.extract_strided_slice %add3A_81 {offsets = [0, 128], sizes = [1600, 64], strides = [1, 1]} : vector<1600x256xf32> to vector<1600x64xf32>
    %slice3A_84 = vector.extract_strided_slice %add3A_81 {offsets = [0, 192], sizes = [1600, 64], strides = [1, 1]} : vector<1600x256xf32> to vector<1600x64xf32>
    %concatenate3A_85 = tpu.concatenate %slice3A, %slice3A_82, %slice3A_83, %slice3A_84 in 0 : vector<1600x64xf32>, vector<1600x64xf32>, vector<1600x64xf32>, vector<1600x64xf32> -> vector<6400x64xf32>
    %swap3A = arith.constant 0 : index
    %swap3A_86 = arith.constant 0 : index
    %swap3A_87 = vector.load %arg12[%swap3A, %swap3A_86] : memref<6400x64xf32, #tpu.memory_space<vmem>>, vector<6400x64xf32>
    tpu.vector_store %arg12[%swap3A, %swap3A_86], %concatenate3A_85 {strides = array<i32>} : memref<6400x64xf32, #tpu.memory_space<vmem>>, vector<6400x64xf32>,
    return
  }
  func.func @transform_0(%arg0: i32) -> (i32, i32) {
    %mul3A = arith.constant 2 : i32
    %mul3A_0 = arith.muli %mul3A, %arg0 : i32
    %c0_i32 = arith.constant 0 : i32
    %c0_i32_1 = arith.constant 0 : i32
    return %mul3A_0, %c0_i32 : i32, i32
  }
  func.func @transform_1(%arg0: i32) -> (i32, i32) {
    %mul3A = arith.constant 2 : i32
    %mul3A_0 = arith.muli %mul3A, %arg0 : i32
    %add3A = arith.constant 1 : i32
    %add3A_1 = arith.addi %mul3A_0, %add3A : i32
    %c0_i32 = arith.constant 0 : i32
    %c0_i32_2 = arith.constant 0 : i32
    return %add3A_1, %c0_i32 : i32, i32
  }
  func.func @transform_2(%arg0: i32) -> (i32, i32) {
    %c0_i32 = arith.constant 0 : i32
    %c0_i32_0 = arith.constant 0 : i32
    %c0_i32_1 = arith.constant 0 : i32
    return %c0_i32, %c0_i32_0 : i32, i32
  }
  func.func @transform_3(%arg0: i32) -> (i32, i32) {
    %c0_i32 = arith.constant 0 : i32
    %c0_i32_0 = arith.constant 0 : i32
    %c0_i32_1 = arith.constant 0 : i32
    return %c0_i32, %c0_i32_0 : i32, i32
  }
  func.func @transform_4(%arg0: i32) -> (i32, i32) {
    %c0_i32 = arith.constant 0 : i32
    %c0_i32_0 = arith.constant 0 : i32
    %c0_i32_1 = arith.constant 0 : i32
    return %c0_i32, %c0_i32_0 : i32, i32
  }
  func.func @transform_5(%arg0: i32) -> (i32, i32) {
    %c0_i32 = arith.constant 0 : i32
    %c0_i32_0 = arith.constant 0 : i32
    %c0_i32_1 = arith.constant 0 : i32
    return %c0_i32, %c0_i32_0 : i32, i32
  }
  func.func @transform_6(%arg0: i32) -> (i32, i32) {
    %c0_i32 = arith.constant 0 : i32
    %c0_i32_0 = arith.constant 0 : i32
    %c0_i32_1 = arith.constant 0 : i32
    return %c0_i32, %c0_i32_0 : i32, i32
  }
  func.func @transform_7(%arg0: i32) -> (i32, i32) {
    %c0_i32 = arith.constant 0 : i32
    %c0_i32_0 = arith.constant 0 : i32
    %c0_i32_1 = arith.constant 0 : i32
    return %c0_i32, %c0_i32_0 : i32, i32
  }
  func.func @transform_8(%arg0: i32) -> (i32, i32) {
    %c0_i32 = arith.constant 0 : i32
    %c0_i32_0 = arith.constant 0 : i32
    %c0_i32_1 = arith.constant 0 : i32
    return %c0_i32, %c0_i32_0 : i32, i32
  }
  func.func @transform_9(%arg0: i32) -> (i32, i32) {
    %c0_i32 = arith.constant 0 : i32
    %c0_i32_0 = arith.constant 0 : i32
    %c0_i32_1 = arith.constant 0 : i32
    return %c0_i32, %c0_i32_0 : i32, i32
  }
  func.func @transform_10(%arg0: i32) -> (i32, i32) {
    %c0_i32 = arith.constant 0 : i32
    %c0_i32_0 = arith.constant 0 : i32
    %c0_i32_1 = arith.constant 0 : i32
    return %c0_i32, %c0_i32_0 : i32, i32
  }
  func.func @transform_11(%arg0: i32) -> (i32, i32) {
    %add3A = arith.constant 0 : i32
    %add3A_0 = arith.addi %add3A, %arg0 : i32
    %c0_i32 = arith.constant 0 : i32
    %c0_i32_1 = arith.constant 0 : i32
    return %add3A_0, %c0_i32 : i32, i32
  }
}

module attributes {stable_mosaic.version = 14 : i64} {
  func.func @body(%arg0: i32, %arg1: memref<1600x128xf32, #tpu.memory_space<vmem>>, %arg2: memref<1600x128xf32, #tpu.memory_space<vmem>>, %arg3: memref<256x256xbf16, #tpu.memory_space<vmem>>, %arg4: memref<256x256xbf16, #tpu.memory_space<vmem>>, %arg5: memref<1x256xf32, #tpu.memory_space<vmem>>, %arg6: memref<256x256xbf16, #tpu.memory_space<vmem>>, %arg7: memref<1x256xf32, #tpu.memory_space<vmem>>, %arg8: memref<256x256xbf16, #tpu.memory_space<vmem>>, %arg9: memref<1x256xf32, #tpu.memory_space<vmem>>, %arg10: memref<256x256xbf16, #tpu.memory_space<vmem>>, %arg11: memref<1x256xf32, #tpu.memory_space<vmem>>, %arg12: memref<819200x64xf32, #tpu.memory_space<any>>, %arg13: memref<6400x64xf32, #tpu.memory_space<vmem>>) attributes {dimension_semantics = [#tpu.dimension_semantics<arbitrary>], iteration_bounds = array<i64: 32>, scalar_prefetch = 0 : i64, scratch_operands = 0 : i64, tpu.core_type = #tpu.core_type<tc>, window_params = [{transform_indices = @transform_0, window_bounds = array<i64: 1600, 128>}, {transform_indices = @transform_1, window_bounds = array<i64: 1600, 128>}, {pipeline_mode = #tpu.pipeline_mode<synchronous>, transform_indices = @transform_2, window_bounds = array<i64: 256, 256>}, {pipeline_mode = #tpu.pipeline_mode<synchronous>, transform_indices = @transform_3, window_bounds = array<i64: 256, 256>}, {pipeline_mode = #tpu.pipeline_mode<synchronous>, transform_indices = @transform_4, window_bounds = array<i64: 1, 256>}, {pipeline_mode = #tpu.pipeline_mode<synchronous>, transform_indices = @transform_5, window_bounds = array<i64: 256, 256>}, {pipeline_mode = #tpu.pipeline_mode<synchronous>, transform_indices = @transform_6, window_bounds = array<i64: 1, 256>}, {pipeline_mode = #tpu.pipeline_mode<synchronous>, transform_indices = @transform_7, window_bounds = array<i64: 256, 256>}, {pipeline_mode = #tpu.pipeline_mode<synchronous>, transform_indices = @transform_8, window_bounds = array<i64: 1, 256>}, {pipeline_mode = #tpu.pipeline_mode<synchronous>, transform_indices = @transform_9, window_bounds = array<i64: 256, 256>}, {pipeline_mode = #tpu.pipeline_mode<synchronous>, transform_indices = @transform_10, window_bounds = array<i64: 1, 256>}, {}, {transform_indices = @transform_12, window_bounds = array<i64: 6400, 64>}]} {
    %get3A = arith.constant 0 : index
    %get3A_0 = arith.constant 0 : index
    %get3A_1 = vector.load %arg1[%get3A, %get3A_0] : memref<1600x128xf32, #tpu.memory_space<vmem>>, vector<1600x128xf32>
    %get3A_2 = arith.constant 0 : index
    %get3A_3 = arith.constant 0 : index
    %get3A_4 = vector.load %arg2[%get3A_2, %get3A_3] : memref<1600x128xf32, #tpu.memory_space<vmem>>, vector<1600x128xf32>
    %concatenate3A = tpu.concatenate %get3A_1, %get3A_4 in 1 : vector<1600x128xf32>, vector<1600x128xf32> -> vector<1600x256xf32>
    %convert_element_type3A = arith.truncf %concatenate3A : vector<1600x256xf32> to vector<1600x256xbf16>
    %get3A_5 = arith.constant 0 : index
    %get3A_6 = arith.constant 0 : index
    %get3A_7 = vector.load %arg3[%get3A_5, %get3A_6] : memref<256x256xbf16, #tpu.memory_space<vmem>>, vector<256x256xbf16>
    %dot_general3A = arith.constant dense<0.000000e+00> : vector<1600x256xf32>
    %dot_general3A_8 = tpu.matmul %convert_element_type3A, %get3A_7, %dot_general3A {dimension_numbers = #tpu.dot_dimension_numbers<[1], [0], [0], [1], [0, 0, 1, 1], [], []>, transpose_lhs_hint = false} : vector<1600x256xbf16>, vector<256x256xbf16>, vector<1600x256xf32> -> vector<1600x256xf32>
    %convert_element_type3A_9 = arith.truncf %dot_general3A_8 : vector<1600x256xf32> to vector<1600x256xbf16>
    %get3A_10 = arith.constant 0 : index
    %get3A_11 = arith.constant 0 : index
    %get3A_12 = vector.load %arg4[%get3A_10, %get3A_11] : memref<256x256xbf16, #tpu.memory_space<vmem>>, vector<256x256xbf16>
    %dot_general3A_13 = arith.constant dense<0.000000e+00> : vector<1600x256xf32>
    %dot_general3A_14 = tpu.matmul %convert_element_type3A_9, %get3A_12, %dot_general3A_13 {dimension_numbers = #tpu.dot_dimension_numbers<[1], [0], [0], [1], [0, 0, 1, 1], [], []>, transpose_lhs_hint = false} : vector<1600x256xbf16>, vector<256x256xbf16>, vector<1600x256xf32> -> vector<1600x256xf32>
    %get3A_15 = arith.constant 0 : index
    %get3A_16 = arith.constant 0 : index
    %get3A_17 = vector.load %arg5[%get3A_15, %get3A_16] : memref<1x256xf32, #tpu.memory_space<vmem>>, vector<1x256xf32>
    %add3A = vector.broadcast %get3A_17 : vector<1x256xf32> to vector<1600x256xf32>
    %add3A_18 = arith.addf %dot_general3A_14, %add3A : vector<1600x256xf32>
    %neg3A = arith.constant 0.000000e+00 : f32
    %neg3A_19 = vector.broadcast %neg3A : f32 to vector<1600x256xf32>
    %neg3A_20 = arith.subf %neg3A_19, %add3A_18 : vector<1600x256xf32>
    %exp3A = math.exp %neg3A_20 : vector<1600x256xf32>
    %add3A_21 = arith.constant 1.000000e+00 : f32
    %add3A_22 = vector.broadcast %add3A_21 : f32 to vector<1600x256xf32>
    %add3A_23 = arith.addf %add3A_22, %exp3A : vector<1600x256xf32>
    %div3A = arith.constant 1.000000e+00 : f32
    %div3A_24 = vector.broadcast %div3A : f32 to vector<1600x256xf32>
    %div3A_25 = arith.divf %div3A_24, %add3A_23 : vector<1600x256xf32>
    %get3A_26 = arith.constant 0 : index
    %get3A_27 = arith.constant 0 : index
    %get3A_28 = vector.load %arg6[%get3A_26, %get3A_27] : memref<256x256xbf16, #tpu.memory_space<vmem>>, vector<256x256xbf16>
    %dot_general3A_29 = arith.constant dense<0.000000e+00> : vector<1600x256xf32>
    %dot_general3A_30 = tpu.matmul %convert_element_type3A_9, %get3A_28, %dot_general3A_29 {dimension_numbers = #tpu.dot_dimension_numbers<[1], [0], [0], [1], [0, 0, 1, 1], [], []>, transpose_lhs_hint = false} : vector<1600x256xbf16>, vector<256x256xbf16>, vector<1600x256xf32> -> vector<1600x256xf32>
    %get3A_31 = arith.constant 0 : index
    %get3A_32 = arith.constant 0 : index
    %get3A_33 = vector.load %arg7[%get3A_31, %get3A_32] : memref<1x256xf32, #tpu.memory_space<vmem>>, vector<1x256xf32>
    %add3A_34 = vector.broadcast %get3A_33 : vector<1x256xf32> to vector<1600x256xf32>
    %add3A_35 = arith.addf %dot_general3A_30, %add3A_34 : vector<1600x256xf32>
    %max3A = arith.constant 0.000000e+00 : f32
    %max3A_36 = vector.broadcast %max3A : f32 to vector<1600x256xf32>
    %max3A_37 = arith.maximumf %add3A_35, %max3A_36 : vector<1600x256xf32>
    %mul3A = arith.mulf %div3A_25, %max3A_37 : vector<1600x256xf32>
    %sub3A = arith.constant 1.000000e+00 : f32
    %sub3A_38 = vector.broadcast %sub3A : f32 to vector<1600x256xf32>
    %sub3A_39 = arith.subf %sub3A_38, %div3A_25 : vector<1600x256xf32>
    %mul3A_40 = arith.mulf %sub3A_39, %dot_general3A_8 : vector<1600x256xf32>
    %add3A_41 = arith.addf %mul3A, %mul3A_40 : vector<1600x256xf32>
    %convert_element_type3A_42 = arith.truncf %add3A_41 : vector<1600x256xf32> to vector<1600x256xbf16>
    %get3A_43 = arith.constant 0 : index
    %get3A_44 = arith.constant 0 : index
    %get3A_45 = vector.load %arg8[%get3A_43, %get3A_44] : memref<256x256xbf16, #tpu.memory_space<vmem>>, vector<256x256xbf16>
    %dot_general3A_46 = arith.constant dense<0.000000e+00> : vector<1600x256xf32>
    %dot_general3A_47 = tpu.matmul %convert_element_type3A_42, %get3A_45, %dot_general3A_46 {dimension_numbers = #tpu.dot_dimension_numbers<[1], [0], [0], [1], [0, 0, 1, 1], [], []>, transpose_lhs_hint = false} : vector<1600x256xbf16>, vector<256x256xbf16>, vector<1600x256xf32> -> vector<1600x256xf32>
    %get3A_48 = arith.constant 0 : index
    %get3A_49 = arith.constant 0 : index
    %get3A_50 = vector.load %arg9[%get3A_48, %get3A_49] : memref<1x256xf32, #tpu.memory_space<vmem>>, vector<1x256xf32>
    %add3A_51 = vector.broadcast %get3A_50 : vector<1x256xf32> to vector<1600x256xf32>
    %add3A_52 = arith.addf %dot_general3A_47, %add3A_51 : vector<1600x256xf32>
    %neg3A_53 = arith.constant 0.000000e+00 : f32
    %neg3A_54 = vector.broadcast %neg3A_53 : f32 to vector<1600x256xf32>
    %neg3A_55 = arith.subf %neg3A_54, %add3A_52 : vector<1600x256xf32>
    %exp3A_56 = math.exp %neg3A_55 : vector<1600x256xf32>
    %add3A_57 = arith.constant 1.000000e+00 : f32
    %add3A_58 = vector.broadcast %add3A_57 : f32 to vector<1600x256xf32>
    %add3A_59 = arith.addf %add3A_58, %exp3A_56 : vector<1600x256xf32>
    %div3A_60 = arith.constant 1.000000e+00 : f32
    %div3A_61 = vector.broadcast %div3A_60 : f32 to vector<1600x256xf32>
    %div3A_62 = arith.divf %div3A_61, %add3A_59 : vector<1600x256xf32>
    %get3A_63 = arith.constant 0 : index
    %get3A_64 = arith.constant 0 : index
    %get3A_65 = vector.load %arg10[%get3A_63, %get3A_64] : memref<256x256xbf16, #tpu.memory_space<vmem>>, vector<256x256xbf16>
    %dot_general3A_66 = arith.constant dense<0.000000e+00> : vector<1600x256xf32>
    %dot_general3A_67 = tpu.matmul %convert_element_type3A_42, %get3A_65, %dot_general3A_66 {dimension_numbers = #tpu.dot_dimension_numbers<[1], [0], [0], [1], [0, 0, 1, 1], [], []>, transpose_lhs_hint = false} : vector<1600x256xbf16>, vector<256x256xbf16>, vector<1600x256xf32> -> vector<1600x256xf32>
    %get3A_68 = arith.constant 0 : index
    %get3A_69 = arith.constant 0 : index
    %get3A_70 = vector.load %arg11[%get3A_68, %get3A_69] : memref<1x256xf32, #tpu.memory_space<vmem>>, vector<1x256xf32>
    %add3A_71 = vector.broadcast %get3A_70 : vector<1x256xf32> to vector<1600x256xf32>
    %add3A_72 = arith.addf %dot_general3A_67, %add3A_71 : vector<1600x256xf32>
    %max3A_73 = arith.constant 0.000000e+00 : f32
    %max3A_74 = vector.broadcast %max3A_73 : f32 to vector<1600x256xf32>
    %max3A_75 = arith.maximumf %add3A_72, %max3A_74 : vector<1600x256xf32>
    %mul3A_76 = arith.mulf %div3A_62, %max3A_75 : vector<1600x256xf32>
    %sub3A_77 = arith.constant 1.000000e+00 : f32
    %sub3A_78 = vector.broadcast %sub3A_77 : f32 to vector<1600x256xf32>
    %sub3A_79 = arith.subf %sub3A_78, %div3A_62 : vector<1600x256xf32>
    %mul3A_80 = arith.mulf %sub3A_79, %add3A_41 : vector<1600x256xf32>
    %add3A_81 = arith.addf %mul3A_76, %mul3A_80 : vector<1600x256xf32>
    %slice3A = vector.extract_strided_slice %add3A_81 {offsets = [0, 0], sizes = [1600, 64], strides = [1, 1]} : vector<1600x256xf32> to vector<1600x64xf32>
    %slice3A_82 = vector.extract_strided_slice %add3A_81 {offsets = [0, 64], sizes = [1600, 64], strides = [1, 1]} : vector<1600x256xf32> to vector<1600x64xf32>
    %slice3A_83 = vector.extract_strided_slice %add3A_81 {offsets = [0, 128], sizes = [1600, 64], strides = [1, 1]} : vector<1600x256xf32> to vector<1600x64xf32>
    %slice3A_84 = vector.extract_strided_slice %add3A_81 {offsets = [0, 192], sizes = [1600, 64], strides = [1, 1]} : vector<1600x256xf32> to vector<1600x64xf32>
    %concatenate3A_85 = tpu.concatenate %slice3A, %slice3A_82, %slice3A_83, %slice3A_84 in 0 : vector<1600x64xf32>, vector<1600x64xf32>, vector<1600x64xf32>, vector<1600x64xf32> -> vector<6400x64xf32>
    %swap3A = arith.constant 0 : index
    %swap3A_86 = arith.constant 0 : index
    %swap3A_87 = vector.load %arg13[%swap3A, %swap3A_86] : memref<6400x64xf32, #tpu.memory_space<vmem>>, vector<6400x64xf32>
    tpu.vector_store %arg13[%swap3A, %swap3A_86], %concatenate3A_85 {strides = array<i32>} : memref<6400x64xf32, #tpu.memory_space<vmem>>, vector<6400x64xf32>,
    return
  }
  func.func @transform_0(%arg0: i32) -> (i32, i32) {
    %mul3A = arith.constant 2 : i32
    %mul3A_0 = arith.muli %mul3A, %arg0 : i32
    %c0_i32 = arith.constant 0 : i32
    %c0_i32_1 = arith.constant 0 : i32
    return %mul3A_0, %c0_i32 : i32, i32
  }
  func.func @transform_1(%arg0: i32) -> (i32, i32) {
    %mul3A = arith.constant 2 : i32
    %mul3A_0 = arith.muli %mul3A, %arg0 : i32
    %add3A = arith.constant 1 : i32
    %add3A_1 = arith.addi %mul3A_0, %add3A : i32
    %c0_i32 = arith.constant 0 : i32
    %c0_i32_2 = arith.constant 0 : i32
    return %add3A_1, %c0_i32 : i32, i32
  }
  func.func @transform_2(%arg0: i32) -> (i32, i32) {
    %c0_i32 = arith.constant 0 : i32
    %c0_i32_0 = arith.constant 0 : i32
    %c0_i32_1 = arith.constant 0 : i32
    return %c0_i32, %c0_i32_0 : i32, i32
  }
  func.func @transform_3(%arg0: i32) -> (i32, i32) {
    %c0_i32 = arith.constant 0 : i32
    %c0_i32_0 = arith.constant 0 : i32
    %c0_i32_1 = arith.constant 0 : i32
    return %c0_i32, %c0_i32_0 : i32, i32
  }
  func.func @transform_4(%arg0: i32) -> (i32, i32) {
    %c0_i32 = arith.constant 0 : i32
    %c0_i32_0 = arith.constant 0 : i32
    %c0_i32_1 = arith.constant 0 : i32
    return %c0_i32, %c0_i32_0 : i32, i32
  }
  func.func @transform_5(%arg0: i32) -> (i32, i32) {
    %c0_i32 = arith.constant 0 : i32
    %c0_i32_0 = arith.constant 0 : i32
    %c0_i32_1 = arith.constant 0 : i32
    return %c0_i32, %c0_i32_0 : i32, i32
  }
  func.func @transform_6(%arg0: i32) -> (i32, i32) {
    %c0_i32 = arith.constant 0 : i32
    %c0_i32_0 = arith.constant 0 : i32
    %c0_i32_1 = arith.constant 0 : i32
    return %c0_i32, %c0_i32_0 : i32, i32
  }
  func.func @transform_7(%arg0: i32) -> (i32, i32) {
    %c0_i32 = arith.constant 0 : i32
    %c0_i32_0 = arith.constant 0 : i32
    %c0_i32_1 = arith.constant 0 : i32
    return %c0_i32, %c0_i32_0 : i32, i32
  }
  func.func @transform_8(%arg0: i32) -> (i32, i32) {
    %c0_i32 = arith.constant 0 : i32
    %c0_i32_0 = arith.constant 0 : i32
    %c0_i32_1 = arith.constant 0 : i32
    return %c0_i32, %c0_i32_0 : i32, i32
  }
  func.func @transform_9(%arg0: i32) -> (i32, i32) {
    %c0_i32 = arith.constant 0 : i32
    %c0_i32_0 = arith.constant 0 : i32
    %c0_i32_1 = arith.constant 0 : i32
    return %c0_i32, %c0_i32_0 : i32, i32
  }
  func.func @transform_10(%arg0: i32) -> (i32, i32) {
    %c0_i32 = arith.constant 0 : i32
    %c0_i32_0 = arith.constant 0 : i32
    %c0_i32_1 = arith.constant 0 : i32
    return %c0_i32, %c0_i32_0 : i32, i32
  }
  func.func @transform_12(%arg0: i32) -> (i32, i32) {
    %add3A = arith.constant 32 : i32
    %add3A_0 = arith.addi %add3A, %arg0 : i32
    %c0_i32 = arith.constant 0 : i32
    %c0_i32_1 = arith.constant 0 : i32
    return %add3A_0, %c0_i32 : i32, i32
  }
}

module attributes {stable_mosaic.version = 14 : i64} {
  func.func @body(%arg0: i32, %arg1: memref<1600x128xf32, #tpu.memory_space<vmem>>, %arg2: memref<1600x128xf32, #tpu.memory_space<vmem>>, %arg3: memref<256x256xbf16, #tpu.memory_space<vmem>>, %arg4: memref<256x256xbf16, #tpu.memory_space<vmem>>, %arg5: memref<1x256xf32, #tpu.memory_space<vmem>>, %arg6: memref<256x256xbf16, #tpu.memory_space<vmem>>, %arg7: memref<1x256xf32, #tpu.memory_space<vmem>>, %arg8: memref<256x256xbf16, #tpu.memory_space<vmem>>, %arg9: memref<1x256xf32, #tpu.memory_space<vmem>>, %arg10: memref<256x256xbf16, #tpu.memory_space<vmem>>, %arg11: memref<1x256xf32, #tpu.memory_space<vmem>>, %arg12: memref<819200x64xf32, #tpu.memory_space<any>>, %arg13: memref<6400x64xf32, #tpu.memory_space<vmem>>) attributes {dimension_semantics = [#tpu.dimension_semantics<arbitrary>], iteration_bounds = array<i64: 32>, scalar_prefetch = 0 : i64, scratch_operands = 0 : i64, tpu.core_type = #tpu.core_type<tc>, window_params = [{transform_indices = @transform_0, window_bounds = array<i64: 1600, 128>}, {transform_indices = @transform_1, window_bounds = array<i64: 1600, 128>}, {pipeline_mode = #tpu.pipeline_mode<synchronous>, transform_indices = @transform_2, window_bounds = array<i64: 256, 256>}, {pipeline_mode = #tpu.pipeline_mode<synchronous>, transform_indices = @transform_3, window_bounds = array<i64: 256, 256>}, {pipeline_mode = #tpu.pipeline_mode<synchronous>, transform_indices = @transform_4, window_bounds = array<i64: 1, 256>}, {pipeline_mode = #tpu.pipeline_mode<synchronous>, transform_indices = @transform_5, window_bounds = array<i64: 256, 256>}, {pipeline_mode = #tpu.pipeline_mode<synchronous>, transform_indices = @transform_6, window_bounds = array<i64: 1, 256>}, {pipeline_mode = #tpu.pipeline_mode<synchronous>, transform_indices = @transform_7, window_bounds = array<i64: 256, 256>}, {pipeline_mode = #tpu.pipeline_mode<synchronous>, transform_indices = @transform_8, window_bounds = array<i64: 1, 256>}, {pipeline_mode = #tpu.pipeline_mode<synchronous>, transform_indices = @transform_9, window_bounds = array<i64: 256, 256>}, {pipeline_mode = #tpu.pipeline_mode<synchronous>, transform_indices = @transform_10, window_bounds = array<i64: 1, 256>}, {}, {transform_indices = @transform_12, window_bounds = array<i64: 6400, 64>}]} {
    %get3A = arith.constant 0 : index
    %get3A_0 = arith.constant 0 : index
    %get3A_1 = vector.load %arg1[%get3A, %get3A_0] : memref<1600x128xf32, #tpu.memory_space<vmem>>, vector<1600x128xf32>
    %get3A_2 = arith.constant 0 : index
    %get3A_3 = arith.constant 0 : index
    %get3A_4 = vector.load %arg2[%get3A_2, %get3A_3] : memref<1600x128xf32, #tpu.memory_space<vmem>>, vector<1600x128xf32>
    %concatenate3A = tpu.concatenate %get3A_1, %get3A_4 in 1 : vector<1600x128xf32>, vector<1600x128xf32> -> vector<1600x256xf32>
    %convert_element_type3A = arith.truncf %concatenate3A : vector<1600x256xf32> to vector<1600x256xbf16>
    %get3A_5 = arith.constant 0 : index
    %get3A_6 = arith.constant 0 : index
    %get3A_7 = vector.load %arg3[%get3A_5, %get3A_6] : memref<256x256xbf16, #tpu.memory_space<vmem>>, vector<256x256xbf16>
    %dot_general3A = arith.constant dense<0.000000e+00> : vector<1600x256xf32>
    %dot_general3A_8 = tpu.matmul %convert_element_type3A, %get3A_7, %dot_general3A {dimension_numbers = #tpu.dot_dimension_numbers<[1], [0], [0], [1], [0, 0, 1, 1], [], []>, transpose_lhs_hint = false} : vector<1600x256xbf16>, vector<256x256xbf16>, vector<1600x256xf32> -> vector<1600x256xf32>
    %convert_element_type3A_9 = arith.truncf %dot_general3A_8 : vector<1600x256xf32> to vector<1600x256xbf16>
    %get3A_10 = arith.constant 0 : index
    %get3A_11 = arith.constant 0 : index
    %get3A_12 = vector.load %arg4[%get3A_10, %get3A_11] : memref<256x256xbf16, #tpu.memory_space<vmem>>, vector<256x256xbf16>
    %dot_general3A_13 = arith.constant dense<0.000000e+00> : vector<1600x256xf32>
    %dot_general3A_14 = tpu.matmul %convert_element_type3A_9, %get3A_12, %dot_general3A_13 {dimension_numbers = #tpu.dot_dimension_numbers<[1], [0], [0], [1], [0, 0, 1, 1], [], []>, transpose_lhs_hint = false} : vector<1600x256xbf16>, vector<256x256xbf16>, vector<1600x256xf32> -> vector<1600x256xf32>
    %get3A_15 = arith.constant 0 : index
    %get3A_16 = arith.constant 0 : index
    %get3A_17 = vector.load %arg5[%get3A_15, %get3A_16] : memref<1x256xf32, #tpu.memory_space<vmem>>, vector<1x256xf32>
    %add3A = vector.broadcast %get3A_17 : vector<1x256xf32> to vector<1600x256xf32>
    %add3A_18 = arith.addf %dot_general3A_14, %add3A : vector<1600x256xf32>
    %neg3A = arith.constant 0.000000e+00 : f32
    %neg3A_19 = vector.broadcast %neg3A : f32 to vector<1600x256xf32>
    %neg3A_20 = arith.subf %neg3A_19, %add3A_18 : vector<1600x256xf32>
    %exp3A = math.exp %neg3A_20 : vector<1600x256xf32>
    %add3A_21 = arith.constant 1.000000e+00 : f32
    %add3A_22 = vector.broadcast %add3A_21 : f32 to vector<1600x256xf32>
    %add3A_23 = arith.addf %add3A_22, %exp3A : vector<1600x256xf32>
    %div3A = arith.constant 1.000000e+00 : f32
    %div3A_24 = vector.broadcast %div3A : f32 to vector<1600x256xf32>
    %div3A_25 = arith.divf %div3A_24, %add3A_23 : vector<1600x256xf32>
    %get3A_26 = arith.constant 0 : index
    %get3A_27 = arith.constant 0 : index
    %get3A_28 = vector.load %arg6[%get3A_26, %get3A_27] : memref<256x256xbf16, #tpu.memory_space<vmem>>, vector<256x256xbf16>
    %dot_general3A_29 = arith.constant dense<0.000000e+00> : vector<1600x256xf32>
    %dot_general3A_30 = tpu.matmul %convert_element_type3A_9, %get3A_28, %dot_general3A_29 {dimension_numbers = #tpu.dot_dimension_numbers<[1], [0], [0], [1], [0, 0, 1, 1], [], []>, transpose_lhs_hint = false} : vector<1600x256xbf16>, vector<256x256xbf16>, vector<1600x256xf32> -> vector<1600x256xf32>
    %get3A_31 = arith.constant 0 : index
    %get3A_32 = arith.constant 0 : index
    %get3A_33 = vector.load %arg7[%get3A_31, %get3A_32] : memref<1x256xf32, #tpu.memory_space<vmem>>, vector<1x256xf32>
    %add3A_34 = vector.broadcast %get3A_33 : vector<1x256xf32> to vector<1600x256xf32>
    %add3A_35 = arith.addf %dot_general3A_30, %add3A_34 : vector<1600x256xf32>
    %max3A = arith.constant 0.000000e+00 : f32
    %max3A_36 = vector.broadcast %max3A : f32 to vector<1600x256xf32>
    %max3A_37 = arith.maximumf %add3A_35, %max3A_36 : vector<1600x256xf32>
    %mul3A = arith.mulf %div3A_25, %max3A_37 : vector<1600x256xf32>
    %sub3A = arith.constant 1.000000e+00 : f32
    %sub3A_38 = vector.broadcast %sub3A : f32 to vector<1600x256xf32>
    %sub3A_39 = arith.subf %sub3A_38, %div3A_25 : vector<1600x256xf32>
    %mul3A_40 = arith.mulf %sub3A_39, %dot_general3A_8 : vector<1600x256xf32>
    %add3A_41 = arith.addf %mul3A, %mul3A_40 : vector<1600x256xf32>
    %convert_element_type3A_42 = arith.truncf %add3A_41 : vector<1600x256xf32> to vector<1600x256xbf16>
    %get3A_43 = arith.constant 0 : index
    %get3A_44 = arith.constant 0 : index
    %get3A_45 = vector.load %arg8[%get3A_43, %get3A_44] : memref<256x256xbf16, #tpu.memory_space<vmem>>, vector<256x256xbf16>
    %dot_general3A_46 = arith.constant dense<0.000000e+00> : vector<1600x256xf32>
    %dot_general3A_47 = tpu.matmul %convert_element_type3A_42, %get3A_45, %dot_general3A_46 {dimension_numbers = #tpu.dot_dimension_numbers<[1], [0], [0], [1], [0, 0, 1, 1], [], []>, transpose_lhs_hint = false} : vector<1600x256xbf16>, vector<256x256xbf16>, vector<1600x256xf32> -> vector<1600x256xf32>
    %get3A_48 = arith.constant 0 : index
    %get3A_49 = arith.constant 0 : index
    %get3A_50 = vector.load %arg9[%get3A_48, %get3A_49] : memref<1x256xf32, #tpu.memory_space<vmem>>, vector<1x256xf32>
    %add3A_51 = vector.broadcast %get3A_50 : vector<1x256xf32> to vector<1600x256xf32>
    %add3A_52 = arith.addf %dot_general3A_47, %add3A_51 : vector<1600x256xf32>
    %neg3A_53 = arith.constant 0.000000e+00 : f32
    %neg3A_54 = vector.broadcast %neg3A_53 : f32 to vector<1600x256xf32>
    %neg3A_55 = arith.subf %neg3A_54, %add3A_52 : vector<1600x256xf32>
    %exp3A_56 = math.exp %neg3A_55 : vector<1600x256xf32>
    %add3A_57 = arith.constant 1.000000e+00 : f32
    %add3A_58 = vector.broadcast %add3A_57 : f32 to vector<1600x256xf32>
    %add3A_59 = arith.addf %add3A_58, %exp3A_56 : vector<1600x256xf32>
    %div3A_60 = arith.constant 1.000000e+00 : f32
    %div3A_61 = vector.broadcast %div3A_60 : f32 to vector<1600x256xf32>
    %div3A_62 = arith.divf %div3A_61, %add3A_59 : vector<1600x256xf32>
    %get3A_63 = arith.constant 0 : index
    %get3A_64 = arith.constant 0 : index
    %get3A_65 = vector.load %arg10[%get3A_63, %get3A_64] : memref<256x256xbf16, #tpu.memory_space<vmem>>, vector<256x256xbf16>
    %dot_general3A_66 = arith.constant dense<0.000000e+00> : vector<1600x256xf32>
    %dot_general3A_67 = tpu.matmul %convert_element_type3A_42, %get3A_65, %dot_general3A_66 {dimension_numbers = #tpu.dot_dimension_numbers<[1], [0], [0], [1], [0, 0, 1, 1], [], []>, transpose_lhs_hint = false} : vector<1600x256xbf16>, vector<256x256xbf16>, vector<1600x256xf32> -> vector<1600x256xf32>
    %get3A_68 = arith.constant 0 : index
    %get3A_69 = arith.constant 0 : index
    %get3A_70 = vector.load %arg11[%get3A_68, %get3A_69] : memref<1x256xf32, #tpu.memory_space<vmem>>, vector<1x256xf32>
    %add3A_71 = vector.broadcast %get3A_70 : vector<1x256xf32> to vector<1600x256xf32>
    %add3A_72 = arith.addf %dot_general3A_67, %add3A_71 : vector<1600x256xf32>
    %max3A_73 = arith.constant 0.000000e+00 : f32
    %max3A_74 = vector.broadcast %max3A_73 : f32 to vector<1600x256xf32>
    %max3A_75 = arith.maximumf %add3A_72, %max3A_74 : vector<1600x256xf32>
    %mul3A_76 = arith.mulf %div3A_62, %max3A_75 : vector<1600x256xf32>
    %sub3A_77 = arith.constant 1.000000e+00 : f32
    %sub3A_78 = vector.broadcast %sub3A_77 : f32 to vector<1600x256xf32>
    %sub3A_79 = arith.subf %sub3A_78, %div3A_62 : vector<1600x256xf32>
    %mul3A_80 = arith.mulf %sub3A_79, %add3A_41 : vector<1600x256xf32>
    %add3A_81 = arith.addf %mul3A_76, %mul3A_80 : vector<1600x256xf32>
    %slice3A = vector.extract_strided_slice %add3A_81 {offsets = [0, 0], sizes = [1600, 64], strides = [1, 1]} : vector<1600x256xf32> to vector<1600x64xf32>
    %slice3A_82 = vector.extract_strided_slice %add3A_81 {offsets = [0, 64], sizes = [1600, 64], strides = [1, 1]} : vector<1600x256xf32> to vector<1600x64xf32>
    %slice3A_83 = vector.extract_strided_slice %add3A_81 {offsets = [0, 128], sizes = [1600, 64], strides = [1, 1]} : vector<1600x256xf32> to vector<1600x64xf32>
    %slice3A_84 = vector.extract_strided_slice %add3A_81 {offsets = [0, 192], sizes = [1600, 64], strides = [1, 1]} : vector<1600x256xf32> to vector<1600x64xf32>
    %concatenate3A_85 = tpu.concatenate %slice3A, %slice3A_82, %slice3A_83, %slice3A_84 in 0 : vector<1600x64xf32>, vector<1600x64xf32>, vector<1600x64xf32>, vector<1600x64xf32> -> vector<6400x64xf32>
    %swap3A = arith.constant 0 : index
    %swap3A_86 = arith.constant 0 : index
    %swap3A_87 = vector.load %arg13[%swap3A, %swap3A_86] : memref<6400x64xf32, #tpu.memory_space<vmem>>, vector<6400x64xf32>
    tpu.vector_store %arg13[%swap3A, %swap3A_86], %concatenate3A_85 {strides = array<i32>} : memref<6400x64xf32, #tpu.memory_space<vmem>>, vector<6400x64xf32>,
    return
  }
  func.func @transform_0(%arg0: i32) -> (i32, i32) {
    %mul3A = arith.constant 2 : i32
    %mul3A_0 = arith.muli %mul3A, %arg0 : i32
    %c0_i32 = arith.constant 0 : i32
    %c0_i32_1 = arith.constant 0 : i32
    return %mul3A_0, %c0_i32 : i32, i32
  }
  func.func @transform_1(%arg0: i32) -> (i32, i32) {
    %mul3A = arith.constant 2 : i32
    %mul3A_0 = arith.muli %mul3A, %arg0 : i32
    %add3A = arith.constant 1 : i32
    %add3A_1 = arith.addi %mul3A_0, %add3A : i32
    %c0_i32 = arith.constant 0 : i32
    %c0_i32_2 = arith.constant 0 : i32
    return %add3A_1, %c0_i32 : i32, i32
  }
  func.func @transform_2(%arg0: i32) -> (i32, i32) {
    %c0_i32 = arith.constant 0 : i32
    %c0_i32_0 = arith.constant 0 : i32
    %c0_i32_1 = arith.constant 0 : i32
    return %c0_i32, %c0_i32_0 : i32, i32
  }
  func.func @transform_3(%arg0: i32) -> (i32, i32) {
    %c0_i32 = arith.constant 0 : i32
    %c0_i32_0 = arith.constant 0 : i32
    %c0_i32_1 = arith.constant 0 : i32
    return %c0_i32, %c0_i32_0 : i32, i32
  }
  func.func @transform_4(%arg0: i32) -> (i32, i32) {
    %c0_i32 = arith.constant 0 : i32
    %c0_i32_0 = arith.constant 0 : i32
    %c0_i32_1 = arith.constant 0 : i32
    return %c0_i32, %c0_i32_0 : i32, i32
  }
  func.func @transform_5(%arg0: i32) -> (i32, i32) {
    %c0_i32 = arith.constant 0 : i32
    %c0_i32_0 = arith.constant 0 : i32
    %c0_i32_1 = arith.constant 0 : i32
    return %c0_i32, %c0_i32_0 : i32, i32
  }
  func.func @transform_6(%arg0: i32) -> (i32, i32) {
    %c0_i32 = arith.constant 0 : i32
    %c0_i32_0 = arith.constant 0 : i32
    %c0_i32_1 = arith.constant 0 : i32
    return %c0_i32, %c0_i32_0 : i32, i32
  }
  func.func @transform_7(%arg0: i32) -> (i32, i32) {
    %c0_i32 = arith.constant 0 : i32
    %c0_i32_0 = arith.constant 0 : i32
    %c0_i32_1 = arith.constant 0 : i32
    return %c0_i32, %c0_i32_0 : i32, i32
  }
  func.func @transform_8(%arg0: i32) -> (i32, i32) {
    %c0_i32 = arith.constant 0 : i32
    %c0_i32_0 = arith.constant 0 : i32
    %c0_i32_1 = arith.constant 0 : i32
    return %c0_i32, %c0_i32_0 : i32, i32
  }
  func.func @transform_9(%arg0: i32) -> (i32, i32) {
    %c0_i32 = arith.constant 0 : i32
    %c0_i32_0 = arith.constant 0 : i32
    %c0_i32_1 = arith.constant 0 : i32
    return %c0_i32, %c0_i32_0 : i32, i32
  }
  func.func @transform_10(%arg0: i32) -> (i32, i32) {
    %c0_i32 = arith.constant 0 : i32
    %c0_i32_0 = arith.constant 0 : i32
    %c0_i32_1 = arith.constant 0 : i32
    return %c0_i32, %c0_i32_0 : i32, i32
  }
  func.func @transform_12(%arg0: i32) -> (i32, i32) {
    %add3A = arith.constant 64 : i32
    %add3A_0 = arith.addi %add3A, %arg0 : i32
    %c0_i32 = arith.constant 0 : i32
    %c0_i32_1 = arith.constant 0 : i32
    return %add3A_0, %c0_i32 : i32, i32
  }
}

module attributes {stable_mosaic.version = 14 : i64} {
  func.func @body(%arg0: i32, %arg1: memref<1600x128xf32, #tpu.memory_space<vmem>>, %arg2: memref<1600x128xf32, #tpu.memory_space<vmem>>, %arg3: memref<256x256xbf16, #tpu.memory_space<vmem>>, %arg4: memref<256x256xbf16, #tpu.memory_space<vmem>>, %arg5: memref<1x256xf32, #tpu.memory_space<vmem>>, %arg6: memref<256x256xbf16, #tpu.memory_space<vmem>>, %arg7: memref<1x256xf32, #tpu.memory_space<vmem>>, %arg8: memref<256x256xbf16, #tpu.memory_space<vmem>>, %arg9: memref<1x256xf32, #tpu.memory_space<vmem>>, %arg10: memref<256x256xbf16, #tpu.memory_space<vmem>>, %arg11: memref<1x256xf32, #tpu.memory_space<vmem>>, %arg12: memref<819200x64xf32, #tpu.memory_space<any>>, %arg13: memref<6400x64xf32, #tpu.memory_space<vmem>>) attributes {dimension_semantics = [#tpu.dimension_semantics<arbitrary>], iteration_bounds = array<i64: 32>, scalar_prefetch = 0 : i64, scratch_operands = 0 : i64, tpu.core_type = #tpu.core_type<tc>, window_params = [{transform_indices = @transform_0, window_bounds = array<i64: 1600, 128>}, {transform_indices = @transform_1, window_bounds = array<i64: 1600, 128>}, {pipeline_mode = #tpu.pipeline_mode<synchronous>, transform_indices = @transform_2, window_bounds = array<i64: 256, 256>}, {pipeline_mode = #tpu.pipeline_mode<synchronous>, transform_indices = @transform_3, window_bounds = array<i64: 256, 256>}, {pipeline_mode = #tpu.pipeline_mode<synchronous>, transform_indices = @transform_4, window_bounds = array<i64: 1, 256>}, {pipeline_mode = #tpu.pipeline_mode<synchronous>, transform_indices = @transform_5, window_bounds = array<i64: 256, 256>}, {pipeline_mode = #tpu.pipeline_mode<synchronous>, transform_indices = @transform_6, window_bounds = array<i64: 1, 256>}, {pipeline_mode = #tpu.pipeline_mode<synchronous>, transform_indices = @transform_7, window_bounds = array<i64: 256, 256>}, {pipeline_mode = #tpu.pipeline_mode<synchronous>, transform_indices = @transform_8, window_bounds = array<i64: 1, 256>}, {pipeline_mode = #tpu.pipeline_mode<synchronous>, transform_indices = @transform_9, window_bounds = array<i64: 256, 256>}, {pipeline_mode = #tpu.pipeline_mode<synchronous>, transform_indices = @transform_10, window_bounds = array<i64: 1, 256>}, {}, {transform_indices = @transform_12, window_bounds = array<i64: 6400, 64>}]} {
    %get3A = arith.constant 0 : index
    %get3A_0 = arith.constant 0 : index
    %get3A_1 = vector.load %arg1[%get3A, %get3A_0] : memref<1600x128xf32, #tpu.memory_space<vmem>>, vector<1600x128xf32>
    %get3A_2 = arith.constant 0 : index
    %get3A_3 = arith.constant 0 : index
    %get3A_4 = vector.load %arg2[%get3A_2, %get3A_3] : memref<1600x128xf32, #tpu.memory_space<vmem>>, vector<1600x128xf32>
    %concatenate3A = tpu.concatenate %get3A_1, %get3A_4 in 1 : vector<1600x128xf32>, vector<1600x128xf32> -> vector<1600x256xf32>
    %convert_element_type3A = arith.truncf %concatenate3A : vector<1600x256xf32> to vector<1600x256xbf16>
    %get3A_5 = arith.constant 0 : index
    %get3A_6 = arith.constant 0 : index
    %get3A_7 = vector.load %arg3[%get3A_5, %get3A_6] : memref<256x256xbf16, #tpu.memory_space<vmem>>, vector<256x256xbf16>
    %dot_general3A = arith.constant dense<0.000000e+00> : vector<1600x256xf32>
    %dot_general3A_8 = tpu.matmul %convert_element_type3A, %get3A_7, %dot_general3A {dimension_numbers = #tpu.dot_dimension_numbers<[1], [0], [0], [1], [0, 0, 1, 1], [], []>, transpose_lhs_hint = false} : vector<1600x256xbf16>, vector<256x256xbf16>, vector<1600x256xf32> -> vector<1600x256xf32>
    %convert_element_type3A_9 = arith.truncf %dot_general3A_8 : vector<1600x256xf32> to vector<1600x256xbf16>
    %get3A_10 = arith.constant 0 : index
    %get3A_11 = arith.constant 0 : index
    %get3A_12 = vector.load %arg4[%get3A_10, %get3A_11] : memref<256x256xbf16, #tpu.memory_space<vmem>>, vector<256x256xbf16>
    %dot_general3A_13 = arith.constant dense<0.000000e+00> : vector<1600x256xf32>
    %dot_general3A_14 = tpu.matmul %convert_element_type3A_9, %get3A_12, %dot_general3A_13 {dimension_numbers = #tpu.dot_dimension_numbers<[1], [0], [0], [1], [0, 0, 1, 1], [], []>, transpose_lhs_hint = false} : vector<1600x256xbf16>, vector<256x256xbf16>, vector<1600x256xf32> -> vector<1600x256xf32>
    %get3A_15 = arith.constant 0 : index
    %get3A_16 = arith.constant 0 : index
    %get3A_17 = vector.load %arg5[%get3A_15, %get3A_16] : memref<1x256xf32, #tpu.memory_space<vmem>>, vector<1x256xf32>
    %add3A = vector.broadcast %get3A_17 : vector<1x256xf32> to vector<1600x256xf32>
    %add3A_18 = arith.addf %dot_general3A_14, %add3A : vector<1600x256xf32>
    %neg3A = arith.constant 0.000000e+00 : f32
    %neg3A_19 = vector.broadcast %neg3A : f32 to vector<1600x256xf32>
    %neg3A_20 = arith.subf %neg3A_19, %add3A_18 : vector<1600x256xf32>
    %exp3A = math.exp %neg3A_20 : vector<1600x256xf32>
    %add3A_21 = arith.constant 1.000000e+00 : f32
    %add3A_22 = vector.broadcast %add3A_21 : f32 to vector<1600x256xf32>
    %add3A_23 = arith.addf %add3A_22, %exp3A : vector<1600x256xf32>
    %div3A = arith.constant 1.000000e+00 : f32
    %div3A_24 = vector.broadcast %div3A : f32 to vector<1600x256xf32>
    %div3A_25 = arith.divf %div3A_24, %add3A_23 : vector<1600x256xf32>
    %get3A_26 = arith.constant 0 : index
    %get3A_27 = arith.constant 0 : index
    %get3A_28 = vector.load %arg6[%get3A_26, %get3A_27] : memref<256x256xbf16, #tpu.memory_space<vmem>>, vector<256x256xbf16>
    %dot_general3A_29 = arith.constant dense<0.000000e+00> : vector<1600x256xf32>
    %dot_general3A_30 = tpu.matmul %convert_element_type3A_9, %get3A_28, %dot_general3A_29 {dimension_numbers = #tpu.dot_dimension_numbers<[1], [0], [0], [1], [0, 0, 1, 1], [], []>, transpose_lhs_hint = false} : vector<1600x256xbf16>, vector<256x256xbf16>, vector<1600x256xf32> -> vector<1600x256xf32>
    %get3A_31 = arith.constant 0 : index
    %get3A_32 = arith.constant 0 : index
    %get3A_33 = vector.load %arg7[%get3A_31, %get3A_32] : memref<1x256xf32, #tpu.memory_space<vmem>>, vector<1x256xf32>
    %add3A_34 = vector.broadcast %get3A_33 : vector<1x256xf32> to vector<1600x256xf32>
    %add3A_35 = arith.addf %dot_general3A_30, %add3A_34 : vector<1600x256xf32>
    %max3A = arith.constant 0.000000e+00 : f32
    %max3A_36 = vector.broadcast %max3A : f32 to vector<1600x256xf32>
    %max3A_37 = arith.maximumf %add3A_35, %max3A_36 : vector<1600x256xf32>
    %mul3A = arith.mulf %div3A_25, %max3A_37 : vector<1600x256xf32>
    %sub3A = arith.constant 1.000000e+00 : f32
    %sub3A_38 = vector.broadcast %sub3A : f32 to vector<1600x256xf32>
    %sub3A_39 = arith.subf %sub3A_38, %div3A_25 : vector<1600x256xf32>
    %mul3A_40 = arith.mulf %sub3A_39, %dot_general3A_8 : vector<1600x256xf32>
    %add3A_41 = arith.addf %mul3A, %mul3A_40 : vector<1600x256xf32>
    %convert_element_type3A_42 = arith.truncf %add3A_41 : vector<1600x256xf32> to vector<1600x256xbf16>
    %get3A_43 = arith.constant 0 : index
    %get3A_44 = arith.constant 0 : index
    %get3A_45 = vector.load %arg8[%get3A_43, %get3A_44] : memref<256x256xbf16, #tpu.memory_space<vmem>>, vector<256x256xbf16>
    %dot_general3A_46 = arith.constant dense<0.000000e+00> : vector<1600x256xf32>
    %dot_general3A_47 = tpu.matmul %convert_element_type3A_42, %get3A_45, %dot_general3A_46 {dimension_numbers = #tpu.dot_dimension_numbers<[1], [0], [0], [1], [0, 0, 1, 1], [], []>, transpose_lhs_hint = false} : vector<1600x256xbf16>, vector<256x256xbf16>, vector<1600x256xf32> -> vector<1600x256xf32>
    %get3A_48 = arith.constant 0 : index
    %get3A_49 = arith.constant 0 : index
    %get3A_50 = vector.load %arg9[%get3A_48, %get3A_49] : memref<1x256xf32, #tpu.memory_space<vmem>>, vector<1x256xf32>
    %add3A_51 = vector.broadcast %get3A_50 : vector<1x256xf32> to vector<1600x256xf32>
    %add3A_52 = arith.addf %dot_general3A_47, %add3A_51 : vector<1600x256xf32>
    %neg3A_53 = arith.constant 0.000000e+00 : f32
    %neg3A_54 = vector.broadcast %neg3A_53 : f32 to vector<1600x256xf32>
    %neg3A_55 = arith.subf %neg3A_54, %add3A_52 : vector<1600x256xf32>
    %exp3A_56 = math.exp %neg3A_55 : vector<1600x256xf32>
    %add3A_57 = arith.constant 1.000000e+00 : f32
    %add3A_58 = vector.broadcast %add3A_57 : f32 to vector<1600x256xf32>
    %add3A_59 = arith.addf %add3A_58, %exp3A_56 : vector<1600x256xf32>
    %div3A_60 = arith.constant 1.000000e+00 : f32
    %div3A_61 = vector.broadcast %div3A_60 : f32 to vector<1600x256xf32>
    %div3A_62 = arith.divf %div3A_61, %add3A_59 : vector<1600x256xf32>
    %get3A_63 = arith.constant 0 : index
    %get3A_64 = arith.constant 0 : index
    %get3A_65 = vector.load %arg10[%get3A_63, %get3A_64] : memref<256x256xbf16, #tpu.memory_space<vmem>>, vector<256x256xbf16>
    %dot_general3A_66 = arith.constant dense<0.000000e+00> : vector<1600x256xf32>
    %dot_general3A_67 = tpu.matmul %convert_element_type3A_42, %get3A_65, %dot_general3A_66 {dimension_numbers = #tpu.dot_dimension_numbers<[1], [0], [0], [1], [0, 0, 1, 1], [], []>, transpose_lhs_hint = false} : vector<1600x256xbf16>, vector<256x256xbf16>, vector<1600x256xf32> -> vector<1600x256xf32>
    %get3A_68 = arith.constant 0 : index
    %get3A_69 = arith.constant 0 : index
    %get3A_70 = vector.load %arg11[%get3A_68, %get3A_69] : memref<1x256xf32, #tpu.memory_space<vmem>>, vector<1x256xf32>
    %add3A_71 = vector.broadcast %get3A_70 : vector<1x256xf32> to vector<1600x256xf32>
    %add3A_72 = arith.addf %dot_general3A_67, %add3A_71 : vector<1600x256xf32>
    %max3A_73 = arith.constant 0.000000e+00 : f32
    %max3A_74 = vector.broadcast %max3A_73 : f32 to vector<1600x256xf32>
    %max3A_75 = arith.maximumf %add3A_72, %max3A_74 : vector<1600x256xf32>
    %mul3A_76 = arith.mulf %div3A_62, %max3A_75 : vector<1600x256xf32>
    %sub3A_77 = arith.constant 1.000000e+00 : f32
    %sub3A_78 = vector.broadcast %sub3A_77 : f32 to vector<1600x256xf32>
    %sub3A_79 = arith.subf %sub3A_78, %div3A_62 : vector<1600x256xf32>
    %mul3A_80 = arith.mulf %sub3A_79, %add3A_41 : vector<1600x256xf32>
    %add3A_81 = arith.addf %mul3A_76, %mul3A_80 : vector<1600x256xf32>
    %slice3A = vector.extract_strided_slice %add3A_81 {offsets = [0, 0], sizes = [1600, 64], strides = [1, 1]} : vector<1600x256xf32> to vector<1600x64xf32>
    %slice3A_82 = vector.extract_strided_slice %add3A_81 {offsets = [0, 64], sizes = [1600, 64], strides = [1, 1]} : vector<1600x256xf32> to vector<1600x64xf32>
    %slice3A_83 = vector.extract_strided_slice %add3A_81 {offsets = [0, 128], sizes = [1600, 64], strides = [1, 1]} : vector<1600x256xf32> to vector<1600x64xf32>
    %slice3A_84 = vector.extract_strided_slice %add3A_81 {offsets = [0, 192], sizes = [1600, 64], strides = [1, 1]} : vector<1600x256xf32> to vector<1600x64xf32>
    %concatenate3A_85 = tpu.concatenate %slice3A, %slice3A_82, %slice3A_83, %slice3A_84 in 0 : vector<1600x64xf32>, vector<1600x64xf32>, vector<1600x64xf32>, vector<1600x64xf32> -> vector<6400x64xf32>
    %swap3A = arith.constant 0 : index
    %swap3A_86 = arith.constant 0 : index
    %swap3A_87 = vector.load %arg13[%swap3A, %swap3A_86] : memref<6400x64xf32, #tpu.memory_space<vmem>>, vector<6400x64xf32>
    tpu.vector_store %arg13[%swap3A, %swap3A_86], %concatenate3A_85 {strides = array<i32>} : memref<6400x64xf32, #tpu.memory_space<vmem>>, vector<6400x64xf32>,
    return
  }
  func.func @transform_0(%arg0: i32) -> (i32, i32) {
    %mul3A = arith.constant 2 : i32
    %mul3A_0 = arith.muli %mul3A, %arg0 : i32
    %c0_i32 = arith.constant 0 : i32
    %c0_i32_1 = arith.constant 0 : i32
    return %mul3A_0, %c0_i32 : i32, i32
  }
  func.func @transform_1(%arg0: i32) -> (i32, i32) {
    %mul3A = arith.constant 2 : i32
    %mul3A_0 = arith.muli %mul3A, %arg0 : i32
    %add3A = arith.constant 1 : i32
    %add3A_1 = arith.addi %mul3A_0, %add3A : i32
    %c0_i32 = arith.constant 0 : i32
    %c0_i32_2 = arith.constant 0 : i32
    return %add3A_1, %c0_i32 : i32, i32
  }
  func.func @transform_2(%arg0: i32) -> (i32, i32) {
    %c0_i32 = arith.constant 0 : i32
    %c0_i32_0 = arith.constant 0 : i32
    %c0_i32_1 = arith.constant 0 : i32
    return %c0_i32, %c0_i32_0 : i32, i32
  }
  func.func @transform_3(%arg0: i32) -> (i32, i32) {
    %c0_i32 = arith.constant 0 : i32
    %c0_i32_0 = arith.constant 0 : i32
    %c0_i32_1 = arith.constant 0 : i32
    return %c0_i32, %c0_i32_0 : i32, i32
  }
  func.func @transform_4(%arg0: i32) -> (i32, i32) {
    %c0_i32 = arith.constant 0 : i32
    %c0_i32_0 = arith.constant 0 : i32
    %c0_i32_1 = arith.constant 0 : i32
    return %c0_i32, %c0_i32_0 : i32, i32
  }
  func.func @transform_5(%arg0: i32) -> (i32, i32) {
    %c0_i32 = arith.constant 0 : i32
    %c0_i32_0 = arith.constant 0 : i32
    %c0_i32_1 = arith.constant 0 : i32
    return %c0_i32, %c0_i32_0 : i32, i32
  }
  func.func @transform_6(%arg0: i32) -> (i32, i32) {
    %c0_i32 = arith.constant 0 : i32
    %c0_i32_0 = arith.constant 0 : i32
    %c0_i32_1 = arith.constant 0 : i32
    return %c0_i32, %c0_i32_0 : i32, i32
  }
  func.func @transform_7(%arg0: i32) -> (i32, i32) {
    %c0_i32 = arith.constant 0 : i32
    %c0_i32_0 = arith.constant 0 : i32
    %c0_i32_1 = arith.constant 0 : i32
    return %c0_i32, %c0_i32_0 : i32, i32
  }
  func.func @transform_8(%arg0: i32) -> (i32, i32) {
    %c0_i32 = arith.constant 0 : i32
    %c0_i32_0 = arith.constant 0 : i32
    %c0_i32_1 = arith.constant 0 : i32
    return %c0_i32, %c0_i32_0 : i32, i32
  }
  func.func @transform_9(%arg0: i32) -> (i32, i32) {
    %c0_i32 = arith.constant 0 : i32
    %c0_i32_0 = arith.constant 0 : i32
    %c0_i32_1 = arith.constant 0 : i32
    return %c0_i32, %c0_i32_0 : i32, i32
  }
  func.func @transform_10(%arg0: i32) -> (i32, i32) {
    %c0_i32 = arith.constant 0 : i32
    %c0_i32_0 = arith.constant 0 : i32
    %c0_i32_1 = arith.constant 0 : i32
    return %c0_i32, %c0_i32_0 : i32, i32
  }
  func.func @transform_12(%arg0: i32) -> (i32, i32) {
    %add3A = arith.constant 96 : i32
    %add3A_0 = arith.addi %add3A, %arg0 : i32
    %c0_i32 = arith.constant 0 : i32
    %c0_i32_1 = arith.constant 0 : i32
    return %add3A_0, %c0_i32 : i32, i32
  }
}

</mosaic_0001>

<sc_bundles>
// kernel: kernel.10.cloned.1.call-start
scs
__scs_entry_jumppad:
0x0: {  	(pc) =	sbr.rel $0x88, $3  }
0x1: {  	(tag) =	ssettag $0x0;
	lr =	simm.s32 $0x1  }
0x2: {  	[smem:$0x3F96] =	sst lr;
	_ =	strace $0xD0000000  }
0x3: {  	_ = 	snop  }
0x4: {  	_ = 	snop  }
0x5: {  	_ = 	snop  }
0x6: {  	_ = 	snop  }
0x7: {  	_ = 	snop  }
__scs_overlays_trampoline_lowered:
0x8: {  	[smem:$0x3FA5] =	sst s0  }
0x9: {  	[smem:$0x3FA6] =	sst s1  }
0xa: {  	[smem:$0x3FA7] =	sst s2  }
0xb: {  	[smem:$0x3FA8] =	sst s3  }
0xc: {  	[smem:$0x3FA9] =	sst s4  }
0xd: {  	[smem:$0x3FAA] =	sst s5  }
0xe: {  	[smem:$0x3FAB] =	sst s6  }
0xf: {  	[smem:$0x3FAC] =	sst s7  }
0x10: {  	[smem:$0x3FAD] =	sst s8  }
0x11: {  	[smem:$0x3FAE] =	sst s9;
	s0 =	simm.s32 @!p0 $0x0  }
0x12: {  	s1 =	sld [smem:$0x3F94];
	s0 =	simm.s32 @p0 $0x1  }
0x13: {  	[smem:$0x3FAF] =	sst s0;
	s0 =	simm.s32 @!p1 $0x0  }
0x14: {  	s2 =	sld [smem:$0x3F93];
	s0 =	simm.s32 @p1 $0x1  }
0x15: {  	[smem:$0x3FB0] =	sst s0;
	s0 =	simm.s32 @!p2 $0x0  }
0x16: {  	s3 =	sld [smem:$0x3FDB];
	s0 =	simm.s32 @p2 $0x1  }
0x17: {  	s4 =	simm.s32 $0x1BF5;
	[smem:$0x3FB2] =	sst s0  }
0x18: {  	s0 =	sld [smem:$0x3F95];
	_ =	swait.ge [sflag:s4], $0x0  }
0x19: {  	s7 =	sld [smem:$0x3F96]  }
0x1a: {  	s8 =	sadd.s32 $0xFFFFE003, lr  }
0x1b: {  	s9 =	sadd.s32 $0xFFFFFEF7, lr;
	s5 =	simm.s32 $0xFFFFFFFF;
	p2 =	slt.u32 s8, $0xFFFFF086  }
0x1c: {  	p1 =	slt.u32 s9, $0xF7A;
	s5 =	simm.s32 @!p2 $0x0  }
0x1d: {  	s5 =	simm.s32 @p1 $0x1;
	p0 =	seq.s32 s7, s2  }
0x1e: {  	s7 =	smul.u32 @!p0 $0xF7A, s2;
	p2 =	seq.s32 @!p0 s5, $0x0  }
0x1f: {  	s9 =	smul.u32 $0xF7A, s1;
	s8 =	simm.s32 @!p0 $0x1BF5;
	p2 =	por !p2, p0  }
0x20: {  	[sflag:s8] =	ssyncset.s32 @!p0 $0xFFFFF086;
	s6 =	sadd.s32 @!p0 s3, s7;
	s7 =	simm.s32 @!p0 $0x108  }
0x21: {  	s3 =	sadd.s32 s3, s9;
	s6 =	sadd.s32 @!p0 $0x88, s6;
	s7 =	simm.s32 @p2 $0x1082  }
0x22: {  	[simem:s7], [sflag:s8] =	dma.local @!p0 [hbm:s6], $0xF7A  }
0x23: {  	s9 =	sor.u32 $0xD0000000, s2;
	s6 =	simm.s32 $0x108;
	_ =	swait.ge @!p0 [sflag:s8], $0x0  }
0x24: {  	s3 =	sadd.s32 $0x88, s3;
	s6 =	simm.s32 @!p1 $0x1082;
	[sflag:s4] =	ssyncset.s32 $0xFFFFF086  }
0x25: {  	[simem:s6], [sflag:s4] =	dma.local [hbm:s3], $0xF7A  }
0x26: {  	[smem:$0x3F96] =	sst s1;
	(tag) =	ssettag s2;
	_ =	strace s9  }
0x27: {  	s1 =	sld [smem:$0x3FA6]  }
0x28: {  	s2 =	sld [smem:$0x3FA7]  }
0x29: {  	s4 =	sld [smem:$0x3FA9]  }
0x2a: {  	p0 =	seq.s32 s5, $0x0;
	s5 =	sld [smem:$0x3FAA]  }
0x2b: {  	s6 =	sld [smem:$0x3FAB]  }
0x2c: {  	s7 =	sld [smem:$0x3FAC]  }
0x2d: {  	s3 =	simm.s32 $0x108;
	s8 =	sld [smem:$0x3FAD]  }
0x2e: {  	s3 =	simm.s32 @!p0 $0x1082;
	s9 =	sld [smem:$0x3FAE]  }
0x2f: {  	lr =	sadd.s32 s0, s3;
	s0 =	sld [smem:$0x3FA5]  }
0x30: {  	s3 =	sld [smem:$0x3FA8]  }
0x31: {  	[smem:$0x3FB1] =	sst s10  }
0x32: {  	s10 =	sld [smem:$0x3FAF];
	_ =	sdelay $0x3  }
0x33: {  	p0 =	seq.s32 s10, $0x1;
	s10 =	sld [smem:$0x3FB1];
	_ =	sdelay $0x3  }
0x34: {  	[smem:$0x3FB1] =	sst s10  }
0x35: {  	s10 =	sld [smem:$0x3FB0];
	_ =	sdelay $0x3  }
0x36: {  	p1 =	seq.s32 s10, $0x1;
	s10 =	sld [smem:$0x3FB1];
	_ =	sdelay $0x3  }
0x37: {  	[smem:$0x3FB1] =	sst s10  }
0x38: {  	s10 =	sld [smem:$0x3FB2]  }
0x39: {  	_ = 	snop;
	(pc) =	sbr.ind lr, $3  }
0x3a: {  	_ = 	snop  }
0x3b: {  	_ = 	snop  }
0x3c: {  	p2 =	seq.s32 s10, $0x1;
	s10 =	sld [smem:$0x3FB1]  }
0x3d: {  	_ =	shalt  }
0x3e: {  	_ =	shalt  }
0x3f: {  	_ =	shalt  }
0x40: {  	_ =	shalt  }
0x41: {  	_ =	shalt  }
0x42: {  	_ =	shalt  }
0x43: {  	_ =	shalt  }
0x44: {  	_ =	shalt  }
0x45: {  	_ =	shalt  }
0x46: {  	_ =	shalt  }
0x47: {  	_ =	shalt  }
0x48: {  	_ =	shalt  }
0x49: {  	_ =	shalt  }
0x4a: {  	_ =	shalt  }
0x4b: {  	_ =	shalt  }
0x4c: {  	_ =	shalt  }
0x4d: {  	_ =	shalt  }
0x4e: {  	_ =	shalt  }
0x4f: {  	_ =	shalt  }
0x50: {  	_ =	shalt  }
0x51: {  	_ =	shalt  }
0x52: {  	_ =	shalt  }
0x53: {  	_ =	shalt  }
0x54: {  	_ =	shalt  }
0x55: {  	_ =	shalt  }
0x56: {  	_ =	shalt  }
0x57: {  	_ =	shalt  }
0x58: {  	_ =	shalt  }
0x59: {  	_ =	shalt  }
0x5a: {  	_ =	shalt  }
0x5b: {  	_ =	shalt  }
0x5c: {  	_ =	shalt  }
0x5d: {  	_ =	shalt  }
0x5e: {  	_ =	shalt  }
0x5f: {  	_ =	shalt  }
0x60: {  	_ =	shalt  }
0x61: {  	_ =	shalt  }
0x62: {  	_ =	shalt  }
0x63: {  	_ =	shalt  }
0x64: {  	_ =	shalt  }
0x65: {  	_ =	shalt  }
0x66: {  	_ =	shalt  }
0x67: {  	_ =	shalt  }
0x68: {  	_ =	shalt  }
0x69: {  	_ =	shalt  }
0x6a: {  	_ =	shalt  }
0x6b: {  	_ =	shalt  }
0x6c: {  	_ =	shalt  }
0x6d: {  	_ =	shalt  }
0x6e: {  	_ =	shalt  }
0x6f: {  	_ =	shalt  }
0x70: {  	_ =	shalt  }
0x71: {  	_ =	shalt  }
0x72: {  	_ =	shalt  }
0x73: {  	_ =	shalt  }
0x74: {  	_ =	shalt  }
0x75: {  	_ =	shalt  }
0x76: {  	_ =	shalt  }
0x77: {  	_ =	shalt  }
0x78: {  	_ =	shalt  }
0x79: {  	_ =	shalt  }
0x7a: {  	_ =	shalt  }
0x7b: {  	_ =	shalt  }
0x7c: {  	_ =	shalt  }
0x7d: {  	_ =	shalt  }
0x7e: {  	_ =	shalt  }
0x7f: {  	_ =	shalt  }
0x80: {  	_ =	shalt  }
0x81: {  	_ =	shalt  }
0x82: {  	_ =	shalt  }
0x83: {  	_ =	shalt  }
0x84: {  	_ =	shalt  }
0x85: {  	_ =	shalt  }
0x86: {  	_ =	shalt  }
0x87: {  	_ =	shalt  }
.Lfunc_end0:
.L_simem_size_0:
called_computation.1_lowered:
.L_overlay_start_0:
0x88: {  	s2 =	sld [smem:$0x3FD9]  }
0x89: {  	s3 =	sld [smem:$0x3FFE];
	_ =	sdelay $0x1  }
0x8a: {  	s1 =	srdreg.scid  }
0x8b: {  	s0 =	sand.u32 $0x1, s1  }
0x8c: {  	s16 =	sshll.u32 s0, $0xA;
	s2 =	sadd.s32 s3, s2  }
0x8d: {  	s2 =	sadd.s32 s2, s16  }
0x8e: {  	[smem:$0x3FBD] =	sst s2  }
0x8f: {  	_ = 	snop  }
0x90: {  	(tm) =	ssettm $0x1  }
0x91: {  	s17 =	sld [smem:$0x3FFB];
	_ =	sdelay $0x3  }
0x92: {  	_ =	strace s17  }
0x93: {  	s2 =	sld [smem:$0x3FFC];
	_ =	sdelay $0x3  }
0x94: {  	_ =	strace s2  }
0x95: {  	s2 =	sld [smem:$0x3FFD];
	_ =	sdelay $0x3  }
0x96: {  	_ =	strace s2  }
0x97: {  	_ =	strace $0x8FFFFFFF  }
0x98: {  	s18 =	sld [smem:$0x3FDB];
	_ =	sdelay $0x1  }
0x99: {  	s19 =	simm.s32 $_scs_section_size  }
0x9a: {  	s4 =	simm.s32 $_size__tile_overlayer_lowered;
	s5 =	simm.s32 $_tile_overlayer_lowered  }
0x9b: {  	s22 =	simm.s32 $0x1BFF;
	s21 =	sshll.u32 s5, $0x1;
	s2 =	sadd.s32 s19, s18  }
0x9c: {  	s6 =	simm.s32 $0x0;
	s20 =	sshll.u32 s4, $0x1;
	s4 =	sadd.s32 s21, s2  }
0x9d: {  	[timem:s6], [sflag:s22] =	dma.local [hbm:s4], s20  }
0x9e: {  	_ =	swait.ge [sflag:s22], s20  }
0x9f: {  	s3 =	ssub.s32 $0x0, s20;
	[sflag:s22] =	ssyncset.done $0x0  }
0xa0: {  	[sflag:s22] =	ssyncadd.s32 s3;
	_ =	sdelay $0x1  }
0xa1: {  	s23 =	simm.s32 $0x1B8B  }
0xa2: {  	_ =	swait.ge [sflag:s23], $0x1  }
0xa3: {  	[sflag:s23] =	ssyncset.done $0x0  }
0xa4: {  	s25 =	simm.s32 $0x1B8E;
	s24 =	sld [smem:$0x3FFE];
	[sflag:s23] =	ssyncadd.s32 $0xFFFFFFFF  }
0xa5: {  	s26 =	simm.s32 $execute0_lowered;
	[smem:$0x3FD2] =	sst s25  }
0xa6: {  	s4 =	sshll.u32 s26, $0x1;
	_ =	strace $0x80000046;
	[dreg:$0x1] =	wrdreg $0xFFFFFFFF  }
0xa7: {  	s28 =	simm.s32 $_size_execute0_lowered;
	s2 =	sadd.s32 s2, s4;
	[dreg:$0x0] =	wrdreg $0x0  }
0xa8: {  	s4 =	sshll.u32 s28, $0x1;
	[dreg:$0x2] =	wrdreg s2  }
0xa9: {  	[dreg:$0x3] =	wrdreg s4  }
0xaa: {  	[dreg:$0x4] =	wrdreg $0xC0  }
0xab: {  	_ =	task [dreg:s6], $0x5FFFF  }
0xac: {  	[dreg:$0x1] =	wrdreg $0xFFFFFFFF  }
0xad: {  	[dreg:$0x0] =	wrdreg $0x60  }
0xae: {  	[dreg:$0x2] =	wrdreg s24  }
0xaf: {  	[dreg:$0x3] =	wrdreg $0x9  }
0xb0: {  	_ =	task.clear_ibuf [dreg:s6], $0x4FFFF;
	_ =	strace $0x90000046  }
0xb1: {  	s29 =	simm.s32 $0x9;
	_ =	strace $0x80000048  }
0xb2: {  	_ =	swait.ge [sflag:s29], $0x1  }
0xb3: {  	[sflag:s29] =	ssyncadd.s32 $0xFFFFFFFF  }
0xb4: {  	_ =	strace $0x90000048  }
0xb5: {  	_ =	sfence  }
0xb6: {  	s30 =	sld [smem:$0x0];
	_ =	sdelay $0x2  }
0xb7: {  	s31 =	sshll.u32 s1, $0xD;
	s1 =	sshrl.u32 s1, $0x2  }
0xb8: {  	s3 =	sand.u32 $0x4000, s31;
	s1 =	sadd.s32 s1, s30  }
0xb9: {  	s0 =	sor.u32 s3, s0;
	s1 =	sshll.u32 s1, $0x11  }
0xba: {  	s0 =	sor.u32 s1, s0  }
0xbb: {  	s0 =	sadd.s32 $0x8F2B, s0  }
0xbc: {  	[sflag:s0] =	ssyncadd.remote.s32 $0x1  }
0xbd: {  	_ =	sfence.sel $0xFFFF  }
0xbe: {  	[dreg:$0x0] =	wrdreg $0xFFFFFFFF;
	(pc) =	sbr.abs _section_cstart, $3  }
0xbf: {  	[dreg:$0x1] =	wrdreg $0xFFFFFFFF  }
0xc0: {  	_ =	task.clear_ibuf [dreg:s6], $0x2FFFF;
	_ =	strace $0x9FFFFFFF  }
0xc1: {  	(tm) =	ssettm $0x7FFFFFFF  }
tec
execute0_lowered:
.L_overlay_start_1:
0x0: {  	(tag) =	ssettag $0x1  }
0x1: {  	v0 =	vimm.s32 $0x647;
	vm0 =	vcmask $0x300  }
0x2: {  	vm14 =	vcmask $0x704;
	v0 =	vsel vm0, $0x0, v0  }
0x3: {  	vm15 =	vcmask $0xB08;
	v0 =	vsel vm14, $0x640, v0  }
0x4: {  	vm4 =	vcmask $0xF0C;
	v0 =	vsel vm15, $0x1, v0  }
0x5: {  	vm5 =	vcmask $0x1310;
	v0 =	vsel vm4, $0x641, v0  }
0x6: {  	s1 =	srdreg.scid;
	s0 =	stileid.u32;
	vm6 =	vcmask $0x1714;
	v0 =	vsel vm5, $0x2, v0  }
0x7: {  	s4 =	rddreg [dreg:$0x0];
	vm7 =	vcmask $0x1B18;
	s2 =	simm.s32 $0x0;
	s10 =	simm.s32 $0x5200;
	v0 =	vsel vm6, $0x642, v0  }
0x8: {  	vm8 =	vcmask $0x1F1C;
	s11 =	simm.s32 $0x7200;
	s12 =	simm.s32 $0x9200;
	s13 =	simm.s32 $0xB200;
	v0 =	vsel vm7, $0x3, v0  }
0x9: {  	vm9 =	vcmask $0x2320;
	s14 =	simm.s32 $0x1;
	s3 =	sand.u32 $0x1, s1;
	s1 =	rddreg [dreg:$0x1];
	v0 =	vsel vm8, $0x643, v0  }
0xa: {  	vm10 =	vcmask $0x2724;
	s15 =	simm.s32 $0x0;
	s31 =	sshll.u32 s0, $0x1;
	[smem:$0x7FF] =	sst s2;
	v0 =	vsel vm9, $0x4, v0  }
0xb: {  	vm11 =	vcmask $0x2B28;
	s6 =	smul.u32 $0x19000, s0;
	s5 =	sor.u32 s3, s31;
	_ =	strace $0x80000047;
	v0 =	vsel vm10, $0x644, v0  }
0xc: {  	vm12 =	vcmask $0x2F2C;
	s7 =	ssub.s32 $0x2, s3;
	s8 =	smul.u32 $0xC800, s3;
	s3 =	sadd.s32 $0xF4B600, s4;
	v0 =	vsel vm11, $0x5, v0  }
0xd: {  	vm13 =	vcmask $0x3330;
	s5 =	smul.u32 $0x320, s5;
	s6 =	sadd.s32 s6, s4;
	s9 =	sshrl.u32 s7, $0x1;
	v0 =	vsel vm12, $0x645, v0  }
0xe: {  	vm14 =	vcmask $0x3734;
	s7 =	ssub.s32 s7, s9;
	s6 =	sadd.s32 s8, s6;
	s8 =	simm.s32 $0x80;
	v0 =	vsel vm13, $0x6, v0  }
0xf: {  	vm15 =	vcmask $0x3B38;
	s9 =	simm.s32 $0x3200;
	s5 =	sadd.s32 s5, s4;
	s6 =	sadd.s32 $0x9200, s6;
	v0 =	vsel vm14, $0x646, v0  }
0x10: {  	s4 =	sadd.s32 $0x2E00, s5;
	s5 =	smax.u32 s7, $0x1;
	s7 =	simm.s32 $0x2;
	v0 =	vsel vm15, $0x7, v0  }
.LBB2_1:
0x11: {  	p0 =	por $0x1, $0x1;
	s16 =	simm.s32 $0xFFFFF380  }
0x12: {  	p1 =	por $0x0, $0x0;
	s17 =	simm.s32 $0xC80;
	s16 =	smov.u32 @p0 s2  }
0x13: {  	s17 =	simm.s32 @!p1 $0x0;
	s16 =	sshrl.u32 s16, $0x1  }
0x14: {  	s17 =	sadd.s32 s17, s16  }
0x15: {  	[tilespmem:s2], [sflag:$0x2] =	stream.linear.gather [hbm4b:s4+s2], $0x1900, $0x38;
	v1 =	vadd.s32 s17, v0;
	[tilespmem:$0xD200] =	vst v63  }
0x16: {  	s18 =	simm.s32 $0xFFFFF390;
	_ =	swait.ge [sflag:s7], $0x1900  }
0x17: {  	p0 =	por $0x1, $0x1;
	p1 =	por $0x0, $0x0;
	s16 =	simm.s32 $0x10  }
0x18: {  	[sflag:s7] =	ssyncset.done $0x0;
	s18 =	smov.u32 @p0 s16;
	s17 =	simm.s32 $0xC80  }
0x19: {  	[sflag:s7] =	ssyncadd.s32 $0xFFFFE700;
	s18 =	sshrl.u32 s18, $0x1;
	s17 =	simm.s32 @!p1 $0x0  }
0x1a: {  	s20 =	simm.s32 $0x2;
	s19 =	sand.u32 $0x7E00, s2;
	s18 =	sadd.s32 s17, s18;
	v2 =	vld.idx.msk [tilespmem:v1+s2+$0x0], $0xffff  }
0x1b: {  	s21 =	sand.u32 $0x70, s2;
	s22 =	simm.s32 $0xFFFFF3A0;
	s23 =	sshrl.u32 s19, $0x2;
	v1 =	vadd.s32 s18, v0  }
0x1c: {  	s19 =	simm.s32 $0x3;
	s23 =	sor.u32 s21, s23;
	s21 =	simm.s32 $0x0  }
0x1d: {  	p1 =	por $0x1, $0x1;
	s17 =	simm.s32 $0x20;
	s18 =	simm.s32 $0x0  }
.LBB2_2:
0x1e: {  	p0 =	sne.s32 s19, $0x18F;
	s22 =	smov.u32 @p1 s17  }
0x1f: {  	p2 =	sgt.u32 s20, $0xC7;
	[tilespmem:s23+$0x1900] =	vst v2;
	s20 =	sshrl.u32 s22, $0x1;
	s22 =	simm.s32 $0xC80  }
0x20: {  	s23 =	smov.u32 s16;
	v2 =	vld.idx.msk [tilespmem:v1+s21+$0x0], $0xffff;
	s22 =	simm.s32 @!p2 $0x0  }
.Ltmp0:
0x21: {  	s16 =	smov.u32 s17;
	s20 =	sadd.s32 s22, s20;
	(pc) =	sbr.rel @p0 .LBB2_2-.Ltmp0, $4  }
0x22: {  	s18 =	sadd.s32 $0x40, s18;
	v1 =	vadd.s32 s20, v0;
	s20 =	smov.u32 s19  }
0x23: {  	s17 =	sadd.s32 $0x10, s17;
	s21 =	simm.s32 $0x0;
	s22 =	sand.u32 $0x7E00, s18  }
0x24: {  	p1 =	slt.u32 s19, $0xC8;
	s23 =	sand.u32 $0x70, s23;
	s24 =	sshrl.u32 s22, $0x2  }
0x25: {  	s22 =	sadd.s32 $0xFFFFF380, s17;
	s19 =	sadd.s32 $0x1, s19;
	s23 =	sor.u32 s23, s24  }
0x26: {  	_ =	sdelay $0x1  }
0x27: {  	p0 =	sgt.u32 s20, $0xC7;
	s22 =	smov.u32 @p1 s17;
	s19 =	simm.s32 $0xC80  }
0x28: {  	[tilespmem:s23+$0x1900] =	vst v2;
	s26 =	sshrl.u32 s22, $0x1;
	s19 =	simm.s32 @!p0 $0x0  }
0x29: {  	v1 =	vld.idx.msk [tilespmem:v1+s21+$0x0], $0xffff;
	s19 =	sadd.s32 s19, s26  }
0x2a: {  	s18 =	sadd.s32 $0x40, s18;
	v2 =	vadd.s32 s19, v0  }
0x2b: {  	s28 =	sand.u32 $0x7E00, s18  }
0x2c: {  	s16 =	sand.u32 $0x70, s16;
	s19 =	sshrl.u32 s28, $0x2  }
0x2d: {  	s16 =	sor.u32 s16, s19  }
0x2e: {  	s29 =	simm.s32 $0x0;
	[tilespmem:s16+$0x1900] =	vst v1  }
0x2f: {  	p1 =	por $0x1, $0x1;
	v1 =	vld.idx.msk [tilespmem:v2+s29+$0x0], $0xffff  }
.Ltmp1:
0x30: {  	s30 =	sadd.s32 $0x40, s18;
	(pc) =	sbr.rel @!p1 .LBB2_6-.Ltmp1, $4  }
0x31: {  	s16 =	sand.u32 $0x7E00, s30  }
0x32: {  	s31 =	sand.u32 $0x70, s17;
	s16 =	sshrl.u32 s16, $0x2  }
0x33: {  	s16 =	sor.u32 s31, s16  }
0x34: {  	s17 =	simm.s32 $0x0;
	p0 =	por $0x0, $0x0;
	[tilespmem:s16+$0x1900] =	vst v1;
	s16 =	smov.u32 s6  }
0x35: {  	s16 =	simm.s32 $0x1900  }
0x36: {  	[tilespmem:s9], [sflag:$0x1] =	stream.indirect.gather [hbm4b:s3+s8], $0x40, s16, s8, $0xb8;
	[tilespmem:$0xD200] =	vst v63  }
0x37: {  	s28 =	simm.s32 $0x1980  }
0x38: {  	[tilespmem:s10], [sflag:$0x1] =	stream.indirect.gather [hbm4b:s3+s8], $0x40, s28, s8, $0xb8;
	[tilespmem:$0xD200] =	vst v63  }
0x39: {  	s29 =	simm.s32 $0x1A00  }
0x3a: {  	[tilespmem:s11], [sflag:$0x1] =	stream.indirect.gather [hbm4b:s3+s8], $0x40, s29, s8, $0xb8;
	[tilespmem:$0xD200] =	vst v63  }
0x3b: {  	s30 =	simm.s32 $0x1A80  }
0x3c: {  	[tilespmem:s12], [sflag:$0x1] =	stream.indirect.gather [hbm4b:s3+s8], $0x40, s30, s8, $0xb8;
	[tilespmem:$0xD200] =	vst v63  }
0x3d: {  	s31 =	simm.s32 $0x1B00  }
0x3e: {  	[tilespmem:s13], [sflag:$0x1] =	stream.indirect.gather [hbm4b:s3+s8], $0x40, s31, s8, $0xb8;
	[tilespmem:$0xD200] =	vst v63  }
0x3f: {  	_ =	swait.ge [sflag:s14], $0x2000  }
0x40: {  	[sflag:s14] =	ssyncset.done $0x0  }
0x41: {  	[sflag:s14] =	ssyncadd.s32 $0xFFFFE000  }
0x42: {  	_ =	swait.ge [sflag:s14], $0x2000  }
0x43: {  	[sflag:s14] =	ssyncset.done $0x0  }
0x44: {  	[sflag:s14] =	ssyncadd.s32 $0xFFFFE000  }
0x45: {  	_ =	swait.ge [sflag:s14], $0x2000  }
0x46: {  	[sflag:s14] =	ssyncset.done $0x0  }
0x47: {  	[sflag:s14] =	ssyncadd.s32 $0xFFFFE000  }
0x48: {  	_ =	swait.ge [sflag:s14], $0x2000  }
0x49: {  	[sflag:s14] =	ssyncset.done $0x0  }
0x4a: {  	[sflag:s14] =	ssyncadd.s32 $0xFFFFE000  }
0x4b: {  	p1 =	por $0x1, $0x1;
	_ =	swait.ge [sflag:s14], $0x2000  }
.Ltmp2:
0x4c: {  	[sflag:s14] =	ssyncset.done $0x0;
	(pc) =	sbr.rel @!p1 .LBB2_6-.Ltmp2, $4  }
0x4d: {  	[sflag:s14] =	ssyncadd.s32 $0xFFFFE000  }
0x4e: {  	[hbm4b:s6+s2] =	stream.linear.scatter [tilespmem:s9], [sflag:$0x2], $0xA000, $0x38;
	[tilespmem:$0xD200] =	vst v63  }
0x4f: {  	s18 =	simm.s32 $0x1400;
	s17 =	simm.s32 $0x280;
	_ =	swait.ge [sflag:s7], $0xA000  }
0x50: {  	p0 =	por $0x1, $0x1;
	s16 =	sadd.s32 $0x1400, s6;
	[sflag:s7] =	ssyncset.done $0x0  }
.LBB2_5:
0x51: {  	s19 =	sadd.s32 $0x1900, s17  }
0x52: {  	[sflag:s7] =	ssyncadd.s32 $0xFFFF6000;
	s20 =	smov.u32 s18;
	s21 =	sadd.s32 $0xA00, s18  }
0x53: {  	[tilespmem:s9], [sflag:$0x1] =	stream.indirect.gather [hbm4b:s3+s8], $0x40, s19, s8, $0xb8;
	[tilespmem:$0xD200] =	vst v63  }
0x54: {  	p1 =	sne.s32 s18, $0x5A00;
	s18 =	sadd.s32 $0x1980, s17  }
0x55: {  	[tilespmem:s10], [sflag:$0x1] =	stream.indirect.gather [hbm4b:s3+s8], $0x40, s18, s8, $0xb8;
	[tilespmem:$0xD200] =	vst v63  }
0x56: {  	s18 =	sadd.s32 $0x1A00, s17  }
0x57: {  	[tilespmem:s11], [sflag:$0x1] =	stream.indirect.gather [hbm4b:s3+s8], $0x40, s18, s8, $0xb8;
	[tilespmem:$0xD200] =	vst v63  }
0x58: {  	s18 =	sadd.s32 $0x1A80, s17  }
0x59: {  	[tilespmem:s12], [sflag:$0x1] =	stream.indirect.gather [hbm4b:s3+s8], $0x40, s18, s8, $0xb8;
	[tilespmem:$0xD200] =	vst v63  }
0x5a: {  	s17 =	sadd.s32 $0x1B00, s17  }
0x5b: {  	[tilespmem:s13], [sflag:$0x1] =	stream.indirect.gather [hbm4b:s3+s8], $0x40, s17, s8, $0xb8;
	[tilespmem:$0xD200] =	vst v63  }
0x5c: {  	_ =	swait.ge [sflag:s14], $0x2000  }
0x5d: {  	[sflag:s14] =	ssyncset.done $0x0  }
0x5e: {  	[sflag:s14] =	ssyncadd.s32 $0xFFFFE000  }
0x5f: {  	_ =	swait.ge [sflag:s14], $0x2000  }
0x60: {  	[sflag:s14] =	ssyncset.done $0x0  }
0x61: {  	[sflag:s14] =	ssyncadd.s32 $0xFFFFE000  }
0x62: {  	_ =	swait.ge [sflag:s14], $0x2000  }
0x63: {  	[sflag:s14] =	ssyncset.done $0x0  }
0x64: {  	[sflag:s14] =	ssyncadd.s32 $0xFFFFE000  }
0x65: {  	_ =	swait.ge [sflag:s14], $0x2000  }
0x66: {  	[sflag:s14] =	ssyncset.done $0x0  }
0x67: {  	[sflag:s14] =	ssyncadd.s32 $0xFFFFE000  }
0x68: {  	_ =	swait.ge [sflag:s14], $0x2000  }
.Ltmp3:
0x69: {  	[sflag:s14] =	ssyncset.done $0x0;
	(pc) =	sbr.rel @p1 .LBB2_5-.Ltmp3, $4  }
0x6a: {  	[sflag:s14] =	ssyncadd.s32 $0xFFFFE000  }
0x6b: {  	[hbm4b:s16+s2] =	stream.linear.scatter [tilespmem:s9], [sflag:$0x2], $0xA000, $0x38;
	[tilespmem:$0xD200] =	vst v63  }
0x6c: {  	s18 =	smov.u32 s21;
	_ =	swait.ge [sflag:s7], $0xA000  }
0x6d: {  	s17 =	sshra.s32 s20, $0x2;
	s16 =	sadd.s32 $0x1400, s16;
	[sflag:s7] =	ssyncset.done $0x0  }
.LBB2_6:
0x6e: {  	s18 =	sadd.s32 $0x1900, s17;
	[sflag:s7] =	ssyncadd.s32 @p0 $0xFFFF6000  }
0x6f: {  	[tilespmem:s9], [sflag:$0x1] =	stream.indirect.gather [hbm4b:s3+s8], $0x40, s18, s8, $0xb8;
	[tilespmem:$0xD200] =	vst v63  }
0x70: {  	s28 =	sadd.s32 $0x1980, s17  }
0x71: {  	[tilespmem:s10], [sflag:$0x1] =	stream.indirect.gather [hbm4b:s3+s8], $0x40, s28, s8, $0xb8;
	[tilespmem:$0xD200] =	vst v63  }
0x72: {  	s29 =	sadd.s32 $0x1A00, s17  }
0x73: {  	[tilespmem:s11], [sflag:$0x1] =	stream.indirect.gather [hbm4b:s3+s8], $0x40, s29, s8, $0xb8;
	[tilespmem:$0xD200] =	vst v63  }
0x74: {  	s30 =	sadd.s32 $0x1A80, s17  }
0x75: {  	[tilespmem:s12], [sflag:$0x1] =	stream.indirect.gather [hbm4b:s3+s8], $0x40, s30, s8, $0xb8;
	[tilespmem:$0xD200] =	vst v63  }
0x76: {  	s31 =	sadd.s32 $0x1B00, s17  }
0x77: {  	[tilespmem:s13], [sflag:$0x1] =	stream.indirect.gather [hbm4b:s3+s8], $0x40, s31, s8, $0xb8;
	[tilespmem:$0xD200] =	vst v63  }
0x78: {  	_ =	swait.ge [sflag:s14], $0x2000  }
0x79: {  	[sflag:s14] =	ssyncset.done $0x0  }
0x7a: {  	[sflag:s14] =	ssyncadd.s32 $0xFFFFE000  }
0x7b: {  	_ =	swait.ge [sflag:s14], $0x2000  }
0x7c: {  	[sflag:s14] =	ssyncset.done $0x0  }
0x7d: {  	[sflag:s14] =	ssyncadd.s32 $0xFFFFE000  }
0x7e: {  	_ =	swait.ge [sflag:s14], $0x2000  }
0x7f: {  	[sflag:s14] =	ssyncset.done $0x0  }
0x80: {  	[sflag:s14] =	ssyncadd.s32 $0xFFFFE000  }
0x81: {  	_ =	swait.ge [sflag:s14], $0x2000  }
0x82: {  	[sflag:s14] =	ssyncset.done $0x0  }
0x83: {  	[sflag:s14] =	ssyncadd.s32 $0xFFFFE000  }
0x84: {  	s15 =	sadd.s32 $0x1, s15;
	_ =	swait.ge [sflag:s14], $0x2000  }
0x85: {  	p0 =	sne.s32 s15, s5;
	[sflag:s14] =	ssyncset.done $0x0  }
.Ltmp4:
0x86: {  	[sflag:s14] =	ssyncadd.s32 $0xFFFFE000;
	(pc) =	sbr.rel @p0 .LBB2_1-.Ltmp4, $4  }
0x87: {  	[hbm4b:s16+s2] =	stream.linear.scatter [tilespmem:s9], [sflag:$0x2], $0xA000, $0x38;
	[tilespmem:$0xD200] =	vst v63  }
0x88: {  	_ =	swait.ge [sflag:s7], $0xA000  }
0x89: {  	[sflag:s7] =	ssyncset.done $0x0  }
0x8a: {  	[sflag:s7] =	ssyncadd.s32 $0xFFFF6000  }
0x8b: {  	_ =	sfence.sel $0x180000  }
0x8c: {  	[bflag:$0x0] =	sbarrier.arrive $0xFFFF  }
0x8d: {  	p0 =	sne.s32 s0, $0x0;
	_ =	strace $0x90000047  }
0x8e: {  	s0 =	sadd.s32 @!p0 $0x100000, s1;
	[bflag:$0x2] =	sbarrier.arrive $0xFFFF  }
0x8f: {  	[sflag:s0] =	ssyncadd.tile.s32 @!p0 $0x1;
	_ =	shalt  }
.Lfunc_end2:
_tile_overlayer_lowered:
.L_overlay_start_2:
0x90: {  	(tag) =	ssettag $0x2  }
0x91: {  	s0 =	rddreg [dreg:$0x0];
	s2 =	stileid.u32  }
0x92: {  	s1 =	rddreg [dreg:$0x1];
	p0 =	sne.s32 s2, $0x0  }
0x93: {  	s3 =	rddreg [dreg:$0x2];
	[bflag:$0x3] =	sbarrier.arrive $0xFFFF;
	s2 =	simm.s32 @!p0 $0x1C02  }
0x94: {  	[timem:s3], [sflag:s2] =	dma.local @!p0 [hbm:s0], s1  }
0x95: {  	s0 =	simm.s32 @!p0 $0x2  }
0x96: {  	_ =	swait.ge @!p0 [sflag:s0], s1  }
0x97: {  	s1 =	ssub.s32 @!p0 $0x0, s1;
	[sflag:s0] =	ssyncset.done @!p0 $0x0  }
0x98: {  	[sflag:s0] =	ssyncadd.s32 @!p0 s1  }
0x99: {  	[bflag:$0x3] =	sbarrier.arrive $0xFFFF  }
0x9a: {  	_ =	shalt  }

// kernel: kernel.13.cloned.1.call-start
scs
__scs_entry_jumppad:
0x0: {  	(pc) =	sbr.rel $0x88, $3  }
0x1: {  	(tag) =	ssettag $0x0;
	lr =	simm.s32 $0x1  }
0x2: {  	[smem:$0x3F96] =	sst lr;
	_ =	strace $0xD0000000  }
0x3: {  	_ = 	snop  }
0x4: {  	_ = 	snop  }
0x5: {  	_ = 	snop  }
0x6: {  	_ = 	snop  }
0x7: {  	_ = 	snop  }
__scs_overlays_trampoline_lowered:
0x8: {  	[smem:$0x3FA5] =	sst s0  }
0x9: {  	[smem:$0x3FA6] =	sst s1  }
0xa: {  	[smem:$0x3FA7] =	sst s2  }
0xb: {  	[smem:$0x3FA8] =	sst s3  }
0xc: {  	[smem:$0x3FA9] =	sst s4  }
0xd: {  	[smem:$0x3FAA] =	sst s5  }
0xe: {  	[smem:$0x3FAB] =	sst s6  }
0xf: {  	[smem:$0x3FAC] =	sst s7  }
0x10: {  	[smem:$0x3FAD] =	sst s8  }
0x11: {  	[smem:$0x3FAE] =	sst s9;
	s0 =	simm.s32 @!p0 $0x0  }
0x12: {  	s1 =	sld [smem:$0x3F94];
	s0 =	simm.s32 @p0 $0x1  }
0x13: {  	[smem:$0x3FAF] =	sst s0;
	s0 =	simm.s32 @!p1 $0x0  }
0x14: {  	s2 =	sld [smem:$0x3F93];
	s0 =	simm.s32 @p1 $0x1  }
0x15: {  	[smem:$0x3FB0] =	sst s0;
	s0 =	simm.s32 @!p2 $0x0  }
0x16: {  	s3 =	sld [smem:$0x3FDB];
	s0 =	simm.s32 @p2 $0x1  }
0x17: {  	s4 =	simm.s32 $0x1BF5;
	[smem:$0x3FB2] =	sst s0  }
0x18: {  	s0 =	sld [smem:$0x3F95];
	_ =	swait.ge [sflag:s4], $0x0  }
0x19: {  	s7 =	sld [smem:$0x3F96]  }
0x1a: {  	s8 =	sadd.s32 $0xFFFFE003, lr  }
0x1b: {  	s9 =	sadd.s32 $0xFFFFFEF7, lr;
	s5 =	simm.s32 $0xFFFFFFFF;
	p2 =	slt.u32 s8, $0xFFFFF086  }
0x1c: {  	p1 =	slt.u32 s9, $0xF7A;
	s5 =	simm.s32 @!p2 $0x0  }
0x1d: {  	s5 =	simm.s32 @p1 $0x1;
	p0 =	seq.s32 s7, s2  }
0x1e: {  	s7 =	smul.u32 @!p0 $0xF7A, s2;
	p2 =	seq.s32 @!p0 s5, $0x0  }
0x1f: {  	s9 =	smul.u32 $0xF7A, s1;
	s8 =	simm.s32 @!p0 $0x1BF5;
	p2 =	por !p2, p0  }
0x20: {  	[sflag:s8] =	ssyncset.s32 @!p0 $0xFFFFF086;
	s6 =	sadd.s32 @!p0 s3, s7;
	s7 =	simm.s32 @!p0 $0x108  }
0x21: {  	s3 =	sadd.s32 s3, s9;
	s6 =	sadd.s32 @!p0 $0x88, s6;
	s7 =	simm.s32 @p2 $0x1082  }
0x22: {  	[simem:s7], [sflag:s8] =	dma.local @!p0 [hbm:s6], $0xF7A  }
0x23: {  	s9 =	sor.u32 $0xD0000000, s2;
	s6 =	simm.s32 $0x108;
	_ =	swait.ge @!p0 [sflag:s8], $0x0  }
0x24: {  	s3 =	sadd.s32 $0x88, s3;
	s6 =	simm.s32 @!p1 $0x1082;
	[sflag:s4] =	ssyncset.s32 $0xFFFFF086  }
0x25: {  	[simem:s6], [sflag:s4] =	dma.local [hbm:s3], $0xF7A  }
0x26: {  	[smem:$0x3F96] =	sst s1;
	(tag) =	ssettag s2;
	_ =	strace s9  }
0x27: {  	s1 =	sld [smem:$0x3FA6]  }
0x28: {  	s2 =	sld [smem:$0x3FA7]  }
0x29: {  	s4 =	sld [smem:$0x3FA9]  }
0x2a: {  	p0 =	seq.s32 s5, $0x0;
	s5 =	sld [smem:$0x3FAA]  }
0x2b: {  	s6 =	sld [smem:$0x3FAB]  }
0x2c: {  	s7 =	sld [smem:$0x3FAC]  }
0x2d: {  	s3 =	simm.s32 $0x108;
	s8 =	sld [smem:$0x3FAD]  }
0x2e: {  	s3 =	simm.s32 @!p0 $0x1082;
	s9 =	sld [smem:$0x3FAE]  }
0x2f: {  	lr =	sadd.s32 s0, s3;
	s0 =	sld [smem:$0x3FA5]  }
0x30: {  	s3 =	sld [smem:$0x3FA8]  }
0x31: {  	[smem:$0x3FB1] =	sst s10  }
0x32: {  	s10 =	sld [smem:$0x3FAF];
	_ =	sdelay $0x3  }
0x33: {  	p0 =	seq.s32 s10, $0x1;
	s10 =	sld [smem:$0x3FB1];
	_ =	sdelay $0x3  }
0x34: {  	[smem:$0x3FB1] =	sst s10  }
0x35: {  	s10 =	sld [smem:$0x3FB0];
	_ =	sdelay $0x3  }
0x36: {  	p1 =	seq.s32 s10, $0x1;
	s10 =	sld [smem:$0x3FB1];
	_ =	sdelay $0x3  }
0x37: {  	[smem:$0x3FB1] =	sst s10  }
0x38: {  	s10 =	sld [smem:$0x3FB2]  }
0x39: {  	_ = 	snop;
	(pc) =	sbr.ind lr, $3  }
0x3a: {  	_ = 	snop  }
0x3b: {  	_ = 	snop  }
0x3c: {  	p2 =	seq.s32 s10, $0x1;
	s10 =	sld [smem:$0x3FB1]  }
0x3d: {  	_ =	shalt  }
0x3e: {  	_ =	shalt  }
0x3f: {  	_ =	shalt  }
0x40: {  	_ =	shalt  }
0x41: {  	_ =	shalt  }
0x42: {  	_ =	shalt  }
0x43: {  	_ =	shalt  }
0x44: {  	_ =	shalt  }
0x45: {  	_ =	shalt  }
0x46: {  	_ =	shalt  }
0x47: {  	_ =	shalt  }
0x48: {  	_ =	shalt  }
0x49: {  	_ =	shalt  }
0x4a: {  	_ =	shalt  }
0x4b: {  	_ =	shalt  }
0x4c: {  	_ =	shalt  }
0x4d: {  	_ =	shalt  }
0x4e: {  	_ =	shalt  }
0x4f: {  	_ =	shalt  }
0x50: {  	_ =	shalt  }
0x51: {  	_ =	shalt  }
0x52: {  	_ =	shalt  }
0x53: {  	_ =	shalt  }
0x54: {  	_ =	shalt  }
0x55: {  	_ =	shalt  }
0x56: {  	_ =	shalt  }
0x57: {  	_ =	shalt  }
0x58: {  	_ =	shalt  }
0x59: {  	_ =	shalt  }
0x5a: {  	_ =	shalt  }
0x5b: {  	_ =	shalt  }
0x5c: {  	_ =	shalt  }
0x5d: {  	_ =	shalt  }
0x5e: {  	_ =	shalt  }
0x5f: {  	_ =	shalt  }
0x60: {  	_ =	shalt  }
0x61: {  	_ =	shalt  }
0x62: {  	_ =	shalt  }
0x63: {  	_ =	shalt  }
0x64: {  	_ =	shalt  }
0x65: {  	_ =	shalt  }
0x66: {  	_ =	shalt  }
0x67: {  	_ =	shalt  }
0x68: {  	_ =	shalt  }
0x69: {  	_ =	shalt  }
0x6a: {  	_ =	shalt  }
0x6b: {  	_ =	shalt  }
0x6c: {  	_ =	shalt  }
0x6d: {  	_ =	shalt  }
0x6e: {  	_ =	shalt  }
0x6f: {  	_ =	shalt  }
0x70: {  	_ =	shalt  }
0x71: {  	_ =	shalt  }
0x72: {  	_ =	shalt  }
0x73: {  	_ =	shalt  }
0x74: {  	_ =	shalt  }
0x75: {  	_ =	shalt  }
0x76: {  	_ =	shalt  }
0x77: {  	_ =	shalt  }
0x78: {  	_ =	shalt  }
0x79: {  	_ =	shalt  }
0x7a: {  	_ =	shalt  }
0x7b: {  	_ =	shalt  }
0x7c: {  	_ =	shalt  }
0x7d: {  	_ =	shalt  }
0x7e: {  	_ =	shalt  }
0x7f: {  	_ =	shalt  }
0x80: {  	_ =	shalt  }
0x81: {  	_ =	shalt  }
0x82: {  	_ =	shalt  }
0x83: {  	_ =	shalt  }
0x84: {  	_ =	shalt  }
0x85: {  	_ =	shalt  }
0x86: {  	_ =	shalt  }
0x87: {  	_ =	shalt  }
.Lfunc_end0:
.L_simem_size_0:
called_computation.2_lowered:
.L_overlay_start_0:
0x88: {  	s2 =	sld [smem:$0x3FD9]  }
0x89: {  	s3 =	sld [smem:$0x3FFE];
	_ =	sdelay $0x1  }
0x8a: {  	s1 =	srdreg.scid  }
0x8b: {  	s0 =	sand.u32 $0x1, s1  }
0x8c: {  	s17 =	sshll.u32 s0, $0xA;
	s2 =	sadd.s32 s3, s2  }
0x8d: {  	s2 =	sadd.s32 s2, s17  }
0x8e: {  	[smem:$0x3FBD] =	sst s2  }
0x8f: {  	_ = 	snop  }
0x90: {  	(tm) =	ssettm $0x1  }
0x91: {  	s18 =	sld [smem:$0x3FFB];
	_ =	sdelay $0x3  }
0x92: {  	_ =	strace s18  }
0x93: {  	s2 =	sld [smem:$0x3FFC];
	_ =	sdelay $0x3  }
0x94: {  	_ =	strace s2  }
0x95: {  	s2 =	sld [smem:$0x3FFD];
	_ =	sdelay $0x3  }
0x96: {  	_ =	strace s2  }
0x97: {  	_ =	strace $0x8FFFFFFF  }
0x98: {  	s19 =	sld [smem:$0x3FDB];
	_ =	sdelay $0x1  }
0x99: {  	s20 =	simm.s32 $_scs_section_size  }
0x9a: {  	s4 =	simm.s32 $_size__tile_overlayer_lowered;
	s5 =	simm.s32 $_tile_overlayer_lowered  }
0x9b: {  	s6 =	simm.s32 $0x1BFF;
	s21 =	sshll.u32 s5, $0x1;
	s3 =	sadd.s32 s20, s19  }
0x9c: {  	s22 =	simm.s32 $0x0;
	s4 =	sshll.u32 s4, $0x1;
	s5 =	sadd.s32 s21, s3  }
0x9d: {  	[timem:s22], [sflag:s6] =	dma.local [hbm:s5], s4  }
0x9e: {  	_ =	swait.ge [sflag:s6], s4  }
0x9f: {  	s4 =	ssub.s32 $0x0, s4;
	[sflag:s6] =	ssyncset.done $0x0  }
0xa0: {  	[sflag:s6] =	ssyncadd.s32 s4;
	_ =	sdelay $0x1  }
0xa1: {  	s23 =	simm.s32 $0x1B8B  }
0xa2: {  	_ =	swait.ge [sflag:s23], $0x1  }
0xa3: {  	[sflag:s23] =	ssyncset.done $0x0  }
0xa4: {  	[sflag:s23] =	ssyncadd.s32 $0xFFFFFFFF  }
0xa5: {  	s4 =	sld [smem:$0x0]  }
0xa6: {  	s5 =	sand.u32 $0xFFFFFFFE, s1  }
0xa7: {  	p0 =	sne.s32 s1, s5  }
0xa8: {  	s5 =	sshll.u32 @p0 s5, $0xE  }
0xa9: {  	s5 =	sadd.s32 @p0 $0x11B8D, s5;
	s6 =	sshll.u32 @p0 s4, $0x11  }
0xaa: {  	s5 =	sor.u32 @p0 s6, s5  }
0xab: {  	[sflag:s5] =	ssyncadd.remote.s32 @p0 $0x1;
	_ =	sdelay $0x1  }
0xac: {  	s5 =	simm.s32 @p0 $0x1B8D  }
0xad: {  	_ =	swait.eq @p0 [sflag:s5], $0x1  }
0xae: {  	[sflag:s5] =	ssyncadd.s32 @p0 $0xFFFFFFFF  }
0xaf: {  	s6 =	sshll.u32 @!p0 s1, $0xE  }
0xb0: {  	s6 =	sor.u32 @!p0 $0x4000, s6;
	s5 =	simm.s32 @!p0 $0x1B8D  }
0xb1: {  	s4 =	sshll.u32 @!p0 s4, $0x11;
	s6 =	sadd.s32 @!p0 $0x11B8D, s6;
	_ =	swait.eq @!p0 [sflag:s5], $0x1  }
0xb2: {  	s4 =	sor.u32 @!p0 s4, s6;
	[sflag:s5] =	ssyncadd.s32 @!p0 $0xFFFFFFFF  }
0xb3: {  	s25 =	simm.s32 $0x1B8E;
	s24 =	sld [smem:$0x3FFE];
	[sflag:s4] =	ssyncadd.remote.s32 @!p0 $0x1  }
0xb4: {  	s26 =	simm.s32 $execute0_lowered;
	[smem:$0x3FD2] =	sst s25  }
0xb5: {  	s5 =	sshll.u32 s26, $0x1;
	_ =	strace $0x80000049;
	[dreg:$0x1] =	wrdreg $0xFFFFFFFF  }
0xb6: {  	s28 =	simm.s32 $_size_execute0_lowered;
	s3 =	sadd.s32 s3, s5;
	[dreg:$0x0] =	wrdreg $0x0  }
0xb7: {  	s5 =	sshll.u32 s28, $0x1;
	[dreg:$0x2] =	wrdreg s3  }
0xb8: {  	[dreg:$0x3] =	wrdreg s5  }
0xb9: {  	[dreg:$0x4] =	wrdreg $0xC0  }
0xba: {  	_ =	task [dreg:s22], $0x5FFFF  }
0xbb: {  	[dreg:$0x1] =	wrdreg $0xFFFFFFFF  }
0xbc: {  	[dreg:$0x0] =	wrdreg $0x60  }
0xbd: {  	[dreg:$0x2] =	wrdreg s24  }
0xbe: {  	[dreg:$0x3] =	wrdreg $0xA  }
0xbf: {  	_ =	task.clear_ibuf [dreg:s22], $0x4FFFF;
	_ =	strace $0x90000049  }
0xc0: {  	s29 =	simm.s32 $0xA;
	_ =	strace $0x8000004B  }
0xc1: {  	_ =	swait.ge [sflag:s29], $0x1  }
0xc2: {  	[sflag:s29] =	ssyncadd.s32 $0xFFFFFFFF  }
0xc3: {  	_ =	strace $0x9000004B  }
0xc4: {  	_ =	sfence  }
0xc5: {  	s30 =	sld [smem:$0x0];
	_ =	sdelay $0x2  }
0xc6: {  	s31 =	sshll.u32 s1, $0xD;
	s1 =	sshrl.u32 s1, $0x2  }
0xc7: {  	s4 =	sand.u32 $0x4000, s31;
	s1 =	sadd.s32 s1, s30  }
0xc8: {  	s0 =	sor.u32 s4, s0;
	s1 =	sshll.u32 s1, $0x11  }
0xc9: {  	s0 =	sor.u32 s1, s0  }
0xca: {  	s0 =	sadd.s32 $0x8F2B, s0  }
0xcb: {  	[sflag:s0] =	ssyncadd.remote.s32 $0x1  }
0xcc: {  	_ =	sfence.sel $0xFFFF  }
0xcd: {  	[dreg:$0x0] =	wrdreg $0xFFFFFFFF;
	(pc) =	sbr.abs _section_cstart, $3  }
0xce: {  	[dreg:$0x1] =	wrdreg $0xFFFFFFFF  }
0xcf: {  	_ =	task.clear_ibuf [dreg:s22], $0x2FFFF;
	_ =	strace $0x9FFFFFFF  }
0xd0: {  	(tm) =	ssettm $0x7FFFFFFF  }
0xd1: {  	_ =	shalt  }
tec
execute0_lowered:
.L_overlay_start_1:
0x0: {  	(tag) =	ssettag $0x1  }
0x1: {  	v0 =	vimm.s32 $0x647;
	vm0 =	vcmask $0x300  }
0x2: {  	vm14 =	vcmask $0x704;
	v0 =	vsel vm0, $0x0, v0  }
0x3: {  	vm15 =	vcmask $0xB08;
	v0 =	vsel vm14, $0x640, v0  }
0x4: {  	vm4 =	vcmask $0xF0C;
	v0 =	vsel vm15, $0x1, v0  }
0x5: {  	vm5 =	vcmask $0x1310;
	v0 =	vsel vm4, $0x641, v0  }
0x6: {  	s1 =	srdreg.scid;
	s0 =	stileid.u32;
	vm6 =	vcmask $0x1714;
	v0 =	vsel vm5, $0x2, v0  }
0x7: {  	s4 =	rddreg [dreg:$0x0];
	vm7 =	vcmask $0x1B18;
	s2 =	simm.s32 $0x0;
	s10 =	simm.s32 $0x5200;
	v0 =	vsel vm6, $0x642, v0  }
0x8: {  	vm8 =	vcmask $0x1F1C;
	s11 =	simm.s32 $0x7200;
	s12 =	simm.s32 $0x9200;
	s13 =	simm.s32 $0xB200;
	v0 =	vsel vm7, $0x3, v0  }
0x9: {  	vm9 =	vcmask $0x2320;
	s14 =	simm.s32 $0x1;
	s3 =	sand.u32 $0x1, s1;
	s1 =	rddreg [dreg:$0x1];
	v0 =	vsel vm8, $0x643, v0  }
0xa: {  	vm10 =	vcmask $0x2724;
	s15 =	simm.s32 $0x0;
	s31 =	sshll.u32 s0, $0x1;
	[smem:$0x7FF] =	sst s2;
	v0 =	vsel vm9, $0x4, v0  }
0xb: {  	vm11 =	vcmask $0x2B28;
	s6 =	smul.u32 $0x19000, s0;
	s5 =	sor.u32 s3, s31;
	_ =	strace $0x8000004A;
	v0 =	vsel vm10, $0x644, v0  }
0xc: {  	vm12 =	vcmask $0x2F2C;
	s7 =	ssub.s32 $0x2, s3;
	s8 =	smul.u32 $0xC800, s3;
	s3 =	sadd.s32 $0xF4B600, s4;
	v0 =	vsel vm11, $0x5, v0  }
0xd: {  	vm13 =	vcmask $0x3330;
	s5 =	smul.u32 $0x320, s5;
	s6 =	sadd.s32 s6, s4;
	s9 =	sshrl.u32 s7, $0x1;
	v0 =	vsel vm12, $0x645, v0  }
0xe: {  	vm14 =	vcmask $0x3734;
	s7 =	ssub.s32 s7, s9;
	s6 =	sadd.s32 s8, s6;
	s8 =	simm.s32 $0x80;
	v0 =	vsel vm13, $0x6, v0  }
0xf: {  	vm15 =	vcmask $0x3B38;
	s9 =	simm.s32 $0x3200;
	s5 =	sadd.s32 s5, s4;
	s6 =	sadd.s32 $0x1ABE00, s6;
	v0 =	vsel vm14, $0x646, v0  }
0x10: {  	s4 =	sadd.s32 $0x199200, s5;
	s5 =	smax.u32 s7, $0x1;
	s7 =	simm.s32 $0x2;
	v0 =	vsel vm15, $0x7, v0  }
.LBB2_1:
0x11: {  	p0 =	por $0x1, $0x1;
	s16 =	simm.s32 $0xFFFFF380  }
0x12: {  	p1 =	por $0x0, $0x0;
	s17 =	simm.s32 $0xC80;
	s16 =	smov.u32 @p0 s2  }
0x13: {  	s17 =	simm.s32 @!p1 $0x0;
	s16 =	sshrl.u32 s16, $0x1  }
0x14: {  	s17 =	sadd.s32 s17, s16  }
0x15: {  	[tilespmem:s2], [sflag:$0x2] =	stream.linear.gather [hbm4b:s4+s2], $0x1900, $0x38;
	v1 =	vadd.s32 s17, v0;
	[tilespmem:$0xD200] =	vst v63  }
0x16: {  	s18 =	simm.s32 $0xFFFFF390;
	_ =	swait.ge [sflag:s7], $0x1900  }
0x17: {  	p0 =	por $0x1, $0x1;
	p1 =	por $0x0, $0x0;
	s16 =	simm.s32 $0x10  }
0x18: {  	[sflag:s7] =	ssyncset.done $0x0;
	s18 =	smov.u32 @p0 s16;
	s17 =	simm.s32 $0xC80  }
0x19: {  	[sflag:s7] =	ssyncadd.s32 $0xFFFFE700;
	s18 =	sshrl.u32 s18, $0x1;
	s17 =	simm.s32 @!p1 $0x0  }
0x1a: {  	s20 =	simm.s32 $0x2;
	s19 =	sand.u32 $0x7E00, s2;
	s18 =	sadd.s32 s17, s18;
	v2 =	vld.idx.msk [tilespmem:v1+s2+$0x0], $0xffff  }
0x1b: {  	s21 =	sand.u32 $0x70, s2;
	s22 =	simm.s32 $0xFFFFF3A0;
	s23 =	sshrl.u32 s19, $0x2;
	v1 =	vadd.s32 s18, v0  }
0x1c: {  	s19 =	simm.s32 $0x3;
	s23 =	sor.u32 s21, s23;
	s21 =	simm.s32 $0x0  }
0x1d: {  	p1 =	por $0x1, $0x1;
	s17 =	simm.s32 $0x20;
	s18 =	simm.s32 $0x0  }
.LBB2_2:
0x1e: {  	p0 =	sne.s32 s19, $0x18F;
	s22 =	smov.u32 @p1 s17  }
0x1f: {  	p2 =	sgt.u32 s20, $0xC7;
	[tilespmem:s23+$0x1900] =	vst v2;
	s20 =	sshrl.u32 s22, $0x1;
	s22 =	simm.s32 $0xC80  }
0x20: {  	s23 =	smov.u32 s16;
	v2 =	vld.idx.msk [tilespmem:v1+s21+$0x0], $0xffff;
	s22 =	simm.s32 @!p2 $0x0  }
.Ltmp0:
0x21: {  	s16 =	smov.u32 s17;
	s20 =	sadd.s32 s22, s20;
	(pc) =	sbr.rel @p0 .LBB2_2-.Ltmp0, $4  }
0x22: {  	s18 =	sadd.s32 $0x40, s18;
	v1 =	vadd.s32 s20, v0;
	s20 =	smov.u32 s19  }
0x23: {  	s17 =	sadd.s32 $0x10, s17;
	s21 =	simm.s32 $0x0;
	s22 =	sand.u32 $0x7E00, s18  }
0x24: {  	p1 =	slt.u32 s19, $0xC8;
	s23 =	sand.u32 $0x70, s23;
	s24 =	sshrl.u32 s22, $0x2  }
0x25: {  	s22 =	sadd.s32 $0xFFFFF380, s17;
	s19 =	sadd.s32 $0x1, s19;
	s23 =	sor.u32 s23, s24  }
0x26: {  	_ =	sdelay $0x1  }
0x27: {  	p0 =	sgt.u32 s20, $0xC7;
	s22 =	smov.u32 @p1 s17;
	s19 =	simm.s32 $0xC80  }
0x28: {  	[tilespmem:s23+$0x1900] =	vst v2;
	s26 =	sshrl.u32 s22, $0x1;
	s19 =	simm.s32 @!p0 $0x0  }
0x29: {  	v1 =	vld.idx.msk [tilespmem:v1+s21+$0x0], $0xffff;
	s19 =	sadd.s32 s19, s26  }
0x2a: {  	s18 =	sadd.s32 $0x40, s18;
	v2 =	vadd.s32 s19, v0  }
0x2b: {  	s28 =	sand.u32 $0x7E00, s18  }
0x2c: {  	s16 =	sand.u32 $0x70, s16;
	s19 =	sshrl.u32 s28, $0x2  }
0x2d: {  	s16 =	sor.u32 s16, s19  }
0x2e: {  	s29 =	simm.s32 $0x0;
	[tilespmem:s16+$0x1900] =	vst v1  }
0x2f: {  	p1 =	por $0x1, $0x1;
	v1 =	vld.idx.msk [tilespmem:v2+s29+$0x0], $0xffff  }
.Ltmp1:
0x30: {  	s30 =	sadd.s32 $0x40, s18;
	(pc) =	sbr.rel @!p1 .LBB2_6-.Ltmp1, $4  }
0x31: {  	s16 =	sand.u32 $0x7E00, s30  }
0x32: {  	s31 =	sand.u32 $0x70, s17;
	s16 =	sshrl.u32 s16, $0x2  }
0x33: {  	s16 =	sor.u32 s31, s16  }
0x34: {  	s17 =	simm.s32 $0x0;
	p0 =	por $0x0, $0x0;
	[tilespmem:s16+$0x1900] =	vst v1;
	s16 =	smov.u32 s6  }
0x35: {  	s16 =	simm.s32 $0x1900  }
0x36: {  	[tilespmem:s9], [sflag:$0x1] =	stream.indirect.gather [hbm4b:s3+s8], $0x40, s16, s8, $0xb8;
	[tilespmem:$0xD200] =	vst v63  }
0x37: {  	s28 =	simm.s32 $0x1980  }
0x38: {  	[tilespmem:s10], [sflag:$0x1] =	stream.indirect.gather [hbm4b:s3+s8], $0x40, s28, s8, $0xb8;
	[tilespmem:$0xD200] =	vst v63  }
0x39: {  	s29 =	simm.s32 $0x1A00  }
0x3a: {  	[tilespmem:s11], [sflag:$0x1] =	stream.indirect.gather [hbm4b:s3+s8], $0x40, s29, s8, $0xb8;
	[tilespmem:$0xD200] =	vst v63  }
0x3b: {  	s30 =	simm.s32 $0x1A80  }
0x3c: {  	[tilespmem:s12], [sflag:$0x1] =	stream.indirect.gather [hbm4b:s3+s8], $0x40, s30, s8, $0xb8;
	[tilespmem:$0xD200] =	vst v63  }
0x3d: {  	s31 =	simm.s32 $0x1B00  }
0x3e: {  	[tilespmem:s13], [sflag:$0x1] =	stream.indirect.gather [hbm4b:s3+s8], $0x40, s31, s8, $0xb8;
	[tilespmem:$0xD200] =	vst v63  }
0x3f: {  	_ =	swait.ge [sflag:s14], $0x2000  }
0x40: {  	[sflag:s14] =	ssyncset.done $0x0  }
0x41: {  	[sflag:s14] =	ssyncadd.s32 $0xFFFFE000  }
0x42: {  	_ =	swait.ge [sflag:s14], $0x2000  }
0x43: {  	[sflag:s14] =	ssyncset.done $0x0  }
0x44: {  	[sflag:s14] =	ssyncadd.s32 $0xFFFFE000  }
0x45: {  	_ =	swait.ge [sflag:s14], $0x2000  }
0x46: {  	[sflag:s14] =	ssyncset.done $0x0  }
0x47: {  	[sflag:s14] =	ssyncadd.s32 $0xFFFFE000  }
0x48: {  	_ =	swait.ge [sflag:s14], $0x2000  }
0x49: {  	[sflag:s14] =	ssyncset.done $0x0  }
0x4a: {  	[sflag:s14] =	ssyncadd.s32 $0xFFFFE000  }
0x4b: {  	p1 =	por $0x1, $0x1;
	_ =	swait.ge [sflag:s14], $0x2000  }
.Ltmp2:
0x4c: {  	[sflag:s14] =	ssyncset.done $0x0;
	(pc) =	sbr.rel @!p1 .LBB2_6-.Ltmp2, $4  }
0x4d: {  	[sflag:s14] =	ssyncadd.s32 $0xFFFFE000  }
0x4e: {  	[hbm4b:s6+s2] =	stream.linear.scatter [tilespmem:s9], [sflag:$0x2], $0xA000, $0x38;
	[tilespmem:$0xD200] =	vst v63  }
0x4f: {  	s18 =	simm.s32 $0x1400;
	s17 =	simm.s32 $0x280;
	_ =	swait.ge [sflag:s7], $0xA000  }
0x50: {  	p0 =	por $0x1, $0x1;
	s16 =	sadd.s32 $0x1400, s6;
	[sflag:s7] =	ssyncset.done $0x0  }
.LBB2_5:
0x51: {  	s19 =	sadd.s32 $0x1900, s17  }
0x52: {  	[sflag:s7] =	ssyncadd.s32 $0xFFFF6000;
	s20 =	smov.u32 s18;
	s21 =	sadd.s32 $0xA00, s18  }
0x53: {  	[tilespmem:s9], [sflag:$0x1] =	stream.indirect.gather [hbm4b:s3+s8], $0x40, s19, s8, $0xb8;
	[tilespmem:$0xD200] =	vst v63  }
0x54: {  	p1 =	sne.s32 s18, $0x5A00;
	s18 =	sadd.s32 $0x1980, s17  }
0x55: {  	[tilespmem:s10], [sflag:$0x1] =	stream.indirect.gather [hbm4b:s3+s8], $0x40, s18, s8, $0xb8;
	[tilespmem:$0xD200] =	vst v63  }
0x56: {  	s18 =	sadd.s32 $0x1A00, s17  }
0x57: {  	[tilespmem:s11], [sflag:$0x1] =	stream.indirect.gather [hbm4b:s3+s8], $0x40, s18, s8, $0xb8;
	[tilespmem:$0xD200] =	vst v63  }
0x58: {  	s18 =	sadd.s32 $0x1A80, s17  }
0x59: {  	[tilespmem:s12], [sflag:$0x1] =	stream.indirect.gather [hbm4b:s3+s8], $0x40, s18, s8, $0xb8;
	[tilespmem:$0xD200] =	vst v63  }
0x5a: {  	s17 =	sadd.s32 $0x1B00, s17  }
0x5b: {  	[tilespmem:s13], [sflag:$0x1] =	stream.indirect.gather [hbm4b:s3+s8], $0x40, s17, s8, $0xb8;
	[tilespmem:$0xD200] =	vst v63  }
0x5c: {  	_ =	swait.ge [sflag:s14], $0x2000  }
0x5d: {  	[sflag:s14] =	ssyncset.done $0x0  }
0x5e: {  	[sflag:s14] =	ssyncadd.s32 $0xFFFFE000  }
0x5f: {  	_ =	swait.ge [sflag:s14], $0x2000  }
0x60: {  	[sflag:s14] =	ssyncset.done $0x0  }
0x61: {  	[sflag:s14] =	ssyncadd.s32 $0xFFFFE000  }
0x62: {  	_ =	swait.ge [sflag:s14], $0x2000  }
0x63: {  	[sflag:s14] =	ssyncset.done $0x0  }
0x64: {  	[sflag:s14] =	ssyncadd.s32 $0xFFFFE000  }
0x65: {  	_ =	swait.ge [sflag:s14], $0x2000  }
0x66: {  	[sflag:s14] =	ssyncset.done $0x0  }
0x67: {  	[sflag:s14] =	ssyncadd.s32 $0xFFFFE000  }
0x68: {  	_ =	swait.ge [sflag:s14], $0x2000  }
.Ltmp3:
0x69: {  	[sflag:s14] =	ssyncset.done $0x0;
	(pc) =	sbr.rel @p1 .LBB2_5-.Ltmp3, $4  }
0x6a: {  	[sflag:s14] =	ssyncadd.s32 $0xFFFFE000  }
0x6b: {  	[hbm4b:s16+s2] =	stream.linear.scatter [tilespmem:s9], [sflag:$0x2], $0xA000, $0x38;
	[tilespmem:$0xD200] =	vst v63  }
0x6c: {  	s18 =	smov.u32 s21;
	_ =	swait.ge [sflag:s7], $0xA000  }
0x6d: {  	s17 =	sshra.s32 s20, $0x2;
	s16 =	sadd.s32 $0x1400, s16;
	[sflag:s7] =	ssyncset.done $0x0  }
.LBB2_6:
0x6e: {  	s18 =	sadd.s32 $0x1900, s17;
	[sflag:s7] =	ssyncadd.s32 @p0 $0xFFFF6000  }
0x6f: {  	[tilespmem:s9], [sflag:$0x1] =	stream.indirect.gather [hbm4b:s3+s8], $0x40, s18, s8, $0xb8;
	[tilespmem:$0xD200] =	vst v63  }
0x70: {  	s28 =	sadd.s32 $0x1980, s17  }
0x71: {  	[tilespmem:s10], [sflag:$0x1] =	stream.indirect.gather [hbm4b:s3+s8], $0x40, s28, s8, $0xb8;
	[tilespmem:$0xD200] =	vst v63  }
0x72: {  	s29 =	sadd.s32 $0x1A00, s17  }
0x73: {  	[tilespmem:s11], [sflag:$0x1] =	stream.indirect.gather [hbm4b:s3+s8], $0x40, s29, s8, $0xb8;
	[tilespmem:$0xD200] =	vst v63  }
0x74: {  	s30 =	sadd.s32 $0x1A80, s17  }
0x75: {  	[tilespmem:s12], [sflag:$0x1] =	stream.indirect.gather [hbm4b:s3+s8], $0x40, s30, s8, $0xb8;
	[tilespmem:$0xD200] =	vst v63  }
0x76: {  	s31 =	sadd.s32 $0x1B00, s17  }
0x77: {  	[tilespmem:s13], [sflag:$0x1] =	stream.indirect.gather [hbm4b:s3+s8], $0x40, s31, s8, $0xb8;
	[tilespmem:$0xD200] =	vst v63  }
0x78: {  	_ =	swait.ge [sflag:s14], $0x2000  }
0x79: {  	[sflag:s14] =	ssyncset.done $0x0  }
0x7a: {  	[sflag:s14] =	ssyncadd.s32 $0xFFFFE000  }
0x7b: {  	_ =	swait.ge [sflag:s14], $0x2000  }
0x7c: {  	[sflag:s14] =	ssyncset.done $0x0  }
0x7d: {  	[sflag:s14] =	ssyncadd.s32 $0xFFFFE000  }
0x7e: {  	_ =	swait.ge [sflag:s14], $0x2000  }
0x7f: {  	[sflag:s14] =	ssyncset.done $0x0  }
0x80: {  	[sflag:s14] =	ssyncadd.s32 $0xFFFFE000  }
0x81: {  	_ =	swait.ge [sflag:s14], $0x2000  }
0x82: {  	[sflag:s14] =	ssyncset.done $0x0  }
0x83: {  	[sflag:s14] =	ssyncadd.s32 $0xFFFFE000  }
0x84: {  	s15 =	sadd.s32 $0x1, s15;
	_ =	swait.ge [sflag:s14], $0x2000  }
0x85: {  	p0 =	sne.s32 s15, s5;
	[sflag:s14] =	ssyncset.done $0x0  }
.Ltmp4:
0x86: {  	[sflag:s14] =	ssyncadd.s32 $0xFFFFE000;
	(pc) =	sbr.rel @p0 .LBB2_1-.Ltmp4, $4  }
0x87: {  	[hbm4b:s16+s2] =	stream.linear.scatter [tilespmem:s9], [sflag:$0x2], $0xA000, $0x38;
	[tilespmem:$0xD200] =	vst v63  }
0x88: {  	_ =	swait.ge [sflag:s7], $0xA000  }
0x89: {  	[sflag:s7] =	ssyncset.done $0x0  }
0x8a: {  	[sflag:s7] =	ssyncadd.s32 $0xFFFF6000  }
0x8b: {  	_ =	sfence.sel $0x180000  }
0x8c: {  	[bflag:$0x0] =	sbarrier.arrive $0xFFFF  }
0x8d: {  	p0 =	sne.s32 s0, $0x0;
	_ =	strace $0x9000004A  }
0x8e: {  	s0 =	sadd.s32 @!p0 $0x100000, s1;
	[bflag:$0x2] =	sbarrier.arrive $0xFFFF  }
0x8f: {  	[sflag:s0] =	ssyncadd.tile.s32 @!p0 $0x1;
	_ =	shalt  }
.Lfunc_end2:
_tile_overlayer_lowered:
.L_overlay_start_2:
0x90: {  	(tag) =	ssettag $0x2  }
0x91: {  	s0 =	rddreg [dreg:$0x0];
	s2 =	stileid.u32  }
0x92: {  	s1 =	rddreg [dreg:$0x1];
	p0 =	sne.s32 s2, $0x0  }
0x93: {  	s3 =	rddreg [dreg:$0x2];
	[bflag:$0x3] =	sbarrier.arrive $0xFFFF;
	s2 =	simm.s32 @!p0 $0x1C02  }
0x94: {  	[timem:s3], [sflag:s2] =	dma.local @!p0 [hbm:s0], s1  }
0x95: {  	s0 =	simm.s32 @!p0 $0x2  }
0x96: {  	_ =	swait.ge @!p0 [sflag:s0], s1  }
0x97: {  	s1 =	ssub.s32 @!p0 $0x0, s1;
	[sflag:s0] =	ssyncset.done @!p0 $0x0  }
0x98: {  	[sflag:s0] =	ssyncadd.s32 @!p0 s1  }
0x99: {  	[bflag:$0x3] =	sbarrier.arrive $0xFFFF  }
0x9a: {  	_ =	shalt  }

// kernel: kernel.16.cloned.1.call-start
scs
__scs_entry_jumppad:
0x0: {  	(pc) =	sbr.rel $0x88, $3  }
0x1: {  	(tag) =	ssettag $0x0;
	lr =	simm.s32 $0x1  }
0x2: {  	[smem:$0x3F96] =	sst lr;
	_ =	strace $0xD0000000  }
0x3: {  	_ = 	snop  }
0x4: {  	_ = 	snop  }
0x5: {  	_ = 	snop  }
0x6: {  	_ = 	snop  }
0x7: {  	_ = 	snop  }
__scs_overlays_trampoline_lowered:
0x8: {  	[smem:$0x3FA5] =	sst s0  }
0x9: {  	[smem:$0x3FA6] =	sst s1  }
0xa: {  	[smem:$0x3FA7] =	sst s2  }
0xb: {  	[smem:$0x3FA8] =	sst s3  }
0xc: {  	[smem:$0x3FA9] =	sst s4  }
0xd: {  	[smem:$0x3FAA] =	sst s5  }
0xe: {  	[smem:$0x3FAB] =	sst s6  }
0xf: {  	[smem:$0x3FAC] =	sst s7  }
0x10: {  	[smem:$0x3FAD] =	sst s8  }
0x11: {  	[smem:$0x3FAE] =	sst s9;
	s0 =	simm.s32 @!p0 $0x0  }
0x12: {  	s1 =	sld [smem:$0x3F94];
	s0 =	simm.s32 @p0 $0x1  }
0x13: {  	[smem:$0x3FAF] =	sst s0;
	s0 =	simm.s32 @!p1 $0x0  }
0x14: {  	s2 =	sld [smem:$0x3F93];
	s0 =	simm.s32 @p1 $0x1  }
0x15: {  	[smem:$0x3FB0] =	sst s0;
	s0 =	simm.s32 @!p2 $0x0  }
0x16: {  	s3 =	sld [smem:$0x3FDB];
	s0 =	simm.s32 @p2 $0x1  }
0x17: {  	s4 =	simm.s32 $0x1BF5;
	[smem:$0x3FB2] =	sst s0  }
0x18: {  	s0 =	sld [smem:$0x3F95];
	_ =	swait.ge [sflag:s4], $0x0  }
0x19: {  	s7 =	sld [smem:$0x3F96]  }
0x1a: {  	s8 =	sadd.s32 $0xFFFFE003, lr  }
0x1b: {  	s9 =	sadd.s32 $0xFFFFFEF7, lr;
	s5 =	simm.s32 $0xFFFFFFFF;
	p2 =	slt.u32 s8, $0xFFFFF086  }
0x1c: {  	p1 =	slt.u32 s9, $0xF7A;
	s5 =	simm.s32 @!p2 $0x0  }
0x1d: {  	s5 =	simm.s32 @p1 $0x1;
	p0 =	seq.s32 s7, s2  }
0x1e: {  	s7 =	smul.u32 @!p0 $0xF7A, s2;
	p2 =	seq.s32 @!p0 s5, $0x0  }
0x1f: {  	s9 =	smul.u32 $0xF7A, s1;
	s8 =	simm.s32 @!p0 $0x1BF5;
	p2 =	por !p2, p0  }
0x20: {  	[sflag:s8] =	ssyncset.s32 @!p0 $0xFFFFF086;
	s6 =	sadd.s32 @!p0 s3, s7;
	s7 =	simm.s32 @!p0 $0x108  }
0x21: {  	s3 =	sadd.s32 s3, s9;
	s6 =	sadd.s32 @!p0 $0x88, s6;
	s7 =	simm.s32 @p2 $0x1082  }
0x22: {  	[simem:s7], [sflag:s8] =	dma.local @!p0 [hbm:s6], $0xF7A  }
0x23: {  	s9 =	sor.u32 $0xD0000000, s2;
	s6 =	simm.s32 $0x108;
	_ =	swait.ge @!p0 [sflag:s8], $0x0  }
0x24: {  	s3 =	sadd.s32 $0x88, s3;
	s6 =	simm.s32 @!p1 $0x1082;
	[sflag:s4] =	ssyncset.s32 $0xFFFFF086  }
0x25: {  	[simem:s6], [sflag:s4] =	dma.local [hbm:s3], $0xF7A  }
0x26: {  	[smem:$0x3F96] =	sst s1;
	(tag) =	ssettag s2;
	_ =	strace s9  }
0x27: {  	s1 =	sld [smem:$0x3FA6]  }
0x28: {  	s2 =	sld [smem:$0x3FA7]  }
0x29: {  	s4 =	sld [smem:$0x3FA9]  }
0x2a: {  	p0 =	seq.s32 s5, $0x0;
	s5 =	sld [smem:$0x3FAA]  }
0x2b: {  	s6 =	sld [smem:$0x3FAB]  }
0x2c: {  	s7 =	sld [smem:$0x3FAC]  }
0x2d: {  	s3 =	simm.s32 $0x108;
	s8 =	sld [smem:$0x3FAD]  }
0x2e: {  	s3 =	simm.s32 @!p0 $0x1082;
	s9 =	sld [smem:$0x3FAE]  }
0x2f: {  	lr =	sadd.s32 s0, s3;
	s0 =	sld [smem:$0x3FA5]  }
0x30: {  	s3 =	sld [smem:$0x3FA8]  }
0x31: {  	[smem:$0x3FB1] =	sst s10  }
0x32: {  	s10 =	sld [smem:$0x3FAF];
	_ =	sdelay $0x3  }
0x33: {  	p0 =	seq.s32 s10, $0x1;
	s10 =	sld [smem:$0x3FB1];
	_ =	sdelay $0x3  }
0x34: {  	[smem:$0x3FB1] =	sst s10  }
0x35: {  	s10 =	sld [smem:$0x3FB0];
	_ =	sdelay $0x3  }
0x36: {  	p1 =	seq.s32 s10, $0x1;
	s10 =	sld [smem:$0x3FB1];
	_ =	sdelay $0x3  }
0x37: {  	[smem:$0x3FB1] =	sst s10  }
0x38: {  	s10 =	sld [smem:$0x3FB2]  }
0x39: {  	_ = 	snop;
	(pc) =	sbr.ind lr, $3  }
0x3a: {  	_ = 	snop  }
0x3b: {  	_ = 	snop  }
0x3c: {  	p2 =	seq.s32 s10, $0x1;
	s10 =	sld [smem:$0x3FB1]  }
0x3d: {  	_ =	shalt  }
0x3e: {  	_ =	shalt  }
0x3f: {  	_ =	shalt  }
0x40: {  	_ =	shalt  }
0x41: {  	_ =	shalt  }
0x42: {  	_ =	shalt  }
0x43: {  	_ =	shalt  }
0x44: {  	_ =	shalt  }
0x45: {  	_ =	shalt  }
0x46: {  	_ =	shalt  }
0x47: {  	_ =	shalt  }
0x48: {  	_ =	shalt  }
0x49: {  	_ =	shalt  }
0x4a: {  	_ =	shalt  }
0x4b: {  	_ =	shalt  }
0x4c: {  	_ =	shalt  }
0x4d: {  	_ =	shalt  }
0x4e: {  	_ =	shalt  }
0x4f: {  	_ =	shalt  }
0x50: {  	_ =	shalt  }
0x51: {  	_ =	shalt  }
0x52: {  	_ =	shalt  }
0x53: {  	_ =	shalt  }
0x54: {  	_ =	shalt  }
0x55: {  	_ =	shalt  }
0x56: {  	_ =	shalt  }
0x57: {  	_ =	shalt  }
0x58: {  	_ =	shalt  }
0x59: {  	_ =	shalt  }
0x5a: {  	_ =	shalt  }
0x5b: {  	_ =	shalt  }
0x5c: {  	_ =	shalt  }
0x5d: {  	_ =	shalt  }
0x5e: {  	_ =	shalt  }
0x5f: {  	_ =	shalt  }
0x60: {  	_ =	shalt  }
0x61: {  	_ =	shalt  }
0x62: {  	_ =	shalt  }
0x63: {  	_ =	shalt  }
0x64: {  	_ =	shalt  }
0x65: {  	_ =	shalt  }
0x66: {  	_ =	shalt  }
0x67: {  	_ =	shalt  }
0x68: {  	_ =	shalt  }
0x69: {  	_ =	shalt  }
0x6a: {  	_ =	shalt  }
0x6b: {  	_ =	shalt  }
0x6c: {  	_ =	shalt  }
0x6d: {  	_ =	shalt  }
0x6e: {  	_ =	shalt  }
0x6f: {  	_ =	shalt  }
0x70: {  	_ =	shalt  }
0x71: {  	_ =	shalt  }
0x72: {  	_ =	shalt  }
0x73: {  	_ =	shalt  }
0x74: {  	_ =	shalt  }
0x75: {  	_ =	shalt  }
0x76: {  	_ =	shalt  }
0x77: {  	_ =	shalt  }
0x78: {  	_ =	shalt  }
0x79: {  	_ =	shalt  }
0x7a: {  	_ =	shalt  }
0x7b: {  	_ =	shalt  }
0x7c: {  	_ =	shalt  }
0x7d: {  	_ =	shalt  }
0x7e: {  	_ =	shalt  }
0x7f: {  	_ =	shalt  }
0x80: {  	_ =	shalt  }
0x81: {  	_ =	shalt  }
0x82: {  	_ =	shalt  }
0x83: {  	_ =	shalt  }
0x84: {  	_ =	shalt  }
0x85: {  	_ =	shalt  }
0x86: {  	_ =	shalt  }
0x87: {  	_ =	shalt  }
.Lfunc_end0:
.L_simem_size_0:
called_computation.3_lowered:
.L_overlay_start_0:
0x88: {  	s2 =	sld [smem:$0x3FD9]  }
0x89: {  	s3 =	sld [smem:$0x3FFE];
	_ =	sdelay $0x1  }
0x8a: {  	s1 =	srdreg.scid  }
0x8b: {  	s0 =	sand.u32 $0x1, s1  }
0x8c: {  	s17 =	sshll.u32 s0, $0xA;
	s2 =	sadd.s32 s3, s2  }
0x8d: {  	s2 =	sadd.s32 s2, s17  }
0x8e: {  	[smem:$0x3FBD] =	sst s2  }
0x8f: {  	_ = 	snop  }
0x90: {  	(tm) =	ssettm $0x1  }
0x91: {  	s18 =	sld [smem:$0x3FFB];
	_ =	sdelay $0x3  }
0x92: {  	_ =	strace s18  }
0x93: {  	s2 =	sld [smem:$0x3FFC];
	_ =	sdelay $0x3  }
0x94: {  	_ =	strace s2  }
0x95: {  	s2 =	sld [smem:$0x3FFD];
	_ =	sdelay $0x3  }
0x96: {  	_ =	strace s2  }
0x97: {  	_ =	strace $0x8FFFFFFF  }
0x98: {  	s19 =	sld [smem:$0x3FDB];
	_ =	sdelay $0x1  }
0x99: {  	s20 =	simm.s32 $_scs_section_size  }
0x9a: {  	s4 =	simm.s32 $_size__tile_overlayer_lowered;
	s5 =	simm.s32 $_tile_overlayer_lowered  }
0x9b: {  	s6 =	simm.s32 $0x1BFF;
	s21 =	sshll.u32 s5, $0x1;
	s3 =	sadd.s32 s20, s19  }
0x9c: {  	s22 =	simm.s32 $0x0;
	s4 =	sshll.u32 s4, $0x1;
	s5 =	sadd.s32 s21, s3  }
0x9d: {  	[timem:s22], [sflag:s6] =	dma.local [hbm:s5], s4  }
0x9e: {  	_ =	swait.ge [sflag:s6], s4  }
0x9f: {  	s4 =	ssub.s32 $0x0, s4;
	[sflag:s6] =	ssyncset.done $0x0  }
0xa0: {  	[sflag:s6] =	ssyncadd.s32 s4;
	_ =	sdelay $0x1  }
0xa1: {  	s23 =	simm.s32 $0x1B8B  }
0xa2: {  	_ =	swait.ge [sflag:s23], $0x1  }
0xa3: {  	[sflag:s23] =	ssyncset.done $0x0  }
0xa4: {  	[sflag:s23] =	ssyncadd.s32 $0xFFFFFFFF  }
0xa5: {  	s4 =	sld [smem:$0x0]  }
0xa6: {  	s5 =	sand.u32 $0xFFFFFFFE, s1  }
0xa7: {  	p0 =	sne.s32 s1, s5  }
0xa8: {  	s5 =	sshll.u32 @p0 s5, $0xE  }
0xa9: {  	s5 =	sadd.s32 @p0 $0x11B8D, s5;
	s6 =	sshll.u32 @p0 s4, $0x11  }
0xaa: {  	s5 =	sor.u32 @p0 s6, s5  }
0xab: {  	[sflag:s5] =	ssyncadd.remote.s32 @p0 $0x1;
	_ =	sdelay $0x1  }
0xac: {  	s5 =	simm.s32 @p0 $0x1B8D  }
0xad: {  	_ =	swait.eq @p0 [sflag:s5], $0x1  }
0xae: {  	[sflag:s5] =	ssyncadd.s32 @p0 $0xFFFFFFFF  }
0xaf: {  	s6 =	sshll.u32 @!p0 s1, $0xE  }
0xb0: {  	s6 =	sor.u32 @!p0 $0x4000, s6;
	s5 =	simm.s32 @!p0 $0x1B8D  }
0xb1: {  	s4 =	sshll.u32 @!p0 s4, $0x11;
	s6 =	sadd.s32 @!p0 $0x11B8D, s6;
	_ =	swait.eq @!p0 [sflag:s5], $0x1  }
0xb2: {  	s4 =	sor.u32 @!p0 s4, s6;
	[sflag:s5] =	ssyncadd.s32 @!p0 $0xFFFFFFFF  }
0xb3: {  	s25 =	simm.s32 $0x1B8E;
	s24 =	sld [smem:$0x3FFE];
	[sflag:s4] =	ssyncadd.remote.s32 @!p0 $0x1  }
0xb4: {  	s26 =	simm.s32 $execute0_lowered;
	[smem:$0x3FD2] =	sst s25  }
0xb5: {  	s5 =	sshll.u32 s26, $0x1;
	_ =	strace $0x8000004C;
	[dreg:$0x1] =	wrdreg $0xFFFFFFFF  }
0xb6: {  	s28 =	simm.s32 $_size_execute0_lowered;
	s3 =	sadd.s32 s3, s5;
	[dreg:$0x0] =	wrdreg $0x0  }
0xb7: {  	s5 =	sshll.u32 s28, $0x1;
	[dreg:$0x2] =	wrdreg s3  }
0xb8: {  	[dreg:$0x3] =	wrdreg s5  }
0xb9: {  	[dreg:$0x4] =	wrdreg $0xC0  }
0xba: {  	_ =	task [dreg:s22], $0x5FFFF  }
0xbb: {  	[dreg:$0x1] =	wrdreg $0xFFFFFFFF  }
0xbc: {  	[dreg:$0x0] =	wrdreg $0x60  }
0xbd: {  	[dreg:$0x2] =	wrdreg s24  }
0xbe: {  	[dreg:$0x3] =	wrdreg $0xB  }
0xbf: {  	_ =	task.clear_ibuf [dreg:s22], $0x4FFFF;
	_ =	strace $0x9000004C  }
0xc0: {  	s29 =	simm.s32 $0xB;
	_ =	strace $0x8000004E  }
0xc1: {  	_ =	swait.ge [sflag:s29], $0x1  }
0xc2: {  	[sflag:s29] =	ssyncadd.s32 $0xFFFFFFFF  }
0xc3: {  	_ =	strace $0x9000004E  }
0xc4: {  	_ =	sfence  }
0xc5: {  	s30 =	sld [smem:$0x0];
	_ =	sdelay $0x2  }
0xc6: {  	s31 =	sshll.u32 s1, $0xD;
	s1 =	sshrl.u32 s1, $0x2  }
0xc7: {  	s4 =	sand.u32 $0x4000, s31;
	s1 =	sadd.s32 s1, s30  }
0xc8: {  	s0 =	sor.u32 s4, s0;
	s1 =	sshll.u32 s1, $0x11  }
0xc9: {  	s0 =	sor.u32 s1, s0  }
0xca: {  	s0 =	sadd.s32 $0x8F2B, s0  }
0xcb: {  	[sflag:s0] =	ssyncadd.remote.s32 $0x1  }
0xcc: {  	_ =	sfence.sel $0xFFFF  }
0xcd: {  	[dreg:$0x0] =	wrdreg $0xFFFFFFFF;
	(pc) =	sbr.abs _section_cstart, $3  }
0xce: {  	[dreg:$0x1] =	wrdreg $0xFFFFFFFF  }
0xcf: {  	_ =	task.clear_ibuf [dreg:s22], $0x2FFFF;
	_ =	strace $0x9FFFFFFF  }
0xd0: {  	(tm) =	ssettm $0x7FFFFFFF  }
0xd1: {  	_ =	shalt  }
tec
execute0_lowered:
.L_overlay_start_1:
0x0: {  	(tag) =	ssettag $0x1  }
0x1: {  	v0 =	vimm.s32 $0x647;
	vm0 =	vcmask $0x300  }
0x2: {  	vm14 =	vcmask $0x704;
	v0 =	vsel vm0, $0x0, v0  }
0x3: {  	vm15 =	vcmask $0xB08;
	v0 =	vsel vm14, $0x640, v0  }
0x4: {  	vm4 =	vcmask $0xF0C;
	v0 =	vsel vm15, $0x1, v0  }
0x5: {  	vm5 =	vcmask $0x1310;
	v0 =	vsel vm4, $0x641, v0  }
0x6: {  	s1 =	srdreg.scid;
	s0 =	stileid.u32;
	vm6 =	vcmask $0x1714;
	v0 =	vsel vm5, $0x2, v0  }
0x7: {  	s4 =	rddreg [dreg:$0x0];
	vm7 =	vcmask $0x1B18;
	s2 =	simm.s32 $0x0;
	s10 =	simm.s32 $0x5200;
	v0 =	vsel vm6, $0x642, v0  }
0x8: {  	vm8 =	vcmask $0x1F1C;
	s11 =	simm.s32 $0x7200;
	s12 =	simm.s32 $0x9200;
	s13 =	simm.s32 $0xB200;
	v0 =	vsel vm7, $0x3, v0  }
0x9: {  	vm9 =	vcmask $0x2320;
	s14 =	simm.s32 $0x1;
	s3 =	sand.u32 $0x1, s1;
	s1 =	rddreg [dreg:$0x1];
	v0 =	vsel vm8, $0x643, v0  }
0xa: {  	vm10 =	vcmask $0x2724;
	s15 =	simm.s32 $0x0;
	s31 =	sshll.u32 s0, $0x1;
	[smem:$0x7FF] =	sst s2;
	v0 =	vsel vm9, $0x4, v0  }
0xb: {  	vm11 =	vcmask $0x2B28;
	s6 =	smul.u32 $0x19000, s0;
	s5 =	sor.u32 s3, s31;
	_ =	strace $0x8000004D;
	v0 =	vsel vm10, $0x644, v0  }
0xc: {  	vm12 =	vcmask $0x2F2C;
	s7 =	ssub.s32 $0x2, s3;
	s8 =	smul.u32 $0xC800, s3;
	s3 =	sadd.s32 $0xF4B600, s4;
	v0 =	vsel vm11, $0x5, v0  }
0xd: {  	vm13 =	vcmask $0x3330;
	s5 =	smul.u32 $0x320, s5;
	s6 =	sadd.s32 s6, s4;
	s9 =	sshrl.u32 s7, $0x1;
	v0 =	vsel vm12, $0x645, v0  }
0xe: {  	vm14 =	vcmask $0x3734;
	s7 =	ssub.s32 s7, s9;
	s6 =	sadd.s32 s8, s6;
	s8 =	simm.s32 $0x80;
	v0 =	vsel vm13, $0x6, v0  }
0xf: {  	vm15 =	vcmask $0x3B38;
	s9 =	simm.s32 $0x3200;
	s5 =	sadd.s32 s5, s4;
	s6 =	sadd.s32 $0x33BE00, s6;
	v0 =	vsel vm14, $0x646, v0  }
0x10: {  	s4 =	sadd.s32 $0x19F600, s5;
	s5 =	smax.u32 s7, $0x1;
	s7 =	simm.s32 $0x2;
	v0 =	vsel vm15, $0x7, v0  }
.LBB2_1:
0x11: {  	p0 =	por $0x1, $0x1;
	s16 =	simm.s32 $0xFFFFF380  }
0x12: {  	p1 =	por $0x0, $0x0;
	s17 =	simm.s32 $0xC80;
	s16 =	smov.u32 @p0 s2  }
0x13: {  	s17 =	simm.s32 @!p1 $0x0;
	s16 =	sshrl.u32 s16, $0x1  }
0x14: {  	s17 =	sadd.s32 s17, s16  }
0x15: {  	[tilespmem:s2], [sflag:$0x2] =	stream.linear.gather [hbm4b:s4+s2], $0x1900, $0x38;
	v1 =	vadd.s32 s17, v0;
	[tilespmem:$0xD200] =	vst v63  }
0x16: {  	s18 =	simm.s32 $0xFFFFF390;
	_ =	swait.ge [sflag:s7], $0x1900  }
0x17: {  	p0 =	por $0x1, $0x1;
	p1 =	por $0x0, $0x0;
	s16 =	simm.s32 $0x10  }
0x18: {  	[sflag:s7] =	ssyncset.done $0x0;
	s18 =	smov.u32 @p0 s16;
	s17 =	simm.s32 $0xC80  }
0x19: {  	[sflag:s7] =	ssyncadd.s32 $0xFFFFE700;
	s18 =	sshrl.u32 s18, $0x1;
	s17 =	simm.s32 @!p1 $0x0  }
0x1a: {  	s20 =	simm.s32 $0x2;
	s19 =	sand.u32 $0x7E00, s2;
	s18 =	sadd.s32 s17, s18;
	v2 =	vld.idx.msk [tilespmem:v1+s2+$0x0], $0xffff  }
0x1b: {  	s21 =	sand.u32 $0x70, s2;
	s22 =	simm.s32 $0xFFFFF3A0;
	s23 =	sshrl.u32 s19, $0x2;
	v1 =	vadd.s32 s18, v0  }
0x1c: {  	s19 =	simm.s32 $0x3;
	s23 =	sor.u32 s21, s23;
	s21 =	simm.s32 $0x0  }
0x1d: {  	p1 =	por $0x1, $0x1;
	s17 =	simm.s32 $0x20;
	s18 =	simm.s32 $0x0  }
.LBB2_2:
0x1e: {  	p0 =	sne.s32 s19, $0x18F;
	s22 =	smov.u32 @p1 s17  }
0x1f: {  	p2 =	sgt.u32 s20, $0xC7;
	[tilespmem:s23+$0x1900] =	vst v2;
	s20 =	sshrl.u32 s22, $0x1;
	s22 =	simm.s32 $0xC80  }
0x20: {  	s23 =	smov.u32 s16;
	v2 =	vld.idx.msk [tilespmem:v1+s21+$0x0], $0xffff;
	s22 =	simm.s32 @!p2 $0x0  }
.Ltmp0:
0x21: {  	s16 =	smov.u32 s17;
	s20 =	sadd.s32 s22, s20;
	(pc) =	sbr.rel @p0 .LBB2_2-.Ltmp0, $4  }
0x22: {  	s18 =	sadd.s32 $0x40, s18;
	v1 =	vadd.s32 s20, v0;
	s20 =	smov.u32 s19  }
0x23: {  	s17 =	sadd.s32 $0x10, s17;
	s21 =	simm.s32 $0x0;
	s22 =	sand.u32 $0x7E00, s18  }
0x24: {  	p1 =	slt.u32 s19, $0xC8;
	s23 =	sand.u32 $0x70, s23;
	s24 =	sshrl.u32 s22, $0x2  }
0x25: {  	s22 =	sadd.s32 $0xFFFFF380, s17;
	s19 =	sadd.s32 $0x1, s19;
	s23 =	sor.u32 s23, s24  }
0x26: {  	_ =	sdelay $0x1  }
0x27: {  	p0 =	sgt.u32 s20, $0xC7;
	s22 =	smov.u32 @p1 s17;
	s19 =	simm.s32 $0xC80  }
0x28: {  	[tilespmem:s23+$0x1900] =	vst v2;
	s26 =	sshrl.u32 s22, $0x1;
	s19 =	simm.s32 @!p0 $0x0  }
0x29: {  	v1 =	vld.idx.msk [tilespmem:v1+s21+$0x0], $0xffff;
	s19 =	sadd.s32 s19, s26  }
0x2a: {  	s18 =	sadd.s32 $0x40, s18;
	v2 =	vadd.s32 s19, v0  }
0x2b: {  	s28 =	sand.u32 $0x7E00, s18  }
0x2c: {  	s16 =	sand.u32 $0x70, s16;
	s19 =	sshrl.u32 s28, $0x2  }
0x2d: {  	s16 =	sor.u32 s16, s19  }
0x2e: {  	s29 =	simm.s32 $0x0;
	[tilespmem:s16+$0x1900] =	vst v1  }
0x2f: {  	p1 =	por $0x1, $0x1;
	v1 =	vld.idx.msk [tilespmem:v2+s29+$0x0], $0xffff  }
.Ltmp1:
0x30: {  	s30 =	sadd.s32 $0x40, s18;
	(pc) =	sbr.rel @!p1 .LBB2_6-.Ltmp1, $4  }
0x31: {  	s16 =	sand.u32 $0x7E00, s30  }
0x32: {  	s31 =	sand.u32 $0x70, s17;
	s16 =	sshrl.u32 s16, $0x2  }
0x33: {  	s16 =	sor.u32 s31, s16  }
0x34: {  	s17 =	simm.s32 $0x0;
	p0 =	por $0x0, $0x0;
	[tilespmem:s16+$0x1900] =	vst v1;
	s16 =	smov.u32 s6  }
0x35: {  	s16 =	simm.s32 $0x1900  }
0x36: {  	[tilespmem:s9], [sflag:$0x1] =	stream.indirect.gather [hbm4b:s3+s8], $0x40, s16, s8, $0xb8;
	[tilespmem:$0xD200] =	vst v63  }
0x37: {  	s28 =	simm.s32 $0x1980  }
0x38: {  	[tilespmem:s10], [sflag:$0x1] =	stream.indirect.gather [hbm4b:s3+s8], $0x40, s28, s8, $0xb8;
	[tilespmem:$0xD200] =	vst v63  }
0x39: {  	s29 =	simm.s32 $0x1A00  }
0x3a: {  	[tilespmem:s11], [sflag:$0x1] =	stream.indirect.gather [hbm4b:s3+s8], $0x40, s29, s8, $0xb8;
	[tilespmem:$0xD200] =	vst v63  }
0x3b: {  	s30 =	simm.s32 $0x1A80  }
0x3c: {  	[tilespmem:s12], [sflag:$0x1] =	stream.indirect.gather [hbm4b:s3+s8], $0x40, s30, s8, $0xb8;
	[tilespmem:$0xD200] =	vst v63  }
0x3d: {  	s31 =	simm.s32 $0x1B00  }
0x3e: {  	[tilespmem:s13], [sflag:$0x1] =	stream.indirect.gather [hbm4b:s3+s8], $0x40, s31, s8, $0xb8;
	[tilespmem:$0xD200] =	vst v63  }
0x3f: {  	_ =	swait.ge [sflag:s14], $0x2000  }
0x40: {  	[sflag:s14] =	ssyncset.done $0x0  }
0x41: {  	[sflag:s14] =	ssyncadd.s32 $0xFFFFE000  }
0x42: {  	_ =	swait.ge [sflag:s14], $0x2000  }
0x43: {  	[sflag:s14] =	ssyncset.done $0x0  }
0x44: {  	[sflag:s14] =	ssyncadd.s32 $0xFFFFE000  }
0x45: {  	_ =	swait.ge [sflag:s14], $0x2000  }
0x46: {  	[sflag:s14] =	ssyncset.done $0x0  }
0x47: {  	[sflag:s14] =	ssyncadd.s32 $0xFFFFE000  }
0x48: {  	_ =	swait.ge [sflag:s14], $0x2000  }
0x49: {  	[sflag:s14] =	ssyncset.done $0x0  }
0x4a: {  	[sflag:s14] =	ssyncadd.s32 $0xFFFFE000  }
0x4b: {  	p1 =	por $0x1, $0x1;
	_ =	swait.ge [sflag:s14], $0x2000  }
.Ltmp2:
0x4c: {  	[sflag:s14] =	ssyncset.done $0x0;
	(pc) =	sbr.rel @!p1 .LBB2_6-.Ltmp2, $4  }
0x4d: {  	[sflag:s14] =	ssyncadd.s32 $0xFFFFE000  }
0x4e: {  	[hbm4b:s6+s2] =	stream.linear.scatter [tilespmem:s9], [sflag:$0x2], $0xA000, $0x38;
	[tilespmem:$0xD200] =	vst v63  }
0x4f: {  	s18 =	simm.s32 $0x1400;
	s17 =	simm.s32 $0x280;
	_ =	swait.ge [sflag:s7], $0xA000  }
0x50: {  	p0 =	por $0x1, $0x1;
	s16 =	sadd.s32 $0x1400, s6;
	[sflag:s7] =	ssyncset.done $0x0  }
.LBB2_5:
0x51: {  	s19 =	sadd.s32 $0x1900, s17  }
0x52: {  	[sflag:s7] =	ssyncadd.s32 $0xFFFF6000;
	s20 =	smov.u32 s18;
	s21 =	sadd.s32 $0xA00, s18  }
0x53: {  	[tilespmem:s9], [sflag:$0x1] =	stream.indirect.gather [hbm4b:s3+s8], $0x40, s19, s8, $0xb8;
	[tilespmem:$0xD200] =	vst v63  }
0x54: {  	p1 =	sne.s32 s18, $0x5A00;
	s18 =	sadd.s32 $0x1980, s17  }
0x55: {  	[tilespmem:s10], [sflag:$0x1] =	stream.indirect.gather [hbm4b:s3+s8], $0x40, s18, s8, $0xb8;
	[tilespmem:$0xD200] =	vst v63  }
0x56: {  	s18 =	sadd.s32 $0x1A00, s17  }
0x57: {  	[tilespmem:s11], [sflag:$0x1] =	stream.indirect.gather [hbm4b:s3+s8], $0x40, s18, s8, $0xb8;
	[tilespmem:$0xD200] =	vst v63  }
0x58: {  	s18 =	sadd.s32 $0x1A80, s17  }
0x59: {  	[tilespmem:s12], [sflag:$0x1] =	stream.indirect.gather [hbm4b:s3+s8], $0x40, s18, s8, $0xb8;
	[tilespmem:$0xD200] =	vst v63  }
0x5a: {  	s17 =	sadd.s32 $0x1B00, s17  }
0x5b: {  	[tilespmem:s13], [sflag:$0x1] =	stream.indirect.gather [hbm4b:s3+s8], $0x40, s17, s8, $0xb8;
	[tilespmem:$0xD200] =	vst v63  }
0x5c: {  	_ =	swait.ge [sflag:s14], $0x2000  }
0x5d: {  	[sflag:s14] =	ssyncset.done $0x0  }
0x5e: {  	[sflag:s14] =	ssyncadd.s32 $0xFFFFE000  }
0x5f: {  	_ =	swait.ge [sflag:s14], $0x2000  }
0x60: {  	[sflag:s14] =	ssyncset.done $0x0  }
0x61: {  	[sflag:s14] =	ssyncadd.s32 $0xFFFFE000  }
0x62: {  	_ =	swait.ge [sflag:s14], $0x2000  }
0x63: {  	[sflag:s14] =	ssyncset.done $0x0  }
0x64: {  	[sflag:s14] =	ssyncadd.s32 $0xFFFFE000  }
0x65: {  	_ =	swait.ge [sflag:s14], $0x2000  }
0x66: {  	[sflag:s14] =	ssyncset.done $0x0  }
0x67: {  	[sflag:s14] =	ssyncadd.s32 $0xFFFFE000  }
0x68: {  	_ =	swait.ge [sflag:s14], $0x2000  }
.Ltmp3:
0x69: {  	[sflag:s14] =	ssyncset.done $0x0;
	(pc) =	sbr.rel @p1 .LBB2_5-.Ltmp3, $4  }
0x6a: {  	[sflag:s14] =	ssyncadd.s32 $0xFFFFE000  }
0x6b: {  	[hbm4b:s16+s2] =	stream.linear.scatter [tilespmem:s9], [sflag:$0x2], $0xA000, $0x38;
	[tilespmem:$0xD200] =	vst v63  }
0x6c: {  	s18 =	smov.u32 s21;
	_ =	swait.ge [sflag:s7], $0xA000  }
0x6d: {  	s17 =	sshra.s32 s20, $0x2;
	s16 =	sadd.s32 $0x1400, s16;
	[sflag:s7] =	ssyncset.done $0x0  }
.LBB2_6:
0x6e: {  	s18 =	sadd.s32 $0x1900, s17;
	[sflag:s7] =	ssyncadd.s32 @p0 $0xFFFF6000  }
0x6f: {  	[tilespmem:s9], [sflag:$0x1] =	stream.indirect.gather [hbm4b:s3+s8], $0x40, s18, s8, $0xb8;
	[tilespmem:$0xD200] =	vst v63  }
0x70: {  	s28 =	sadd.s32 $0x1980, s17  }
0x71: {  	[tilespmem:s10], [sflag:$0x1] =	stream.indirect.gather [hbm4b:s3+s8], $0x40, s28, s8, $0xb8;
	[tilespmem:$0xD200] =	vst v63  }
0x72: {  	s29 =	sadd.s32 $0x1A00, s17  }
0x73: {  	[tilespmem:s11], [sflag:$0x1] =	stream.indirect.gather [hbm4b:s3+s8], $0x40, s29, s8, $0xb8;
	[tilespmem:$0xD200] =	vst v63  }
0x74: {  	s30 =	sadd.s32 $0x1A80, s17  }
0x75: {  	[tilespmem:s12], [sflag:$0x1] =	stream.indirect.gather [hbm4b:s3+s8], $0x40, s30, s8, $0xb8;
	[tilespmem:$0xD200] =	vst v63  }
0x76: {  	s31 =	sadd.s32 $0x1B00, s17  }
0x77: {  	[tilespmem:s13], [sflag:$0x1] =	stream.indirect.gather [hbm4b:s3+s8], $0x40, s31, s8, $0xb8;
	[tilespmem:$0xD200] =	vst v63  }
0x78: {  	_ =	swait.ge [sflag:s14], $0x2000  }
0x79: {  	[sflag:s14] =	ssyncset.done $0x0  }
0x7a: {  	[sflag:s14] =	ssyncadd.s32 $0xFFFFE000  }
0x7b: {  	_ =	swait.ge [sflag:s14], $0x2000  }
0x7c: {  	[sflag:s14] =	ssyncset.done $0x0  }
0x7d: {  	[sflag:s14] =	ssyncadd.s32 $0xFFFFE000  }
0x7e: {  	_ =	swait.ge [sflag:s14], $0x2000  }
0x7f: {  	[sflag:s14] =	ssyncset.done $0x0  }
0x80: {  	[sflag:s14] =	ssyncadd.s32 $0xFFFFE000  }
0x81: {  	_ =	swait.ge [sflag:s14], $0x2000  }
0x82: {  	[sflag:s14] =	ssyncset.done $0x0  }
0x83: {  	[sflag:s14] =	ssyncadd.s32 $0xFFFFE000  }
0x84: {  	s15 =	sadd.s32 $0x1, s15;
	_ =	swait.ge [sflag:s14], $0x2000  }
0x85: {  	p0 =	sne.s32 s15, s5;
	[sflag:s14] =	ssyncset.done $0x0  }
.Ltmp4:
0x86: {  	[sflag:s14] =	ssyncadd.s32 $0xFFFFE000;
	(pc) =	sbr.rel @p0 .LBB2_1-.Ltmp4, $4  }
0x87: {  	[hbm4b:s16+s2] =	stream.linear.scatter [tilespmem:s9], [sflag:$0x2], $0xA000, $0x38;
	[tilespmem:$0xD200] =	vst v63  }
0x88: {  	_ =	swait.ge [sflag:s7], $0xA000  }
0x89: {  	[sflag:s7] =	ssyncset.done $0x0  }
0x8a: {  	[sflag:s7] =	ssyncadd.s32 $0xFFFF6000  }
0x8b: {  	_ =	sfence.sel $0x180000  }
0x8c: {  	[bflag:$0x0] =	sbarrier.arrive $0xFFFF  }
0x8d: {  	p0 =	sne.s32 s0, $0x0;
	_ =	strace $0x9000004D  }
0x8e: {  	s0 =	sadd.s32 @!p0 $0x100000, s1;
	[bflag:$0x2] =	sbarrier.arrive $0xFFFF  }
0x8f: {  	[sflag:s0] =	ssyncadd.tile.s32 @!p0 $0x1;
	_ =	shalt  }
.Lfunc_end2:
_tile_overlayer_lowered:
.L_overlay_start_2:
0x90: {  	(tag) =	ssettag $0x2  }
0x91: {  	s0 =	rddreg [dreg:$0x0];
	s2 =	stileid.u32  }
0x92: {  	s1 =	rddreg [dreg:$0x1];
	p0 =	sne.s32 s2, $0x0  }
0x93: {  	s3 =	rddreg [dreg:$0x2];
	[bflag:$0x3] =	sbarrier.arrive $0xFFFF;
	s2 =	simm.s32 @!p0 $0x1C02  }
0x94: {  	[timem:s3], [sflag:s2] =	dma.local @!p0 [hbm:s0], s1  }
0x95: {  	s0 =	simm.s32 @!p0 $0x2  }
0x96: {  	_ =	swait.ge @!p0 [sflag:s0], s1  }
0x97: {  	s1 =	ssub.s32 @!p0 $0x0, s1;
	[sflag:s0] =	ssyncset.done @!p0 $0x0  }
0x98: {  	[sflag:s0] =	ssyncadd.s32 @!p0 s1  }
0x99: {  	[bflag:$0x3] =	sbarrier.arrive $0xFFFF  }
0x9a: {  	_ =	shalt  }

// kernel: kernel.19.cloned.1.call-start
scs
__scs_entry_jumppad:
0x0: {  	(pc) =	sbr.rel $0x88, $3  }
0x1: {  	(tag) =	ssettag $0x0;
	lr =	simm.s32 $0x1  }
0x2: {  	[smem:$0x3F96] =	sst lr;
	_ =	strace $0xD0000000  }
0x3: {  	_ = 	snop  }
0x4: {  	_ = 	snop  }
0x5: {  	_ = 	snop  }
0x6: {  	_ = 	snop  }
0x7: {  	_ = 	snop  }
__scs_overlays_trampoline_lowered:
0x8: {  	[smem:$0x3FA5] =	sst s0  }
0x9: {  	[smem:$0x3FA6] =	sst s1  }
0xa: {  	[smem:$0x3FA7] =	sst s2  }
0xb: {  	[smem:$0x3FA8] =	sst s3  }
0xc: {  	[smem:$0x3FA9] =	sst s4  }
0xd: {  	[smem:$0x3FAA] =	sst s5  }
0xe: {  	[smem:$0x3FAB] =	sst s6  }
0xf: {  	[smem:$0x3FAC] =	sst s7  }
0x10: {  	[smem:$0x3FAD] =	sst s8  }
0x11: {  	[smem:$0x3FAE] =	sst s9;
	s0 =	simm.s32 @!p0 $0x0  }
0x12: {  	s1 =	sld [smem:$0x3F94];
	s0 =	simm.s32 @p0 $0x1  }
0x13: {  	[smem:$0x3FAF] =	sst s0;
	s0 =	simm.s32 @!p1 $0x0  }
0x14: {  	s2 =	sld [smem:$0x3F93];
	s0 =	simm.s32 @p1 $0x1  }
0x15: {  	[smem:$0x3FB0] =	sst s0;
	s0 =	simm.s32 @!p2 $0x0  }
0x16: {  	s3 =	sld [smem:$0x3FDB];
	s0 =	simm.s32 @p2 $0x1  }
0x17: {  	s4 =	simm.s32 $0x1BF5;
	[smem:$0x3FB2] =	sst s0  }
0x18: {  	s0 =	sld [smem:$0x3F95];
	_ =	swait.ge [sflag:s4], $0x0  }
0x19: {  	s7 =	sld [smem:$0x3F96]  }
0x1a: {  	s8 =	sadd.s32 $0xFFFFE003, lr  }
0x1b: {  	s9 =	sadd.s32 $0xFFFFFEF7, lr;
	s5 =	simm.s32 $0xFFFFFFFF;
	p2 =	slt.u32 s8, $0xFFFFF086  }
0x1c: {  	p1 =	slt.u32 s9, $0xF7A;
	s5 =	simm.s32 @!p2 $0x0  }
0x1d: {  	s5 =	simm.s32 @p1 $0x1;
	p0 =	seq.s32 s7, s2  }
0x1e: {  	s7 =	smul.u32 @!p0 $0xF7A, s2;
	p2 =	seq.s32 @!p0 s5, $0x0  }
0x1f: {  	s9 =	smul.u32 $0xF7A, s1;
	s8 =	simm.s32 @!p0 $0x1BF5;
	p2 =	por !p2, p0  }
0x20: {  	[sflag:s8] =	ssyncset.s32 @!p0 $0xFFFFF086;
	s6 =	sadd.s32 @!p0 s3, s7;
	s7 =	simm.s32 @!p0 $0x108  }
0x21: {  	s3 =	sadd.s32 s3, s9;
	s6 =	sadd.s32 @!p0 $0x88, s6;
	s7 =	simm.s32 @p2 $0x1082  }
0x22: {  	[simem:s7], [sflag:s8] =	dma.local @!p0 [hbm:s6], $0xF7A  }
0x23: {  	s9 =	sor.u32 $0xD0000000, s2;
	s6 =	simm.s32 $0x108;
	_ =	swait.ge @!p0 [sflag:s8], $0x0  }
0x24: {  	s3 =	sadd.s32 $0x88, s3;
	s6 =	simm.s32 @!p1 $0x1082;
	[sflag:s4] =	ssyncset.s32 $0xFFFFF086  }
0x25: {  	[simem:s6], [sflag:s4] =	dma.local [hbm:s3], $0xF7A  }
0x26: {  	[smem:$0x3F96] =	sst s1;
	(tag) =	ssettag s2;
	_ =	strace s9  }
0x27: {  	s1 =	sld [smem:$0x3FA6]  }
0x28: {  	s2 =	sld [smem:$0x3FA7]  }
0x29: {  	s4 =	sld [smem:$0x3FA9]  }
0x2a: {  	p0 =	seq.s32 s5, $0x0;
	s5 =	sld [smem:$0x3FAA]  }
0x2b: {  	s6 =	sld [smem:$0x3FAB]  }
0x2c: {  	s7 =	sld [smem:$0x3FAC]  }
0x2d: {  	s3 =	simm.s32 $0x108;
	s8 =	sld [smem:$0x3FAD]  }
0x2e: {  	s3 =	simm.s32 @!p0 $0x1082;
	s9 =	sld [smem:$0x3FAE]  }
0x2f: {  	lr =	sadd.s32 s0, s3;
	s0 =	sld [smem:$0x3FA5]  }
0x30: {  	s3 =	sld [smem:$0x3FA8]  }
0x31: {  	[smem:$0x3FB1] =	sst s10  }
0x32: {  	s10 =	sld [smem:$0x3FAF];
	_ =	sdelay $0x3  }
0x33: {  	p0 =	seq.s32 s10, $0x1;
	s10 =	sld [smem:$0x3FB1];
	_ =	sdelay $0x3  }
0x34: {  	[smem:$0x3FB1] =	sst s10  }
0x35: {  	s10 =	sld [smem:$0x3FB0];
	_ =	sdelay $0x3  }
0x36: {  	p1 =	seq.s32 s10, $0x1;
	s10 =	sld [smem:$0x3FB1];
	_ =	sdelay $0x3  }
0x37: {  	[smem:$0x3FB1] =	sst s10  }
0x38: {  	s10 =	sld [smem:$0x3FB2]  }
0x39: {  	_ = 	snop;
	(pc) =	sbr.ind lr, $3  }
0x3a: {  	_ = 	snop  }
0x3b: {  	_ = 	snop  }
0x3c: {  	p2 =	seq.s32 s10, $0x1;
	s10 =	sld [smem:$0x3FB1]  }
0x3d: {  	_ =	shalt  }
0x3e: {  	_ =	shalt  }
0x3f: {  	_ =	shalt  }
0x40: {  	_ =	shalt  }
0x41: {  	_ =	shalt  }
0x42: {  	_ =	shalt  }
0x43: {  	_ =	shalt  }
0x44: {  	_ =	shalt  }
0x45: {  	_ =	shalt  }
0x46: {  	_ =	shalt  }
0x47: {  	_ =	shalt  }
0x48: {  	_ =	shalt  }
0x49: {  	_ =	shalt  }
0x4a: {  	_ =	shalt  }
0x4b: {  	_ =	shalt  }
0x4c: {  	_ =	shalt  }
0x4d: {  	_ =	shalt  }
0x4e: {  	_ =	shalt  }
0x4f: {  	_ =	shalt  }
0x50: {  	_ =	shalt  }
0x51: {  	_ =	shalt  }
0x52: {  	_ =	shalt  }
0x53: {  	_ =	shalt  }
0x54: {  	_ =	shalt  }
0x55: {  	_ =	shalt  }
0x56: {  	_ =	shalt  }
0x57: {  	_ =	shalt  }
0x58: {  	_ =	shalt  }
0x59: {  	_ =	shalt  }
0x5a: {  	_ =	shalt  }
0x5b: {  	_ =	shalt  }
0x5c: {  	_ =	shalt  }
0x5d: {  	_ =	shalt  }
0x5e: {  	_ =	shalt  }
0x5f: {  	_ =	shalt  }
0x60: {  	_ =	shalt  }
0x61: {  	_ =	shalt  }
0x62: {  	_ =	shalt  }
0x63: {  	_ =	shalt  }
0x64: {  	_ =	shalt  }
0x65: {  	_ =	shalt  }
0x66: {  	_ =	shalt  }
0x67: {  	_ =	shalt  }
0x68: {  	_ =	shalt  }
0x69: {  	_ =	shalt  }
0x6a: {  	_ =	shalt  }
0x6b: {  	_ =	shalt  }
0x6c: {  	_ =	shalt  }
0x6d: {  	_ =	shalt  }
0x6e: {  	_ =	shalt  }
0x6f: {  	_ =	shalt  }
0x70: {  	_ =	shalt  }
0x71: {  	_ =	shalt  }
0x72: {  	_ =	shalt  }
0x73: {  	_ =	shalt  }
0x74: {  	_ =	shalt  }
0x75: {  	_ =	shalt  }
0x76: {  	_ =	shalt  }
0x77: {  	_ =	shalt  }
0x78: {  	_ =	shalt  }
0x79: {  	_ =	shalt  }
0x7a: {  	_ =	shalt  }
0x7b: {  	_ =	shalt  }
0x7c: {  	_ =	shalt  }
0x7d: {  	_ =	shalt  }
0x7e: {  	_ =	shalt  }
0x7f: {  	_ =	shalt  }
0x80: {  	_ =	shalt  }
0x81: {  	_ =	shalt  }
0x82: {  	_ =	shalt  }
0x83: {  	_ =	shalt  }
0x84: {  	_ =	shalt  }
0x85: {  	_ =	shalt  }
0x86: {  	_ =	shalt  }
0x87: {  	_ =	shalt  }
.Lfunc_end0:
.L_simem_size_0:
called_computation.4_lowered:
.L_overlay_start_0:
0x88: {  	s2 =	sld [smem:$0x3FD9]  }
0x89: {  	s3 =	sld [smem:$0x3FFE];
	_ =	sdelay $0x1  }
0x8a: {  	s1 =	srdreg.scid  }
0x8b: {  	s0 =	sand.u32 $0x1, s1  }
0x8c: {  	s17 =	sshll.u32 s0, $0xA;
	s2 =	sadd.s32 s3, s2  }
0x8d: {  	s2 =	sadd.s32 s2, s17  }
0x8e: {  	[smem:$0x3FBD] =	sst s2  }
0x8f: {  	_ = 	snop  }
0x90: {  	s18 =	sld [smem:$0x3FD0];
	(tm) =	ssettm $0x1  }
0x91: {  	s19 =	sld [smem:$0x3FFB];
	_ =	sdelay $0x3  }
0x92: {  	_ =	strace s19  }
0x93: {  	s2 =	sld [smem:$0x3FFC];
	_ =	sdelay $0x3  }
0x94: {  	_ =	strace s2  }
0x95: {  	s2 =	sld [smem:$0x3FFD];
	_ =	sdelay $0x3  }
0x96: {  	_ =	strace s2  }
0x97: {  	_ =	strace $0x8FFFFFFF  }
0x98: {  	s20 =	sld [smem:$0x3FDB];
	_ =	sdelay $0x1  }
0x99: {  	s4 =	simm.s32 $_scs_section_size  }
0x9a: {  	s5 =	simm.s32 $_size__tile_overlayer_lowered;
	s6 =	simm.s32 $_tile_overlayer_lowered  }
0x9b: {  	s7 =	simm.s32 $0x1BFF;
	s21 =	sshll.u32 s6, $0x1;
	s4 =	sadd.s32 s4, s20  }
0x9c: {  	s22 =	simm.s32 $0x0;
	s5 =	sshll.u32 s5, $0x1;
	s6 =	sadd.s32 s21, s4  }
0x9d: {  	[timem:s22], [sflag:s7] =	dma.local [hbm:s6], s5  }
0x9e: {  	_ =	swait.ge [sflag:s7], s5  }
0x9f: {  	s5 =	ssub.s32 $0x0, s5;
	[sflag:s7] =	ssyncset.done $0x0  }
0xa0: {  	[sflag:s7] =	ssyncadd.s32 s5;
	_ =	sdelay $0x1  }
0xa1: {  	s23 =	simm.s32 $0x1B8B  }
0xa2: {  	_ =	swait.ge [sflag:s23], $0x1  }
0xa3: {  	[sflag:s23] =	ssyncset.done $0x0  }
0xa4: {  	[sflag:s23] =	ssyncadd.s32 $0xFFFFFFFF  }
0xa5: {  	s5 =	sld [smem:$0x0]  }
0xa6: {  	s6 =	sand.u32 $0xFFFFFFFE, s1  }
0xa7: {  	p0 =	sne.s32 s1, s6  }
0xa8: {  	s6 =	sshll.u32 @p0 s6, $0xE  }
0xa9: {  	s6 =	sadd.s32 @p0 $0x11B8D, s6;
	s7 =	sshll.u32 @p0 s5, $0x11  }
0xaa: {  	s6 =	sor.u32 @p0 s7, s6  }
0xab: {  	[sflag:s6] =	ssyncadd.remote.s32 @p0 $0x1;
	_ =	sdelay $0x1  }
0xac: {  	s6 =	simm.s32 @p0 $0x1B8D  }
0xad: {  	_ =	swait.eq @p0 [sflag:s6], $0x1  }
0xae: {  	[sflag:s6] =	ssyncadd.s32 @p0 $0xFFFFFFFF  }
0xaf: {  	s7 =	sshll.u32 @!p0 s1, $0xE  }
0xb0: {  	s7 =	sor.u32 @!p0 $0x4000, s7;
	s6 =	simm.s32 @!p0 $0x1B8D  }
0xb1: {  	s5 =	sshll.u32 @!p0 s5, $0x11;
	s7 =	sadd.s32 @!p0 $0x11B8D, s7;
	_ =	swait.eq @!p0 [sflag:s6], $0x1  }
0xb2: {  	s5 =	sor.u32 @!p0 s5, s7;
	[sflag:s6] =	ssyncadd.s32 @!p0 $0xFFFFFFFF  }
0xb3: {  	s25 =	simm.s32 $0x1B8E;
	s24 =	sld [smem:$0x3FFE];
	[sflag:s5] =	ssyncadd.remote.s32 @!p0 $0x1  }
0xb4: {  	s26 =	simm.s32 $execute0_lowered;
	[smem:$0x3FD2] =	sst s25  }
0xb5: {  	s6 =	sshll.u32 s26, $0x1;
	_ =	strace $0x8000004F;
	[dreg:$0x1] =	wrdreg $0xFFFFFFFF  }
0xb6: {  	s28 =	simm.s32 $_size_execute0_lowered;
	s4 =	sadd.s32 s4, s6;
	[dreg:$0x0] =	wrdreg $0x0  }
0xb7: {  	s6 =	sshll.u32 s28, $0x1;
	[dreg:$0x2] =	wrdreg s4  }
0xb8: {  	[dreg:$0x3] =	wrdreg s6  }
0xb9: {  	[dreg:$0x4] =	wrdreg $0xC0  }
0xba: {  	_ =	task [dreg:s22], $0x5FFFF  }
0xbb: {  	[dreg:$0x1] =	wrdreg $0xFFFFFFFF  }
0xbc: {  	[dreg:$0x0] =	wrdreg $0x60  }
0xbd: {  	[dreg:$0x2] =	wrdreg s24  }
0xbe: {  	[dreg:$0x3] =	wrdreg s18  }
0xbf: {  	[dreg:$0x4] =	wrdreg $0xC  }
0xc0: {  	_ =	task.clear_ibuf [dreg:s22], $0x5FFFF;
	_ =	strace $0x9000004F  }
0xc1: {  	s29 =	simm.s32 $0xC;
	_ =	strace $0x80000051  }
0xc2: {  	_ =	swait.ge [sflag:s29], $0x1  }
0xc3: {  	[sflag:s29] =	ssyncadd.s32 $0xFFFFFFFF  }
0xc4: {  	_ =	strace $0x90000051  }
0xc5: {  	_ =	sfence  }
0xc6: {  	s30 =	sld [smem:$0x0];
	_ =	sdelay $0x2  }
0xc7: {  	s31 =	sshll.u32 s1, $0xD;
	s1 =	sshrl.u32 s1, $0x2  }
0xc8: {  	s4 =	sand.u32 $0x4000, s31;
	s1 =	sadd.s32 s1, s30  }
0xc9: {  	s0 =	sor.u32 s4, s0;
	s1 =	sshll.u32 s1, $0x11  }
0xca: {  	s0 =	sor.u32 s1, s0  }
0xcb: {  	s0 =	sadd.s32 $0x8F2B, s0  }
0xcc: {  	[sflag:s0] =	ssyncadd.remote.s32 $0x1  }
0xcd: {  	_ =	sfence.sel $0xFFFF  }
0xce: {  	[dreg:$0x0] =	wrdreg $0xFFFFFFFF;
	(pc) =	sbr.abs _section_cstart, $3  }
0xcf: {  	[dreg:$0x1] =	wrdreg $0xFFFFFFFF  }
0xd0: {  	_ =	task.clear_ibuf [dreg:s22], $0x2FFFF;
	_ =	strace $0x9FFFFFFF  }
0xd1: {  	(tm) =	ssettm $0x7FFFFFFF  }
tec
execute0_lowered:
.L_overlay_start_1:
0x0: {  	(tag) =	ssettag $0x1  }
0x1: {  	v0 =	vimm.s32 $0x647;
	vm0 =	vcmask $0x300  }
0x2: {  	vm14 =	vcmask $0x704;
	v0 =	vsel vm0, $0x0, v0  }
0x3: {  	vm15 =	vcmask $0xB08;
	v0 =	vsel vm14, $0x640, v0  }
0x4: {  	vm4 =	vcmask $0xF0C;
	v0 =	vsel vm15, $0x1, v0  }
0x5: {  	vm5 =	vcmask $0x1310;
	v0 =	vsel vm4, $0x641, v0  }
0x6: {  	s3 =	rddreg [dreg:$0x0];
	s1 =	srdreg.scid;
	vm6 =	vcmask $0x1714;
	v0 =	vsel vm5, $0x2, v0  }
0x7: {  	s0 =	stileid.u32;
	s4 =	rddreg [dreg:$0x1];
	vm7 =	vcmask $0x1B18;
	s2 =	simm.s32 $0x0;
	v0 =	vsel vm6, $0x642, v0  }
0x8: {  	vm8 =	vcmask $0x1F1C;
	s11 =	simm.s32 $0x7200;
	s12 =	simm.s32 $0x9200;
	s13 =	simm.s32 $0xB200;
	v0 =	vsel vm7, $0x3, v0  }
0x9: {  	vm9 =	vcmask $0x2320;
	s14 =	simm.s32 $0x1;
	s15 =	simm.s32 $0x0;
	s5 =	sand.u32 $0x1, s1;
	v0 =	vsel vm8, $0x643, v0  }
0xa: {  	vm10 =	vcmask $0x2724;
	s6 =	sshll.u32 s0, $0x1;
	s1 =	rddreg [dreg:$0x2];
	s8 =	smul.u32 $0x19000, s0;
	v0 =	vsel vm9, $0x4, v0  }
0xb: {  	vm11 =	vcmask $0x2B28;
	[smem:$0x7FF] =	sst s2;
	s6 =	sor.u32 s5, s6;
	s10 =	smul.u32 $0xC800, s5;
	v0 =	vsel vm10, $0x644, v0  }
0xc: {  	vm12 =	vcmask $0x2F2C;
	_ =	strace $0x80000050;
	s7 =	ssub.s32 $0x2, s5;
	s6 =	smul.u32 $0x320, s6;
	v0 =	vsel vm11, $0x5, v0  }
0xd: {  	vm13 =	vcmask $0x3330;
	s9 =	sshrl.u32 s7, $0x1;
	s31 =	sadd.s32 s8, s4;
	s8 =	simm.s32 $0x80;
	v0 =	vsel vm12, $0x645, v0  }
0xe: {  	vm14 =	vcmask $0x3734;
	s30 =	ssub.s32 s7, s9;
	s7 =	simm.s32 $0x2;
	s9 =	simm.s32 $0x3200;
	v0 =	vsel vm13, $0x6, v0  }
0xf: {  	vm15 =	vcmask $0x3B38;
	s6 =	sadd.s32 s6, s3;
	s3 =	sadd.s32 $0xF4B600, s3;
	s5 =	smax.u32 s30, $0x1;
	v0 =	vsel vm14, $0x646, v0  }
0x10: {  	s4 =	sadd.s32 $0x1A5A00, s6;
	s6 =	sadd.s32 s10, s31;
	s10 =	simm.s32 $0x5200;
	v0 =	vsel vm15, $0x7, v0  }
.LBB2_1:
0x11: {  	p0 =	por $0x1, $0x1;
	s16 =	simm.s32 $0xFFFFF380  }
0x12: {  	p1 =	por $0x0, $0x0;
	s17 =	simm.s32 $0xC80;
	s16 =	smov.u32 @p0 s2  }
0x13: {  	s17 =	simm.s32 @!p1 $0x0;
	s16 =	sshrl.u32 s16, $0x1  }
0x14: {  	s17 =	sadd.s32 s17, s16  }
0x15: {  	[tilespmem:s2], [sflag:$0x2] =	stream.linear.gather [hbm4b:s4+s2], $0x1900, $0x38;
	v1 =	vadd.s32 s17, v0;
	[tilespmem:$0xD200] =	vst v63  }
0x16: {  	s18 =	simm.s32 $0xFFFFF390;
	_ =	swait.ge [sflag:s7], $0x1900  }
0x17: {  	p0 =	por $0x1, $0x1;
	p1 =	por $0x0, $0x0;
	s16 =	simm.s32 $0x10  }
0x18: {  	[sflag:s7] =	ssyncset.done $0x0;
	s18 =	smov.u32 @p0 s16;
	s17 =	simm.s32 $0xC80  }
0x19: {  	[sflag:s7] =	ssyncadd.s32 $0xFFFFE700;
	s18 =	sshrl.u32 s18, $0x1;
	s17 =	simm.s32 @!p1 $0x0  }
0x1a: {  	s20 =	simm.s32 $0x2;
	s19 =	sand.u32 $0x7E00, s2;
	s18 =	sadd.s32 s17, s18;
	v2 =	vld.idx.msk [tilespmem:v1+s2+$0x0], $0xffff  }
0x1b: {  	s21 =	sand.u32 $0x70, s2;
	s22 =	simm.s32 $0xFFFFF3A0;
	s23 =	sshrl.u32 s19, $0x2;
	v1 =	vadd.s32 s18, v0  }
0x1c: {  	s19 =	simm.s32 $0x3;
	s23 =	sor.u32 s21, s23;
	s21 =	simm.s32 $0x0  }
0x1d: {  	p1 =	por $0x1, $0x1;
	s17 =	simm.s32 $0x20;
	s18 =	simm.s32 $0x0  }
.LBB2_2:
0x1e: {  	p0 =	sne.s32 s19, $0x18F;
	s22 =	smov.u32 @p1 s17  }
0x1f: {  	p2 =	sgt.u32 s20, $0xC7;
	[tilespmem:s23+$0x1900] =	vst v2;
	s20 =	sshrl.u32 s22, $0x1;
	s22 =	simm.s32 $0xC80  }
0x20: {  	s23 =	smov.u32 s16;
	v2 =	vld.idx.msk [tilespmem:v1+s21+$0x0], $0xffff;
	s22 =	simm.s32 @!p2 $0x0  }
.Ltmp0:
0x21: {  	s16 =	smov.u32 s17;
	s20 =	sadd.s32 s22, s20;
	(pc) =	sbr.rel @p0 .LBB2_2-.Ltmp0, $4  }
0x22: {  	s18 =	sadd.s32 $0x40, s18;
	v1 =	vadd.s32 s20, v0;
	s20 =	smov.u32 s19  }
0x23: {  	s17 =	sadd.s32 $0x10, s17;
	s21 =	simm.s32 $0x0;
	s22 =	sand.u32 $0x7E00, s18  }
0x24: {  	p1 =	slt.u32 s19, $0xC8;
	s23 =	sand.u32 $0x70, s23;
	s24 =	sshrl.u32 s22, $0x2  }
0x25: {  	s22 =	sadd.s32 $0xFFFFF380, s17;
	s19 =	sadd.s32 $0x1, s19;
	s23 =	sor.u32 s23, s24  }
0x26: {  	_ =	sdelay $0x1  }
0x27: {  	p0 =	sgt.u32 s20, $0xC7;
	s22 =	smov.u32 @p1 s17;
	s19 =	simm.s32 $0xC80  }
0x28: {  	[tilespmem:s23+$0x1900] =	vst v2;
	s26 =	sshrl.u32 s22, $0x1;
	s19 =	simm.s32 @!p0 $0x0  }
0x29: {  	v1 =	vld.idx.msk [tilespmem:v1+s21+$0x0], $0xffff;
	s19 =	sadd.s32 s19, s26  }
0x2a: {  	s18 =	sadd.s32 $0x40, s18;
	v2 =	vadd.s32 s19, v0  }
0x2b: {  	s28 =	sand.u32 $0x7E00, s18  }
0x2c: {  	s16 =	sand.u32 $0x70, s16;
	s19 =	sshrl.u32 s28, $0x2  }
0x2d: {  	s16 =	sor.u32 s16, s19  }
0x2e: {  	s29 =	simm.s32 $0x0;
	[tilespmem:s16+$0x1900] =	vst v1  }
0x2f: {  	p1 =	por $0x1, $0x1;
	v1 =	vld.idx.msk [tilespmem:v2+s29+$0x0], $0xffff  }
.Ltmp1:
0x30: {  	s30 =	sadd.s32 $0x40, s18;
	(pc) =	sbr.rel @!p1 .LBB2_6-.Ltmp1, $4  }
0x31: {  	s16 =	sand.u32 $0x7E00, s30  }
0x32: {  	s31 =	sand.u32 $0x70, s17;
	s16 =	sshrl.u32 s16, $0x2  }
0x33: {  	s16 =	sor.u32 s31, s16  }
0x34: {  	s17 =	simm.s32 $0x0;
	p0 =	por $0x0, $0x0;
	[tilespmem:s16+$0x1900] =	vst v1;
	s16 =	smov.u32 s6  }
0x35: {  	s16 =	simm.s32 $0x1900  }
0x36: {  	[tilespmem:s9], [sflag:$0x1] =	stream.indirect.gather [hbm4b:s3+s8], $0x40, s16, s8, $0xb8;
	[tilespmem:$0xD200] =	vst v63  }
0x37: {  	s28 =	simm.s32 $0x1980  }
0x38: {  	[tilespmem:s10], [sflag:$0x1] =	stream.indirect.gather [hbm4b:s3+s8], $0x40, s28, s8, $0xb8;
	[tilespmem:$0xD200] =	vst v63  }
0x39: {  	s29 =	simm.s32 $0x1A00  }
0x3a: {  	[tilespmem:s11], [sflag:$0x1] =	stream.indirect.gather [hbm4b:s3+s8], $0x40, s29, s8, $0xb8;
	[tilespmem:$0xD200] =	vst v63  }
0x3b: {  	s30 =	simm.s32 $0x1A80  }
0x3c: {  	[tilespmem:s12], [sflag:$0x1] =	stream.indirect.gather [hbm4b:s3+s8], $0x40, s30, s8, $0xb8;
	[tilespmem:$0xD200] =	vst v63  }
0x3d: {  	s31 =	simm.s32 $0x1B00  }
0x3e: {  	[tilespmem:s13], [sflag:$0x1] =	stream.indirect.gather [hbm4b:s3+s8], $0x40, s31, s8, $0xb8;
	[tilespmem:$0xD200] =	vst v63  }
0x3f: {  	_ =	swait.ge [sflag:s14], $0x2000  }
0x40: {  	[sflag:s14] =	ssyncset.done $0x0  }
0x41: {  	[sflag:s14] =	ssyncadd.s32 $0xFFFFE000  }
0x42: {  	_ =	swait.ge [sflag:s14], $0x2000  }
0x43: {  	[sflag:s14] =	ssyncset.done $0x0  }
0x44: {  	[sflag:s14] =	ssyncadd.s32 $0xFFFFE000  }
0x45: {  	_ =	swait.ge [sflag:s14], $0x2000  }
0x46: {  	[sflag:s14] =	ssyncset.done $0x0  }
0x47: {  	[sflag:s14] =	ssyncadd.s32 $0xFFFFE000  }
0x48: {  	_ =	swait.ge [sflag:s14], $0x2000  }
0x49: {  	[sflag:s14] =	ssyncset.done $0x0  }
0x4a: {  	[sflag:s14] =	ssyncadd.s32 $0xFFFFE000  }
0x4b: {  	p1 =	por $0x1, $0x1;
	_ =	swait.ge [sflag:s14], $0x2000  }
.Ltmp2:
0x4c: {  	[sflag:s14] =	ssyncset.done $0x0;
	(pc) =	sbr.rel @!p1 .LBB2_6-.Ltmp2, $4  }
0x4d: {  	[sflag:s14] =	ssyncadd.s32 $0xFFFFE000  }
0x4e: {  	[hbm4b:s6+s2] =	stream.linear.scatter [tilespmem:s9], [sflag:$0x2], $0xA000, $0x38;
	[tilespmem:$0xD200] =	vst v63  }
0x4f: {  	s18 =	simm.s32 $0x1400;
	s17 =	simm.s32 $0x280;
	_ =	swait.ge [sflag:s7], $0xA000  }
0x50: {  	p0 =	por $0x1, $0x1;
	s16 =	sadd.s32 $0x1400, s6;
	[sflag:s7] =	ssyncset.done $0x0  }
.LBB2_5:
0x51: {  	s19 =	sadd.s32 $0x1900, s17  }
0x52: {  	[sflag:s7] =	ssyncadd.s32 $0xFFFF6000;
	s20 =	smov.u32 s18;
	s21 =	sadd.s32 $0xA00, s18  }
0x53: {  	[tilespmem:s9], [sflag:$0x1] =	stream.indirect.gather [hbm4b:s3+s8], $0x40, s19, s8, $0xb8;
	[tilespmem:$0xD200] =	vst v63  }
0x54: {  	p1 =	sne.s32 s18, $0x5A00;
	s18 =	sadd.s32 $0x1980, s17  }
0x55: {  	[tilespmem:s10], [sflag:$0x1] =	stream.indirect.gather [hbm4b:s3+s8], $0x40, s18, s8, $0xb8;
	[tilespmem:$0xD200] =	vst v63  }
0x56: {  	s18 =	sadd.s32 $0x1A00, s17  }
0x57: {  	[tilespmem:s11], [sflag:$0x1] =	stream.indirect.gather [hbm4b:s3+s8], $0x40, s18, s8, $0xb8;
	[tilespmem:$0xD200] =	vst v63  }
0x58: {  	s18 =	sadd.s32 $0x1A80, s17  }
0x59: {  	[tilespmem:s12], [sflag:$0x1] =	stream.indirect.gather [hbm4b:s3+s8], $0x40, s18, s8, $0xb8;
	[tilespmem:$0xD200] =	vst v63  }
0x5a: {  	s17 =	sadd.s32 $0x1B00, s17  }
0x5b: {  	[tilespmem:s13], [sflag:$0x1] =	stream.indirect.gather [hbm4b:s3+s8], $0x40, s17, s8, $0xb8;
	[tilespmem:$0xD200] =	vst v63  }
0x5c: {  	_ =	swait.ge [sflag:s14], $0x2000  }
0x5d: {  	[sflag:s14] =	ssyncset.done $0x0  }
0x5e: {  	[sflag:s14] =	ssyncadd.s32 $0xFFFFE000  }
0x5f: {  	_ =	swait.ge [sflag:s14], $0x2000  }
0x60: {  	[sflag:s14] =	ssyncset.done $0x0  }
0x61: {  	[sflag:s14] =	ssyncadd.s32 $0xFFFFE000  }
0x62: {  	_ =	swait.ge [sflag:s14], $0x2000  }
0x63: {  	[sflag:s14] =	ssyncset.done $0x0  }
0x64: {  	[sflag:s14] =	ssyncadd.s32 $0xFFFFE000  }
0x65: {  	_ =	swait.ge [sflag:s14], $0x2000  }
0x66: {  	[sflag:s14] =	ssyncset.done $0x0  }
0x67: {  	[sflag:s14] =	ssyncadd.s32 $0xFFFFE000  }
0x68: {  	_ =	swait.ge [sflag:s14], $0x2000  }
.Ltmp3:
0x69: {  	[sflag:s14] =	ssyncset.done $0x0;
	(pc) =	sbr.rel @p1 .LBB2_5-.Ltmp3, $4  }
0x6a: {  	[sflag:s14] =	ssyncadd.s32 $0xFFFFE000  }
0x6b: {  	[hbm4b:s16+s2] =	stream.linear.scatter [tilespmem:s9], [sflag:$0x2], $0xA000, $0x38;
	[tilespmem:$0xD200] =	vst v63  }
0x6c: {  	s18 =	smov.u32 s21;
	_ =	swait.ge [sflag:s7], $0xA000  }
0x6d: {  	s17 =	sshra.s32 s20, $0x2;
	s16 =	sadd.s32 $0x1400, s16;
	[sflag:s7] =	ssyncset.done $0x0  }
.LBB2_6:
0x6e: {  	s18 =	sadd.s32 $0x1900, s17;
	[sflag:s7] =	ssyncadd.s32 @p0 $0xFFFF6000  }
0x6f: {  	[tilespmem:s9], [sflag:$0x1] =	stream.indirect.gather [hbm4b:s3+s8], $0x40, s18, s8, $0xb8;
	[tilespmem:$0xD200] =	vst v63  }
0x70: {  	s28 =	sadd.s32 $0x1980, s17  }
0x71: {  	[tilespmem:s10], [sflag:$0x1] =	stream.indirect.gather [hbm4b:s3+s8], $0x40, s28, s8, $0xb8;
	[tilespmem:$0xD200] =	vst v63  }
0x72: {  	s29 =	sadd.s32 $0x1A00, s17  }
0x73: {  	[tilespmem:s11], [sflag:$0x1] =	stream.indirect.gather [hbm4b:s3+s8], $0x40, s29, s8, $0xb8;
	[tilespmem:$0xD200] =	vst v63  }
0x74: {  	s30 =	sadd.s32 $0x1A80, s17  }
0x75: {  	[tilespmem:s12], [sflag:$0x1] =	stream.indirect.gather [hbm4b:s3+s8], $0x40, s30, s8, $0xb8;
	[tilespmem:$0xD200] =	vst v63  }
0x76: {  	s31 =	sadd.s32 $0x1B00, s17  }
0x77: {  	[tilespmem:s13], [sflag:$0x1] =	stream.indirect.gather [hbm4b:s3+s8], $0x40, s31, s8, $0xb8;
	[tilespmem:$0xD200] =	vst v63  }
0x78: {  	_ =	swait.ge [sflag:s14], $0x2000  }
0x79: {  	[sflag:s14] =	ssyncset.done $0x0  }
0x7a: {  	[sflag:s14] =	ssyncadd.s32 $0xFFFFE000  }
0x7b: {  	_ =	swait.ge [sflag:s14], $0x2000  }
0x7c: {  	[sflag:s14] =	ssyncset.done $0x0  }
0x7d: {  	[sflag:s14] =	ssyncadd.s32 $0xFFFFE000  }
0x7e: {  	_ =	swait.ge [sflag:s14], $0x2000  }
0x7f: {  	[sflag:s14] =	ssyncset.done $0x0  }
0x80: {  	[sflag:s14] =	ssyncadd.s32 $0xFFFFE000  }
0x81: {  	_ =	swait.ge [sflag:s14], $0x2000  }
0x82: {  	[sflag:s14] =	ssyncset.done $0x0  }
0x83: {  	[sflag:s14] =	ssyncadd.s32 $0xFFFFE000  }
0x84: {  	s15 =	sadd.s32 $0x1, s15;
	_ =	swait.ge [sflag:s14], $0x2000  }
0x85: {  	p0 =	sne.s32 s15, s5;
	[sflag:s14] =	ssyncset.done $0x0  }
.Ltmp4:
0x86: {  	[sflag:s14] =	ssyncadd.s32 $0xFFFFE000;
	(pc) =	sbr.rel @p0 .LBB2_1-.Ltmp4, $4  }
0x87: {  	[hbm4b:s16+s2] =	stream.linear.scatter [tilespmem:s9], [sflag:$0x2], $0xA000, $0x38;
	[tilespmem:$0xD200] =	vst v63  }
0x88: {  	_ =	swait.ge [sflag:s7], $0xA000  }
0x89: {  	[sflag:s7] =	ssyncset.done $0x0  }
0x8a: {  	[sflag:s7] =	ssyncadd.s32 $0xFFFF6000  }
0x8b: {  	_ =	sfence.sel $0x180000  }
0x8c: {  	[bflag:$0x0] =	sbarrier.arrive $0xFFFF  }
0x8d: {  	p0 =	sne.s32 s0, $0x0;
	_ =	strace $0x90000050  }
0x8e: {  	s0 =	sadd.s32 @!p0 $0x100000, s1;
	[bflag:$0x2] =	sbarrier.arrive $0xFFFF  }
0x8f: {  	[sflag:s0] =	ssyncadd.tile.s32 @!p0 $0x1;
	_ =	shalt  }
.Lfunc_end2:
_tile_overlayer_lowered:
.L_overlay_start_2:
0x90: {  	(tag) =	ssettag $0x2  }
0x91: {  	s0 =	rddreg [dreg:$0x0];
	s2 =	stileid.u32  }
0x92: {  	s1 =	rddreg [dreg:$0x1];
	p0 =	sne.s32 s2, $0x0  }
0x93: {  	s3 =	rddreg [dreg:$0x2];
	[bflag:$0x3] =	sbarrier.arrive $0xFFFF;
	s2 =	simm.s32 @!p0 $0x1C02  }
0x94: {  	[timem:s3], [sflag:s2] =	dma.local @!p0 [hbm:s0], s1  }
0x95: {  	s0 =	simm.s32 @!p0 $0x2  }
0x96: {  	_ =	swait.ge @!p0 [sflag:s0], s1  }
0x97: {  	s1 =	ssub.s32 @!p0 $0x0, s1;
	[sflag:s0] =	ssyncset.done @!p0 $0x0  }
0x98: {  	[sflag:s0] =	ssyncadd.s32 @!p0 s1  }
0x99: {  	[bflag:$0x3] =	sbarrier.arrive $0xFFFF  }
0x9a: {  	_ =	shalt  }

// kernel: sparse-core-data-format-call.cloned.1.call-start
scs
called_computation_lowered:
.L_overlay_start_0:
0x0: {  	s2 =	sld [smem:$0x3FD9]  }
0x1: {  	s3 =	sld [smem:$0x3FFE];
	_ =	sdelay $0x1  }
0x2: {  	s1 =	srdreg.scid  }
0x3: {  	s0 =	sand.u32 $0x1, s1  }
0x4: {  	s18 =	sshll.u32 s0, $0xA;
	s2 =	sadd.s32 s3, s2  }
0x5: {  	s2 =	sadd.s32 s2, s18  }
0x6: {  	[smem:$0x3FBD] =	sst s2  }
0x7: {  	_ = 	snop  }
0x8: {  	s2 =	sld [smem:$0x3FD0];
	(tm) =	ssettm $0x1  }
0x9: {  	s19 =	sld [smem:$0x3FFB];
	_ =	sdelay $0x3  }
0xa: {  	_ =	strace s19  }
0xb: {  	s3 =	sld [smem:$0x3FFC];
	_ =	sdelay $0x3  }
0xc: {  	_ =	strace s3  }
0xd: {  	s3 =	sld [smem:$0x3FFD];
	_ =	sdelay $0x3  }
0xe: {  	_ =	strace s3  }
0xf: {  	_ =	strace $0x8FFFFFFF  }
0x10: {  	s20 =	sld [smem:$0x3FDB];
	_ =	sdelay $0x1  }
0x11: {  	s4 =	simm.s32 $_scs_section_size  }
0x12: {  	s5 =	simm.s32 $_size__tile_overlayer_lowered;
	s6 =	simm.s32 $_tile_overlayer_lowered  }
0x13: {  	s23 =	simm.s32 $0x1BFF;
	s22 =	sshll.u32 s6, $0x1;
	s3 =	sadd.s32 s4, s20  }
0x14: {  	s7 =	simm.s32 $0x0;
	s21 =	sshll.u32 s5, $0x1;
	s5 =	sadd.s32 s22, s3  }
0x15: {  	[timem:s7], [sflag:s23] =	dma.local [hbm:s5], s21  }
0x16: {  	_ =	swait.ge [sflag:s23], s21  }
0x17: {  	s4 =	ssub.s32 $0x0, s21;
	[sflag:s23] =	ssyncset.done $0x0  }
0x18: {  	[sflag:s23] =	ssyncadd.s32 s4;
	_ =	sdelay $0x1  }
0x19: {  	s24 =	simm.s32 $0x1B8B  }
0x1a: {  	_ =	swait.ge [sflag:s24], $0x1  }
0x1b: {  	[sflag:s24] =	ssyncset.done $0x0  }
0x1c: {  	s26 =	simm.s32 $0x1B8E;
	s25 =	sld [smem:$0x3FFE];
	[sflag:s24] =	ssyncadd.s32 $0xFFFFFFFF  }
0x1d: {  	s27 =	simm.s32 $execute0_lowered;
	[smem:$0x3FD2] =	sst s26  }
0x1e: {  	s5 =	sshll.u32 s27, $0x1;
	_ =	strace $0x80000052;
	[dreg:$0x1] =	wrdreg $0xFFFFFFFF  }
0x1f: {  	s28 =	simm.s32 $_size_execute0_lowered;
	s3 =	sadd.s32 s3, s5;
	[dreg:$0x0] =	wrdreg $0x0  }
0x20: {  	s5 =	sshll.u32 s28, $0x1;
	[dreg:$0x2] =	wrdreg s3  }
0x21: {  	[dreg:$0x3] =	wrdreg s5  }
0x22: {  	[dreg:$0x4] =	wrdreg $0xC0  }
0x23: {  	_ =	task [dreg:s7], $0x5FFFF  }
0x24: {  	[dreg:$0x1] =	wrdreg $0xFFFFFFFF  }
0x25: {  	[dreg:$0x0] =	wrdreg $0x60  }
0x26: {  	[dreg:$0x2] =	wrdreg s25  }
0x27: {  	[dreg:$0x3] =	wrdreg s2  }
0x28: {  	[dreg:$0x4] =	wrdreg $0x9  }
0x29: {  	_ =	task.clear_ibuf [dreg:s7], $0x5FFFF;
	_ =	strace $0x90000052  }
0x2a: {  	s29 =	simm.s32 $0x9;
	_ =	strace $0x80000054  }
0x2b: {  	_ =	swait.ge [sflag:s29], $0x1  }
0x2c: {  	[sflag:s29] =	ssyncadd.s32 $0xFFFFFFFF  }
0x2d: {  	_ =	strace $0x90000054  }
0x2e: {  	_ =	sfence  }
0x2f: {  	s30 =	sld [smem:$0x0];
	_ =	sdelay $0x2  }
0x30: {  	s31 =	sshll.u32 s1, $0xD;
	s1 =	sshrl.u32 s1, $0x2  }
0x31: {  	s3 =	sand.u32 $0x4000, s31;
	s1 =	sadd.s32 s1, s30  }
0x32: {  	s0 =	sor.u32 s3, s0;
	s1 =	sshll.u32 s1, $0x11  }
0x33: {  	s0 =	sor.u32 s1, s0  }
0x34: {  	s0 =	sadd.s32 $0x8F2B, s0  }
0x35: {  	[sflag:s0] =	ssyncadd.remote.s32 $0x1  }
0x36: {  	_ =	sfence.sel $0xFFFF  }
0x37: {  	[dreg:$0x0] =	wrdreg $0xFFFFFFFF;
	(pc) =	sbr.abs _section_cstart, $3  }
0x38: {  	[dreg:$0x1] =	wrdreg $0xFFFFFFFF  }
0x39: {  	_ =	task.clear_ibuf [dreg:s7], $0x2FFFF;
	_ =	strace $0x9FFFFFFF  }
0x3a: {  	(tm) =	ssettm $0x7FFFFFFF  }
0x3b: {  	_ =	shalt  }
tec
execute0_lowered:
.L_overlay_start_1:
0x0: {  	(tag) =	ssettag $0x1  }
0x1: {  	s0 =	srdreg.scid  }
0x2: {  	s1 =	sshll.u32 s0, $0x4  }
0x3: {  	s0 =	stileid.u32;
	s1 =	sand.u32 $0x10, s1  }
0x4: {  	s1 =	sor.u32 s0, s1  }
0x5: {  	s6 =	rddreg [dreg:$0x0];
	s4 =	simm.s32 $0x1;
	s2 =	sshll.u32 s1, $0x7  }
0x6: {  	s7 =	simm.s32 $0x2;
	s12 =	simm.s32 $0x0;
	s1 =	ssub.s32 $0x1000, s2  }
0x7: {  	s8 =	simm.s32 $0x8000;
	s13 =	simm.s32 $0x0;
	s3 =	sand.u32 $0xF80, s1  }
0x8: {  	s9 =	simm.s32 $0x0;
	s5 =	sshrl.u32 s1, $0xC;
	p0 =	sne.s32 s3, $0x0  }
.Ltmp0:
0x9: {  	s1 =	rddreg [dreg:$0x2];
	s4 =	simm.s32 @!p0 $0x0;
	(pc) =	sbr.rel .LBB1_1-.Ltmp0, $4  }
0xa: {  	s11 =	simm.s32 $0x0;
	s3 =	rddreg [dreg:$0x1];
	s5 =	sadd.s32 s4, s5  }
0xb: {  	_ =	strace $0x80000053;
	s4 =	simm.s32 $0x1;
	s5 =	smul.u32 $0xC8, s5  }
0xc: {  	s6 =	sadd.s32 $0x16EC800, s6;
	s10 =	smov.u32 s2;
	[sflag:s4] =	ssyncpa.u1 $0x0  }
0xd: {  	p0 =	por $0x0, $0x0;
	[sflag:s7] =	ssyncpa.u1 $0x0;
	s7 =	sor.u32 $0x1, s5  }
.LBB1_4:
0xe: {  	s16 =	sshll.u32 s13, $0x3;
	s17 =	sand.u32 $0x78, s13  }
0xf: {  	s30 =	sand.u32 $0x7E00, s13;
	s12 =	sshll.u32 s12, $0xF;
	s16 =	sand.u32 $0xC00, s16  }
0x10: {  	[tilespmem:s15+$0x810 ss:$0x81] =	vst.msk $0xffff, v2;
	s31 =	sand.u32 $0x7, s13;
	s16 =	sor.u32 s17, s16;
	s17 =	sadd.s32 s3, s30  }
0x11: {  	[tilespmem:s15+$0x1020 ss:$0x81] =	vst.msk $0xffff, v0;
	s13 =	sshll.u32 s31, $0x12;
	s12 =	sadd.s32 s12, s17;
	s16 =	sshrl.u32 s16, $0x3  }
0x12: {  	[tilespmem:s15+$0x0 ss:$0x81] =	vst.msk $0xffff, v1;
	s13 =	sor.u32 $0x400, s13;
	s12 =	sadd.s32 s16, s12  }
0x13: {  	[hbm4b:s12+s13] =	stream.strided.scatter [tilespmem:s14], [sflag:$0x2], $0x2000, s8, s13, $0x20;
	[tilespmem:$0x8080] =	vst v63  }
.LBB1_5:
0x14: {  	s14 =	sadd.s32 $0x1, s9  }
0x15: {  	s12 =	sadd.s32 $0x1000, s10;
	s16 =	smov.u32 s10;
	p2 =	sgt.s32 s14, $0xC7  }
0x16: {  	s16 =	smov.u32 @p2 s12  }
0x17: {  	s14 =	simm.s32 @p2 $0x0;
	p2 =	sgt.s32 s16, $0xFFF  }
0x18: {  	s16 =	smov.u32 @p2 s2;
	p2 =	sne.s32 s11, s7  }
.Ltmp1:
0x19: {  	p1 =	slt.u32 s11, $0x2;
	(pc) =	sbr.rel @!p2 .LBB1_6-.Ltmp1, $4  }
0x1a: {  	s15 =	simm.s32 @!p1 $0x2  }
0x1b: {  	s13 =	smov.u32 s10;
	p0 =	por !p0, !p0;
	_ =	swait.ge @!p1 [sflag:s15], $0x2000  }
0x1c: {  	s12 =	smov.u32 s9;
	[sflag:s15] =	ssyncset.done @!p1 $0x0;
	s9 =	smov.u32 s14  }
0x1d: {  	s11 =	sadd.s32 $0x1, s11;
	[sflag:s15] =	ssyncadd.s32 @!p1 $0xFFFFE000;
	s10 =	smov.u32 s16  }
.LBB1_1:
0x1e: {  	p1 =	sge.u32 s11, s5  }
0x1f: {  	s14 =	sand.u32 @!p1 $0x1FFFFFF, s9  }
0x20: {  	s15 =	smulhi.u32 @!p1 $0x147AE15, s14;
	_ =	sdelay $0x1  }
0x21: {  	s15 =	smul.u32 @!p1 $0xC8, s15  }
0x22: {  	s16 =	sxor.u32 @!p1 $0xFFFFFFFF, s11;
	s17 =	smul.u32 @!p1 $0xC80, s10  }
0x23: {  	s31 =	sadd.s32 $0xFFFFFFFF, s11;
	s16 =	sshll.u32 @!p1 s16, $0xD;
	s14 =	ssub.s32 @!p1 s14, s15  }
0x24: {  	s15 =	sand.u32 @!p1 $0x2000, s16;
	s16 =	sadd.s32 @!p1 s6, s17;
	s14 =	sshll.u32 @!p1 s14, $0x4  }
0x25: {  	s17 =	simm.s32 @!p1 $0x6400;
	s14 =	sadd.s32 @!p1 s14, s16;
	s16 =	simm.s32 @!p1 $0x40  }
0x26: {  	[tilespmem:s15], [sflag:$0x1] =	stream.strided.gather @!p1 [hbm4b:s14+s16], $0x2000, s17, s16, $0x38;
	[tilespmem:$0x8080] =	vst v63  }
0x27: {  	p1 =	sge.u32 s31, s5  }
.Ltmp2:
0x28: {  	_ = 	snop;
	(pc) =	sbr.rel @p1 .LBB1_5-.Ltmp2, $1  }
0x29: {  	_ =	sdelay $0x3  }
0x2a: {  	s14 =	simm.s32 $0x1  }
0x2b: {  	_ =	swait.ge [sflag:s4], $0x2000;
	s14 =	simm.s32 @!p0 $0x0  }
0x2c: {  	[sflag:s4] =	ssyncset.done $0x0;
	s15 =	sshll.u32 s14, $0xD  }
0x2d: {  	[sflag:s4] =	ssyncadd.s32 $0xFFFFE000;
	s18 =	sor.u32 $0x20, s15  }
0x2e: {  	s14 =	smul.u32 $0x8100, s14;
	v3 =	vld [tilespmem:s18+$0x10]  }
0x2f: {  	s30 =	sand.u32 $0x1, s11;
	v2 =	vld [tilespmem:s18+$0xFFFFFFF0]  }
0x30: {  	s15 =	smul.u32 $0x8100, s30;
	s14 =	sshrl.u32 s14, $0x2;
	v0 =	vld [tilespmem:s18+$0x0]  }
0x31: {  	v1 =	vld [tilespmem:s18+$0xFFFFFFE0];
	s16 =	sor.u32 $0x4000, s14  }
0x32: {  	s31 =	sshrl.u32 s15, $0x2;
	s15 =	sadd.s32 $0x0, s16  }
0x33: {  	s17 =	simm.s32 $0x4;
	s18 =	sadd.s32 $0x40, s18;
	s14 =	sor.u32 $0x4000, s31;
	[tilespmem:s15+$0x1830 ss:$0x81] =	vst.msk $0xffff, v3  }
.LBB1_3:
0x34: {  	v3 =	vld [tilespmem:s18+$0x10];
	p1 =	sne.s32 s17, $0x1FC;
	[tilespmem:s15+$0x810 ss:$0x81] =	vst.msk $0xffff, v2;
	s19 =	smov.u32 s17;
	s17 =	sadd.s32 $0x4, s17  }
.Ltmp3:
0x35: {  	v2 =	vld [tilespmem:s18+$0xFFFFFFF0];
	[tilespmem:s15+$0x1020 ss:$0x81] =	vst.msk $0xffff, v0;
	(pc) =	sbr.rel @p1 .LBB1_3-.Ltmp3, $4  }
0x36: {  	v0 =	vld [tilespmem:s18+$0x0];
	[tilespmem:s15+$0x0 ss:$0x81] =	vst.msk $0xffff, v1  }
0x37: {  	s15 =	sshra.s32 s19, $0x2;
	v1 =	vld [tilespmem:s18+$0xFFFFFFE0]  }
0x38: {  	s15 =	sadd.s32 s15, s16  }
0x39: {  	s18 =	sadd.s32 $0x40, s18;
	[tilespmem:s15+$0x1830 ss:$0x81] =	vst.msk $0xffff, v3  }
.Ltmp4:
0x3a: {  	_ = 	snop;
	(pc) =	sbr.rel .LBB1_4-.Ltmp4, $1  }
0x3b: {  	_ =	sdelay $0x3  }
.LBB1_6:
0x3c: {  	_ =	sfence.sel $0x180000  }
0x3d: {  	s2 =	simm.s32 $0x1;
	[bflag:$0x0] =	sbarrier.arrive $0xFFFF  }
0x3e: {  	s31 =	simm.s32 $0x2;
	[sflag:s2] =	ssyncpa.u1 $0x1  }
0x3f: {  	[sflag:s31] =	ssyncpa.u1 $0x1  }
0x40: {  	p0 =	sne.s32 s0, $0x0;
	_ =	strace $0x90000053  }
0x41: {  	s0 =	sadd.s32 @!p0 $0x100000, s1;
	[bflag:$0x2] =	sbarrier.arrive $0xFFFF  }
0x42: {  	[sflag:s0] =	ssyncadd.tile.s32 @!p0 $0x1;
	_ =	shalt  }
.Lfunc_end1:
_tile_overlayer_lowered:
.L_overlay_start_2:
0x43: {  	(tag) =	ssettag $0x2  }
0x44: {  	s0 =	rddreg [dreg:$0x0];
	s2 =	stileid.u32  }
0x45: {  	s1 =	rddreg [dreg:$0x1];
	p0 =	sne.s32 s2, $0x0  }
0x46: {  	s3 =	rddreg [dreg:$0x2];
	[bflag:$0x3] =	sbarrier.arrive $0xFFFF;
	s2 =	simm.s32 @!p0 $0x1C01  }
0x47: {  	[timem:s3], [sflag:s2] =	dma.local @!p0 [hbm:s0], s1  }
0x48: {  	s0 =	simm.s32 @!p0 $0x1  }
0x49: {  	_ =	swait.ge @!p0 [sflag:s0], s1  }
0x4a: {  	s1 =	ssub.s32 @!p0 $0x0, s1;
	[sflag:s0] =	ssyncset.done @!p0 $0x0  }
0x4b: {  	[sflag:s0] =	ssyncadd.s32 @!p0 s1  }
0x4c: {  	[bflag:$0x3] =	sbarrier.arrive $0xFFFF  }
0x4d: {  	_ =	shalt  }

</sc_bundles>
